<compile_context>
chip_gen: v7x
topology: tpu7x:2x2x1
jax: 0.10.2.dev20260603
libtpu: 0.0.44.dev20260713+nightly
codegen_flags: <defaults>
</compile_context>

<pallas_src>
import functools

import jax
import jax.numpy as jnp
from jax import lax
from jax.experimental import pallas as pl
from jax.experimental.pallas import tpu as pltpu
from jax.experimental.pallas import tpu_sc as plsc

N = 10000
E = 320000
D = 128
D_OUT = 64

NS = 16
EPS = E // NS
K = 128
FULL = EPS // K
TAIL = EPS - FULL * K
RPT = 624
RTL = N - RPT * NS

R = 2000
GRID = N // R



def _seg_body(with_counts, tab_on, e_on, tab_vo, e_vo, zeros, *rest):
    nslots = 2 if with_counts else 3
    out_on, out_vo = rest[0], rest[1]
    rest = rest[2:]
    if with_counts:
        out_cnt, rest = rest[0], rest[1:]
    srcb = rest[:nslots]; rest = rest[nslots:]
    dstb = rest[:nslots]; rest = rest[nslots:]
    rows = rest[:nslots]; rest = rest[nslots:]
    src_tb, dst_tb = rest[0], rest[1]; rest = rest[2:]
    if with_counts:
        cntloc, rest = rest[0], rest[1:]
    acc = rest[0]; rest = rest[1:]
    isem = rest[:nslots]; rest = rest[nslots:]
    gsem = rest[:nslots]; rest = rest[nslots:]
    ssem = rest[:nslots]; rest = rest[nslots:]
    c = lax.axis_index("c")
    s = lax.axis_index("s")

    pltpu.sync_copy(zeros.at[pl.ds(s * RPT, RPT)], acc.at[pl.ds(s * RPT, RPT)])

    @pl.when(s == NS - 1)
    def _():
        pltpu.sync_copy(zeros.at[pl.ds(RPT * NS, RTL)],
                        acc.at[pl.ds(RPT * NS, RTL)])

    if with_counts:
        def zbody(i, carry):
            cntloc[pl.ds(pl.multiple_of(i * 16, 16), 16)] = \
                jnp.zeros((16,), jnp.float32)
            return carry
        lax.fori_loop(0, N // 16, zbody, 0)

    plsc.subcore_barrier()

    def count_chunk(db, n):
        if not with_counts:
            return
        ones = jnp.ones((16,), jnp.float32)
        for u in range(n // 16):
            idx = db[pl.ds(u * 16, 16)]
            plsc.addupdate_scatter(cntloc, [idx], ones)

    def run(tab, eref, outref):
        base = s * EPS

        def load_idx(i, sb, db, sem):
            off = pl.multiple_of(base + i * K, 8)
            pltpu.async_copy(eref.at[pl.ds(off, K)], sb, sem)
            pltpu.async_copy(eref.at[pl.ds(E + off, K)], db, sem)
            pltpu.make_async_copy(eref.at[pl.ds(off, K)], sb, sem).wait()
            pltpu.make_async_copy(eref.at[pl.ds(E + off, K)], db, sem).wait()
            count_chunk(db, K)

        def start_gather(sb, rows, sem):
            pltpu.async_copy(tab.at[sb], rows, sem)

        def wait_gather(sb, rows, sem):
            pltpu.make_async_copy(tab.at[sb], rows, sem).wait()

        def start_scat(db, rows, sem):
            pltpu.async_copy(rows, acc.at[db], sem, add=True)

        def wait_scat(db, rows, sem):
            pltpu.make_async_copy(rows, acc.at[db], sem).wait()

        if nslots == 2:
            PAIRS = FULL // 2

            load_idx(0, srcb[0], dstb[0], isem[0])
            start_gather(srcb[0], rows[0], gsem[0])

            def pair(j, carry):
                c0 = j * 2

                @pl.when(j > 0)
                def _():
                    wait_scat(dstb[1], rows[1], ssem[1])

                load_idx(c0 + 1, srcb[1], dstb[1], isem[1])
                start_gather(srcb[1], rows[1], gsem[1])

                wait_gather(srcb[0], rows[0], gsem[0])
                start_scat(dstb[0], rows[0], ssem[0])
                wait_scat(dstb[0], rows[0], ssem[0])

                @pl.when(j < PAIRS - 1)
                def _():
                    load_idx(c0 + 2, srcb[0], dstb[0], isem[0])
                    start_gather(srcb[0], rows[0], gsem[0])

                wait_gather(srcb[1], rows[1], gsem[1])
                start_scat(dstb[1], rows[1], ssem[1])
                return carry

            lax.fori_loop(0, PAIRS, pair, 0)
            last_s, last_d = ssem[1], dstb[1]
            last_r = rows[1]
        else:
            TRIPS = FULL // 3

            load_idx(0, srcb[0], dstb[0], isem[0])
            start_gather(srcb[0], rows[0], gsem[0])
            load_idx(1, srcb[1], dstb[1], isem[1])

            def trip(j, carry):
                c0 = j * 3

                start_gather(srcb[1], rows[1], gsem[1])

                @pl.when(j > 0)
                def _():
                    wait_scat(dstb[2], rows[2], ssem[2])

                load_idx(c0 + 2, srcb[2], dstb[2], isem[2])
                wait_gather(srcb[0], rows[0], gsem[0])
                start_scat(dstb[0], rows[0], ssem[0])
                start_gather(srcb[2], rows[2], gsem[2])
                wait_scat(dstb[0], rows[0], ssem[0])

                @pl.when(j < TRIPS - 1)
                def _():
                    load_idx(c0 + 3, srcb[0], dstb[0], isem[0])
                    start_gather(srcb[0], rows[0], gsem[0])

                wait_gather(srcb[1], rows[1], gsem[1])
                start_scat(dstb[1], rows[1], ssem[1])
                wait_scat(dstb[1], rows[1], ssem[1])

                @pl.when(j < TRIPS - 1)
                def _():
                    load_idx(c0 + 4, srcb[1], dstb[1], isem[1])

                wait_gather(srcb[2], rows[2], gsem[2])
                start_scat(dstb[2], rows[2], ssem[2])
                return carry

            lax.fori_loop(0, TRIPS, trip, 0)
            last_s, last_d = ssem[2], dstb[2]
            last_r = rows[2]

        toff = pl.multiple_of(base + FULL * K, 8)
        pltpu.sync_copy(eref.at[pl.ds(toff, TAIL)], src_tb)
        pltpu.sync_copy(eref.at[pl.ds(E + toff, TAIL)], dst_tb)
        count_chunk(dst_tb, TAIL)
        rows_t = rows[0].at[pl.ds(0, TAIL)]
        pltpu.async_copy(tab.at[src_tb], rows_t, gsem[0]).wait()
        pltpu.async_copy(rows_t, acc.at[dst_tb], ssem[0], add=True).wait()
        wait_scat(last_d, last_r, last_s)

        plsc.subcore_barrier()
        pltpu.sync_copy(acc.at[pl.ds(s * RPT, RPT)],
                        outref.at[pl.ds(s * RPT, RPT)])

        @pl.when(s == NS - 1)
        def _():
            pltpu.sync_copy(acc.at[pl.ds(RPT * NS, RTL)],
                            outref.at[pl.ds(RPT * NS, RTL)])

        if with_counts:
            pltpu.sync_copy(cntloc, out_cnt.at[c, s])

    @pl.when(c == 0)
    def _():
        run(tab_on, e_on, out_on)

    @pl.when(c == 1)
    def _():
        run(tab_vo, e_vo, out_vo)


@functools.cache
def _seg_call(with_counts):
    nslots = 2 if with_counts else 3
    out_type = [jax.ShapeDtypeStruct((N, D), jnp.float32),
                jax.ShapeDtypeStruct((N, D), jnp.float32)]
    if with_counts:
        out_type = out_type + [jax.ShapeDtypeStruct((2, NS, N), jnp.float32)]
    scratch = ([pltpu.VMEM((K,), jnp.int32)] * (2 * nslots) +
               [pltpu.VMEM((K, D), jnp.float32)] * nslots +
               [pltpu.VMEM((TAIL,), jnp.int32)] * 2)
    if with_counts:
        scratch = scratch + [pltpu.VMEM((N,), jnp.float32)]
    scratch = (scratch +
               [pltpu.VMEM_SHARED((N, D), jnp.float32)] +
               [pltpu.SemaphoreType.DMA] * (3 * nslots))
    return pl.kernel(
        functools.partial(_seg_body, with_counts),
        out_type=out_type,
        mesh=plsc.VectorSubcoreMesh(core_axis_name="c", subcore_axis_name="s",
                                    num_cores=2, num_subcores=NS),
        compiler_params=pltpu.CompilerParams(needs_layout_passes=False),
        scratch_types=scratch,
    )



def _matT(a, w):
    return lax.dot_general(a, w, (((1,), (1,)), ((), ())),
                           preferred_element_type=jnp.float32)


def _recips(cnt_blk):
    cnt_on = jnp.sum(cnt_blk[:, :NS], axis=1, keepdims=True)
    cnt_vo = jnp.sum(cnt_blk[:, NS:], axis=1, keepdims=True)
    return (1.0 / jnp.maximum(cnt_on, 1.0), 1.0 / jnp.maximum(cnt_vo, 1.0))


def _proj_body(x_ref, won_ref, bon_ref, wvo_ref, bvo_ref, hon_ref, hvo_ref):
    xb = x_ref[...]
    hon_ref[...] = jnp.maximum(_matT(xb, won_ref[...]) + bon_ref[...], 0.0)
    hvo_ref[...] = jnp.maximum(_matT(xb, wvo_ref[...]) + bvo_ref[...], 0.0)


def _sage_out(seg, recip, xb, wl, bl, wr):
    o = _matT(seg * recip, wl) + bl + _matT(xb, wr)
    nrm = jnp.sqrt(jnp.sum(o * o, axis=-1, keepdims=True))
    return o / jnp.maximum(nrm, 1e-12)


def _combine1_body(son_ref, svo_ref, cnt_ref, x_ref,
                   wlon_ref, blon_ref, wron_ref,
                   wlvo_ref, blvo_ref, wrvo_ref,
                   g_ref, b_ref, h_ref):
    xb = x_ref[...]
    rec_on, rec_vo = _recips(cnt_ref[...])
    o_on = _sage_out(son_ref[...], rec_on, xb,
                     wlon_ref[...], blon_ref[...], wron_ref[...])
    o_vo = _sage_out(svo_ref[...], rec_vo, xb,
                     wlvo_ref[...], blvo_ref[...], wrvo_ref[...])
    h = jnp.maximum((o_on + o_vo) * 0.5, 0.0)
    mu = jnp.mean(h, axis=-1, keepdims=True)
    var = jnp.mean((h - mu) ** 2, axis=-1, keepdims=True)
    h_ref[...] = (h - mu) / jnp.sqrt(var + 1e-5) * g_ref[...] + b_ref[...]


def _combine2_body(son_ref, svo_ref, cnt_ref, h_ref,
                   wlon_ref, blon_ref, wron_ref,
                   wlvo_ref, blvo_ref, wrvo_ref,
                   w1_ref, b1_ref, w2_ref, b2_ref, out_ref):
    hb = h_ref[...]
    rec_on, rec_vo = _recips(cnt_ref[...])
    o_on = (_matT(son_ref[...] * rec_on, wlon_ref[...]) + blon_ref[...]
            + _matT(hb, wron_ref[...]))
    o_vo = (_matT(svo_ref[...] * rec_vo, wlvo_ref[...]) + blvo_ref[...]
            + _matT(hb, wrvo_ref[...]))
    o2 = (o_on + o_vo) * 0.5
    m = jnp.maximum(_matT(o2, w1_ref[...]) + b1_ref[...], 0.0)
    m = m * (1.0 / jnp.sqrt(1.0 + 1e-5))
    out_ref[...] = _matT(m, w2_ref[...]) + b2_ref[...]


def _row_spec(width):
    return pl.BlockSpec((R, width), lambda i: (i, 0))


_cnt_spec = pl.BlockSpec((R, 2 * NS), lambda i: (i, 0))


def _full_spec(shape):
    return pl.BlockSpec(shape, lambda i: (0,) * len(shape))


def _tc_call(body, in_specs, out_widths):
    return pl.pallas_call(
        body,
        grid=(GRID,),
        in_specs=in_specs,
        out_specs=[_row_spec(w) for w in out_widths],
        out_shape=[jax.ShapeDtypeStruct((N, w), jnp.float32)
                   for w in out_widths],
    )


_proj_call = _tc_call(
    _proj_body,
    [_row_spec(D)] + [_full_spec(s) for s in [(D, D), (1, D), (D, D), (1, D)]],
    [D, D])

_combine1_call = _tc_call(
    _combine1_body,
    [_row_spec(D), _row_spec(D), _cnt_spec, _row_spec(D)] +
    [_full_spec(s) for s in
     [(D, D), (1, D), (D, D), (D, D), (1, D), (D, D), (1, D), (1, D)]],
    [D])

_combine2_call = _tc_call(
    _combine2_body,
    [_row_spec(D), _row_spec(D), _cnt_spec, _row_spec(D)] +
    [_full_spec(s) for s in
     [(D, D), (1, D), (D, D), (D, D), (1, D), (D, D),
      (D, D), (1, D), (D_OUT, D), (1, D_OUT)]],
    [D_OUT])


def kernel(x, edge_index_onset, edge_index_voice, Wp_on, bp_on, Wl1_on,
           bl1_on, Wr1_on, Wp_vo, bp_vo, Wl1_vo, bl1_vo, Wr1_vo, Wl2_on,
           bl2_on, Wr2_on, Wl2_vo, bl2_vo, Wr2_vo, ln_g, ln_b, W1, b1,
           W2, b2):
    zeros = jnp.zeros((N, D), jnp.float32)

    r2 = lambda v: v.reshape(1, -1)

    h_on, h_vo = _proj_call(x, Wp_on, r2(bp_on), Wp_vo, r2(bp_vo))
    e_on = edge_index_onset.reshape(2 * E)
    e_vo = edge_index_voice.reshape(2 * E)
    s_on, s_vo, cnt_p = _seg_call(True)(h_on, e_on, h_vo, e_vo, zeros)
    cnt = jnp.transpose(cnt_p.reshape(2 * NS, N), (1, 0))
    (h,) = _combine1_call(s_on, s_vo, cnt, x,
                          Wl1_on, r2(bl1_on), Wr1_on,
                          Wl1_vo, r2(bl1_vo), Wr1_vo,
                          r2(ln_g), r2(ln_b))
    s2_on, s2_vo = _seg_call(False)(h, e_on, h, e_vo, zeros)
    (out,) = _combine2_call(s2_on, s2_vo, cnt, h,
                            Wl2_on, r2(bl2_on), Wr2_on,
                            Wl2_vo, r2(bl2_vo), Wr2_vo,
                            W1, r2(b1), W2, r2(b2))
    return out

# --- scband reference (transcript-rebuilt; emitter-appended) ---
"""Pipeline reference for scband-metrical-gnn-64338610094391 (READ-ONLY COPY).

The authoritative reference and input builder live on the scoring server;
editing this copy changes nothing except your own understanding.
"""

import jax, jax.numpy as jnp
import numpy as np

N = 10000
E = 320000
D_IN = 128
D_H = 128
D_OUT = 64


def _lin(k, out_d, in_d):
    return jax.random.normal(k, (out_d, in_d), jnp.float32) / jnp.sqrt(float(in_d))


def setup_inputs(seed: int = 0) -> dict:
    key = jax.random.key(seed)
    ks = jax.random.split(key, 32)
    inp = {}
    inp["x"] = jax.random.normal(ks[0], (N, D_IN), jnp.float32)
    inp["edge_index_onset"] = jax.random.randint(ks[1], (2, E), 0, N, dtype=jnp.int32)
    inp["edge_index_voice"] = jax.random.randint(ks[2], (2, E), 0, N, dtype=jnp.int32)
    # layer 1 SAGEConv (project=True, normalize=True) per edge type
    inp["Wp_on"] = _lin(ks[3], D_IN, D_IN); inp["bp_on"] = jnp.zeros((D_IN,), jnp.float32)
    inp["Wl1_on"] = _lin(ks[4], D_H, D_IN); inp["bl1_on"] = jnp.zeros((D_H,), jnp.float32)
    inp["Wr1_on"] = _lin(ks[5], D_H, D_IN)
    inp["Wp_vo"] = _lin(ks[6], D_IN, D_IN); inp["bp_vo"] = jnp.zeros((D_IN,), jnp.float32)
    inp["Wl1_vo"] = _lin(ks[7], D_H, D_IN); inp["bl1_vo"] = jnp.zeros((D_H,), jnp.float32)
    inp["Wr1_vo"] = _lin(ks[8], D_H, D_IN)
    # layer 2 SAGEConv per edge type
    inp["Wl2_on"] = _lin(ks[9], D_H, D_H); inp["bl2_on"] = jnp.zeros((D_H,), jnp.float32)
    inp["Wr2_on"] = _lin(ks[10], D_H, D_H)
    inp["Wl2_vo"] = _lin(ks[11], D_H, D_H); inp["bl2_vo"] = jnp.zeros((D_H,), jnp.float32)
    inp["Wr2_vo"] = _lin(ks[12], D_H, D_H)
    # layer norm after layer 1
    inp["ln_g"] = jnp.ones((D_H,), jnp.float32); inp["ln_b"] = jnp.zeros((D_H,), jnp.float32)
    # final MLP: Linear -> ReLU -> BatchNorm1d (eval, fresh stats) -> Dropout(eval) -> Linear
    inp["W1"] = _lin(ks[13], D_H, D_H); inp["b1"] = jnp.zeros((D_H,), jnp.float32)
    inp["W2"] = _lin(ks[14], D_OUT, D_H); inp["b2"] = jnp.zeros((D_OUT,), jnp.float32)
    return inp


def _sage(x, src, dst, Wl, bl, Wr, Wp=None, bp=None, normalize=False):
    h = x
    if Wp is not None:
        h = jax.nn.relu(h @ Wp.T + bp)
    msg = jnp.take(h, src, axis=0)
    ssum = jax.ops.segment_sum(msg, dst, num_segments=x.shape[0])
    cnt = jax.ops.segment_sum(jnp.ones((dst.shape[0],), jnp.float32), dst, num_segments=x.shape[0])
    aggr = ssum / jnp.maximum(cnt, 1.0)[:, None]
    out = aggr @ Wl.T + bl + x @ Wr.T
    if normalize:
        nrm = jnp.sqrt(jnp.sum(out * out, axis=-1, keepdims=True))
        out = out / jnp.maximum(nrm, 1e-12)
    return out


def _layernorm(x, g, b, eps=1e-5):
    mu = jnp.mean(x, axis=-1, keepdims=True)
    var = jnp.mean((x - mu) ** 2, axis=-1, keepdims=True)
    return (x - mu) / jnp.sqrt(var + eps) * g + b


def reference(x, edge_index_onset, edge_index_voice, Wp_on, bp_on, Wl1_on, bl1_on, Wr1_on, Wp_vo, bp_vo, Wl1_vo, bl1_vo, Wr1_vo, Wl2_on, bl2_on, Wr2_on, Wl2_vo, bl2_vo, Wr2_vo, ln_g, ln_b, W1, b1, W2, b2):
    src_on, dst_on = edge_index_onset[0], edge_index_onset[1]
    src_vo, dst_vo = edge_index_voice[0], edge_index_voice[1]
    # HeteroConv layer 1, aggr='mean' over relations targeting 'note'
    o1 = (_sage(x, src_on, dst_on, Wl1_on, bl1_on, Wr1_on, Wp_on, bp_on, True)
          + _sage(x, src_vo, dst_vo, Wl1_vo, bl1_vo, Wr1_vo, Wp_vo, bp_vo, True)) / 2.0
    h = jax.nn.relu(o1)
    h = _layernorm(h, ln_g, ln_b)
    # dropout is identity in eval mode
    # HeteroConv layer 2
    o2 = (_sage(h, src_on, dst_on, Wl2_on, bl2_on, Wr2_on)
          + _sage(h, src_vo, dst_vo, Wl2_vo, bl2_vo, Wr2_vo)) / 2.0
    # final MLP on 'note' features
    m = jax.nn.relu(o2 @ W1.T + b1)
    m = m / jnp.sqrt(1.0 + 1e-5)  # BatchNorm1d eval with fresh running stats (mean=0, var=1)
    out = m @ W2.T + b2
    return out

if __name__ == "__main__":
    import jax
    _d = setup_inputs()
    print(jax.jit(kernel)(*tuple(_d.values())))

</pallas_src>

<mosaic_0001>
#map = affine_map<(d0, d1) -> (0, 0)>
#map1 = affine_map<(d0, d1) -> (0)>
module attributes {stable_mosaic.version = 14 : i64} {
  func.func @_seg_body(%arg0: i32, %arg1: i32, %arg2: memref<10000x128xf32, #tpu.memory_space<hbm>>, %arg3: memref<640000xi32, #tpu.memory_space<hbm>>, %arg4: memref<10000x128xf32, #tpu.memory_space<hbm>>, %arg5: memref<640000xi32, #tpu.memory_space<hbm>>, %arg6: memref<10000x128xf32, #tpu.memory_space<hbm>>, %arg7: memref<10000x128xf32, #tpu.memory_space<hbm>>, %arg8: memref<10000x128xf32, #tpu.memory_space<hbm>>, %arg9: memref<128xi32, #tpu.memory_space<vmem>>, %arg10: memref<128xi32, #tpu.memory_space<vmem>>, %arg11: memref<128xi32, #tpu.memory_space<vmem>>, %arg12: memref<128xi32, #tpu.memory_space<vmem>>, %arg13: memref<128xi32, #tpu.memory_space<vmem>>, %arg14: memref<128xi32, #tpu.memory_space<vmem>>, %arg15: memref<128x128xf32, #tpu.memory_space<vmem>>, %arg16: memref<128x128xf32, #tpu.memory_space<vmem>>, %arg17: memref<128x128xf32, #tpu.memory_space<vmem>>, %arg18: memref<32xi32, #tpu.memory_space<vmem>>, %arg19: memref<32xi32, #tpu.memory_space<vmem>>, %arg20: memref<10000x128xf32, #tpu.memory_space<vmem_shared>>, %arg21: memref<!tpu.dma_semaphore, #tpu.memory_space<semaphore_mem>>, %arg22: memref<!tpu.dma_semaphore, #tpu.memory_space<semaphore_mem>>, %arg23: memref<!tpu.dma_semaphore, #tpu.memory_space<semaphore_mem>>, %arg24: memref<!tpu.dma_semaphore, #tpu.memory_space<semaphore_mem>>, %arg25: memref<!tpu.dma_semaphore, #tpu.memory_space<semaphore_mem>>, %arg26: memref<!tpu.dma_semaphore, #tpu.memory_space<semaphore_mem>>, %arg27: memref<!tpu.dma_semaphore, #tpu.memory_space<semaphore_mem>>, %arg28: memref<!tpu.dma_semaphore, #tpu.memory_space<semaphore_mem>>, %arg29: memref<!tpu.dma_semaphore, #tpu.memory_space<semaphore_mem>>) attributes {dimension_semantics = [#tpu.dimension_semantics<core_parallel>, #tpu.dimension_semantics<subcore_parallel>], iteration_bounds = array<i64: 2, 16>, scalar_prefetch = 0 : i64, scratch_operands = 21 : i64, tpu.core_type = #tpu.core_type<sc_vector_subcore>, window_params = [{transform_indices = #map}, {transform_indices = #map1}, {transform_indices = #map}, {transform_indices = #map1}, {transform_indices = #map}, {transform_indices = #map}, {transform_indices = #map}]} {
    %mul3A = arith.constant 624 : i32
    %mul3A_0 = arith.muli %arg1, %mul3A : i32
    %mul3A_1 = arith.constant 624 : i32
    %mul3A_2 = arith.muli %arg1, %mul3A_1 : i32
    "tpu.region"() ({
      %run_scoped3A = tpu.sem_alloc : memref<!tpu.dma_semaphore, #tpu.memory_space<semaphore_mem>>
      %dma_start3A = arith.constant 0 : i32
      %dma_start3A_15 = tpu.memref_slice %arg20[%mul3A_2, %dma_start3A] : memref<10000x128xf32, #tpu.memory_space<vmem_shared>> -> memref<624x128xf32, #tpu.memory_space<vmem_shared>>
      %dma_start3A_16 = arith.constant 0 : i32
      %dma_start3A_17 = tpu.memref_slice %arg6[%mul3A_0, %dma_start3A_16] : memref<10000x128xf32, #tpu.memory_space<hbm>> -> memref<624x128xf32, #tpu.memory_space<hbm>>
      tpu.enqueue_dma source(%dma_start3A_17 : memref<624x128xf32, #tpu.memory_space<hbm>>) target(%dma_start3A_15 : memref<624x128xf32, #tpu.memory_space<vmem_shared>>) target_semaphore(%run_scoped3A : memref<!tpu.dma_semaphore, #tpu.memory_space<semaphore_mem>>)
      %dma_wait3A = arith.constant 0 : i32
      %dma_wait3A_18 = tpu.memref_slice %arg20[%mul3A_2, %dma_wait3A] : memref<10000x128xf32, #tpu.memory_space<vmem_shared>> -> memref<624x128xf32, #tpu.memory_space<vmem_shared>>
      %dma_wait3A_19 = arith.constant 0 : i32
      %dma_wait3A_20 = tpu.memref_slice %arg6[%mul3A_0, %dma_wait3A_19] : memref<10000x128xf32, #tpu.memory_space<hbm>> -> memref<624x128xf32, #tpu.memory_space<hbm>>
      tpu.wait_dma2 semaphore(%run_scoped3A : memref<!tpu.dma_semaphore, #tpu.memory_space<semaphore_mem>>) src(%dma_wait3A_20 : memref<624x128xf32, #tpu.memory_space<hbm>>) dst(%dma_wait3A_18 : memref<624x128xf32, #tpu.memory_space<vmem_shared>>)
      tpu.yield
    }) : () -> ()
    %eq3A = arith.constant 15 : i32
    %eq3A_3 = arith.cmpi eq, %arg1, %eq3A : i32
    %convert_element_type3A = arith.extui %eq3A_3 : i1 to i32
    %cond3A = arith.constant 0 : i32
    %cond3A_4 = arith.cmpi ne, %convert_element_type3A, %cond3A : i32
    scf.if %cond3A_4 {
      "tpu.region"() ({
        %run_scoped3A = tpu.sem_alloc : memref<!tpu.dma_semaphore, #tpu.memory_space<semaphore_mem>>
        %dma_start3A = arith.constant 9984 : i32
        %dma_start3A_15 = arith.constant 0 : i32
        %dma_start3A_16 = tpu.memref_slice %arg20[%dma_start3A, %dma_start3A_15] : memref<10000x128xf32, #tpu.memory_space<vmem_shared>> -> memref<16x128xf32, #tpu.memory_space<vmem_shared>>
        %dma_start3A_17 = arith.constant 9984 : i32
        %dma_start3A_18 = arith.constant 0 : i32
        %dma_start3A_19 = tpu.memref_slice %arg6[%dma_start3A_17, %dma_start3A_18] : memref<10000x128xf32, #tpu.memory_space<hbm>> -> memref<16x128xf32, #tpu.memory_space<hbm>>
        tpu.enqueue_dma source(%dma_start3A_19 : memref<16x128xf32, #tpu.memory_space<hbm>>) target(%dma_start3A_16 : memref<16x128xf32, #tpu.memory_space<vmem_shared>>) target_semaphore(%run_scoped3A : memref<!tpu.dma_semaphore, #tpu.memory_space<semaphore_mem>>)
        %dma_wait3A = arith.constant 9984 : i32
        %dma_wait3A_20 = arith.constant 0 : i32
        %dma_wait3A_21 = tpu.memref_slice %arg20[%dma_wait3A, %dma_wait3A_20] : memref<10000x128xf32, #tpu.memory_space<vmem_shared>> -> memref<16x128xf32, #tpu.memory_space<vmem_shared>>
        %dma_wait3A_22 = arith.constant 9984 : i32
        %dma_wait3A_23 = arith.constant 0 : i32
        %dma_wait3A_24 = tpu.memref_slice %arg6[%dma_wait3A_22, %dma_wait3A_23] : memref<10000x128xf32, #tpu.memory_space<hbm>> -> memref<16x128xf32, #tpu.memory_space<hbm>>
        tpu.wait_dma2 semaphore(%run_scoped3A : memref<!tpu.dma_semaphore, #tpu.memory_space<semaphore_mem>>) src(%dma_wait3A_24 : memref<16x128xf32, #tpu.memory_space<hbm>>) dst(%dma_wait3A_21 : memref<16x128xf32, #tpu.memory_space<vmem_shared>>)
        tpu.yield
      }) : () -> ()
    } else {
    }
    %barrier3A = arith.constant 0 : index
    tpu.barrier barrier_id(%barrier3A)
    %eq3A_5 = arith.constant 0 : i32
    %eq3A_6 = arith.cmpi eq, %arg0, %eq3A_5 : i32
    %convert_element_type3A_7 = arith.extui %eq3A_6 : i1 to i32
    %cond3A_8 = arith.constant 0 : i32
    %cond3A_9 = arith.cmpi ne, %convert_element_type3A_7, %cond3A_8 : i32
    scf.if %cond3A_9 {
      %mul3A_15 = arith.constant 20000 : i32
      %mul3A_16 = arith.muli %arg1, %mul3A_15 : i32
      %add3A = arith.constant 0 : i32
      %add3A_17 = arith.addi %mul3A_16, %add3A : i32
      %multiple_of3A = tpu.assume_multiple %add3A_17, 8 : i32
      %dma_start3A = tpu.memref_slice %arg3[%multiple_of3A] : memref<640000xi32, #tpu.memory_space<hbm>> -> memref<128xi32, #tpu.memory_space<hbm>>
      %dma_start3A_18 = tpu.memref_slice %arg3[%multiple_of3A] : memref<640000xi32, #tpu.memory_space<hbm>> -> memref<128xi32, #tpu.memory_space<hbm>>
      tpu.enqueue_dma source(%dma_start3A_18 : memref<128xi32, #tpu.memory_space<hbm>>) target(%arg9 : memref<128xi32, #tpu.memory_space<vmem>>) target_semaphore(%arg21 : memref<!tpu.dma_semaphore, #tpu.memory_space<semaphore_mem>>)
      %add3A_19 = arith.constant 320000 : i32
      %add3A_20 = arith.addi %add3A_19, %multiple_of3A : i32
      %dma_start3A_21 = tpu.memref_slice %arg3[%add3A_20] : memref<640000xi32, #tpu.memory_space<hbm>> -> memref<128xi32, #tpu.memory_space<hbm>>
      %dma_start3A_22 = tpu.memref_slice %arg3[%add3A_20] : memref<640000xi32, #tpu.memory_space<hbm>> -> memref<128xi32, #tpu.memory_space<hbm>>
      tpu.enqueue_dma source(%dma_start3A_22 : memref<128xi32, #tpu.memory_space<hbm>>) target(%arg12 : memref<128xi32, #tpu.memory_space<vmem>>) target_semaphore(%arg21 : memref<!tpu.dma_semaphore, #tpu.memory_space<semaphore_mem>>)
      %dma_wait3A = tpu.memref_slice %arg3[%multiple_of3A] : memref<640000xi32, #tpu.memory_space<hbm>> -> memref<128xi32, #tpu.memory_space<hbm>>
      %dma_wait3A_23 = tpu.memref_slice %arg3[%multiple_of3A] : memref<640000xi32, #tpu.memory_space<hbm>> -> memref<128xi32, #tpu.memory_space<hbm>>
      tpu.wait_dma2 semaphore(%arg21 : memref<!tpu.dma_semaphore, #tpu.memory_space<semaphore_mem>>) src(%dma_wait3A_23 : memref<128xi32, #tpu.memory_space<hbm>>) dst(%arg9 : memref<128xi32, #tpu.memory_space<vmem>>)
      %add3A_24 = arith.constant 320000 : i32
      %add3A_25 = arith.addi %add3A_24, %multiple_of3A : i32
      %dma_wait3A_26 = tpu.memref_slice %arg3[%add3A_25] : memref<640000xi32, #tpu.memory_space<hbm>> -> memref<128xi32, #tpu.memory_space<hbm>>
      %dma_wait3A_27 = tpu.memref_slice %arg3[%add3A_25] : memref<640000xi32, #tpu.memory_space<hbm>> -> memref<128xi32, #tpu.memory_space<hbm>>
      tpu.wait_dma2 semaphore(%arg21 : memref<!tpu.dma_semaphore, #tpu.memory_space<semaphore_mem>>) src(%dma_wait3A_27 : memref<128xi32, #tpu.memory_space<hbm>>) dst(%arg12 : memref<128xi32, #tpu.memory_space<vmem>>)
      %dma_start3A_28 = arith.constant 0 : i32
      %dma_start3A_29 = arith.constant 0 : i32
      %dma_start3A_30 = tpu.memref_slice %arg2[%dma_start3A_28, %dma_start3A_29] : memref<10000x128xf32, #tpu.memory_space<hbm>> -> memref<10000x128xf32, #tpu.memory_space<hbm>>
      tpu.enqueue_indirect_dma source(%dma_start3A_30 : memref<10000x128xf32, #tpu.memory_space<hbm>>) target(%arg15 : memref<128x128xf32, #tpu.memory_space<vmem>>) offsets(%arg9 : memref<128xi32, #tpu.memory_space<vmem>>) semaphore(%arg24 : memref<!tpu.dma_semaphore, #tpu.memory_space<semaphore_mem>>)
      %add3A_31 = arith.constant 128 : i32
      %add3A_32 = arith.addi %mul3A_16, %add3A_31 : i32
      %multiple_of3A_33 = tpu.assume_multiple %add3A_32, 8 : i32
      %dma_start3A_34 = tpu.memref_slice %arg3[%multiple_of3A_33] : memref<640000xi32, #tpu.memory_space<hbm>> -> memref<128xi32, #tpu.memory_space<hbm>>
      %dma_start3A_35 = tpu.memref_slice %arg3[%multiple_of3A_33] : memref<640000xi32, #tpu.memory_space<hbm>> -> memref<128xi32, #tpu.memory_space<hbm>>
      tpu.enqueue_dma source(%dma_start3A_35 : memref<128xi32, #tpu.memory_space<hbm>>) target(%arg10 : memref<128xi32, #tpu.memory_space<vmem>>) target_semaphore(%arg22 : memref<!tpu.dma_semaphore, #tpu.memory_space<semaphore_mem>>)
      %add3A_36 = arith.constant 320000 : i32
      %add3A_37 = arith.addi %add3A_36, %multiple_of3A_33 : i32
      %dma_start3A_38 = tpu.memref_slice %arg3[%add3A_37] : memref<640000xi32, #tpu.memory_space<hbm>> -> memref<128xi32, #tpu.memory_space<hbm>>
      %dma_start3A_39 = tpu.memref_slice %arg3[%add3A_37] : memref<640000xi32, #tpu.memory_space<hbm>> -> memref<128xi32, #tpu.memory_space<hbm>>
      tpu.enqueue_dma source(%dma_start3A_39 : memref<128xi32, #tpu.memory_space<hbm>>) target(%arg13 : memref<128xi32, #tpu.memory_space<vmem>>) target_semaphore(%arg22 : memref<!tpu.dma_semaphore, #tpu.memory_space<semaphore_mem>>)
      %dma_wait3A_40 = tpu.memref_slice %arg3[%multiple_of3A_33] : memref<640000xi32, #tpu.memory_space<hbm>> -> memref<128xi32, #tpu.memory_space<hbm>>
      %dma_wait3A_41 = tpu.memref_slice %arg3[%multiple_of3A_33] : memref<640000xi32, #tpu.memory_space<hbm>> -> memref<128xi32, #tpu.memory_space<hbm>>
      tpu.wait_dma2 semaphore(%arg22 : memref<!tpu.dma_semaphore, #tpu.memory_space<semaphore_mem>>) src(%dma_wait3A_41 : memref<128xi32, #tpu.memory_space<hbm>>) dst(%arg10 : memref<128xi32, #tpu.memory_space<vmem>>)
      %add3A_42 = arith.constant 320000 : i32
      %add3A_43 = arith.addi %add3A_42, %multiple_of3A_33 : i32
      %dma_wait3A_44 = tpu.memref_slice %arg3[%add3A_43] : memref<640000xi32, #tpu.memory_space<hbm>> -> memref<128xi32, #tpu.memory_space<hbm>>
      %dma_wait3A_45 = tpu.memref_slice %arg3[%add3A_43] : memref<640000xi32, #tpu.memory_space<hbm>> -> memref<128xi32, #tpu.memory_space<hbm>>
      tpu.wait_dma2 semaphore(%arg22 : memref<!tpu.dma_semaphore, #tpu.memory_space<semaphore_mem>>) src(%dma_wait3A_45 : memref<128xi32, #tpu.memory_space<hbm>>) dst(%arg13 : memref<128xi32, #tpu.memory_space<vmem>>)
      %scan3A = arith.constant 0 : i32
      %scan3A_46 = arith.constant 0 : i32
      %scan3A_47 = arith.constant 52 : i32
      %scan3A_48 = arith.addi %scan3A_46, %scan3A_47 : i32
      %scan3A_49 = arith.constant 1 : i32
      scf.for %scan3A_93 = %scan3A_46 to %scan3A_48 step %scan3A_49  : i32 {
        %mul3A_94 = arith.constant 3 : i32
        %mul3A_95 = arith.muli %scan3A_93, %mul3A_94 : i32
        %dma_start3A_96 = arith.constant 0 : i32
        %dma_start3A_97 = arith.constant 0 : i32
        %dma_start3A_98 = tpu.memref_slice %arg2[%dma_start3A_96, %dma_start3A_97] : memref<10000x128xf32, #tpu.memory_space<hbm>> -> memref<10000x128xf32, #tpu.memory_space<hbm>>
        tpu.enqueue_indirect_dma source(%dma_start3A_98 : memref<10000x128xf32, #tpu.memory_space<hbm>>) target(%arg16 : memref<128x128xf32, #tpu.memory_space<vmem>>) offsets(%arg10 : memref<128xi32, #tpu.memory_space<vmem>>) semaphore(%arg25 : memref<!tpu.dma_semaphore, #tpu.memory_space<semaphore_mem>>)
        %gt3A = arith.constant 0 : i32
        %gt3A_99 = arith.cmpi sgt, %scan3A_93, %gt3A : i32
        %convert_element_type3A_100 = arith.extui %gt3A_99 : i1 to i32
        %cond3A_101 = arith.constant 0 : i32
        %cond3A_102 = arith.cmpi ne, %convert_element_type3A_100, %cond3A_101 : i32
        scf.if %cond3A_102 {
          %dma_wait3A_157 = arith.constant 0 : i32
          %dma_wait3A_158 = arith.constant 0 : i32
          %dma_wait3A_159 = tpu.memref_slice %arg20[%dma_wait3A_157, %dma_wait3A_158] : memref<10000x128xf32, #tpu.memory_space<vmem_shared>> -> memref<10000x128xf32, #tpu.memory_space<vmem_shared>>
          tpu.wait_indirect_dma semaphore(%arg29 : memref<!tpu.dma_semaphore, #tpu.memory_space<semaphore_mem>>) src(%arg17 : memref<128x128xf32, #tpu.memory_space<vmem>>) dst(%dma_wait3A_159 : memref<10000x128xf32, #tpu.memory_space<vmem_shared>>)
        } else {
        }
        %add3A_103 = arith.constant 2 : i32
        %add3A_104 = arith.addi %mul3A_95, %add3A_103 : i32
        %mul3A_105 = arith.constant 128 : i32
        %mul3A_106 = arith.muli %add3A_104, %mul3A_105 : i32
        %add3A_107 = arith.addi %mul3A_16, %mul3A_106 : i32
        %multiple_of3A_108 = tpu.assume_multiple %add3A_107, 8 : i32
        %dma_start3A_109 = tpu.memref_slice %arg3[%multiple_of3A_108] : memref<640000xi32, #tpu.memory_space<hbm>> -> memref<128xi32, #tpu.memory_space<hbm>>
        %dma_start3A_110 = tpu.memref_slice %arg3[%multiple_of3A_108] : memref<640000xi32, #tpu.memory_space<hbm>> -> memref<128xi32, #tpu.memory_space<hbm>>
        tpu.enqueue_dma source(%dma_start3A_110 : memref<128xi32, #tpu.memory_space<hbm>>) target(%arg11 : memref<128xi32, #tpu.memory_space<vmem>>) target_semaphore(%arg23 : memref<!tpu.dma_semaphore, #tpu.memory_space<semaphore_mem>>)
        %add3A_111 = arith.constant 320000 : i32
        %add3A_112 = arith.addi %add3A_111, %multiple_of3A_108 : i32
        %dma_start3A_113 = tpu.memref_slice %arg3[%add3A_112] : memref<640000xi32, #tpu.memory_space<hbm>> -> memref<128xi32, #tpu.memory_space<hbm>>
        %dma_start3A_114 = tpu.memref_slice %arg3[%add3A_112] : memref<640000xi32, #tpu.memory_space<hbm>> -> memref<128xi32, #tpu.memory_space<hbm>>
        tpu.enqueue_dma source(%dma_start3A_114 : memref<128xi32, #tpu.memory_space<hbm>>) target(%arg14 : memref<128xi32, #tpu.memory_space<vmem>>) target_semaphore(%arg23 : memref<!tpu.dma_semaphore, #tpu.memory_space<semaphore_mem>>)
        %dma_wait3A_115 = tpu.memref_slice %arg3[%multiple_of3A_108] : memref<640000xi32, #tpu.memory_space<hbm>> -> memref<128xi32, #tpu.memory_space<hbm>>
        %dma_wait3A_116 = tpu.memref_slice %arg3[%multiple_of3A_108] : memref<640000xi32, #tpu.memory_space<hbm>> -> memref<128xi32, #tpu.memory_space<hbm>>
        tpu.wait_dma2 semaphore(%arg23 : memref<!tpu.dma_semaphore, #tpu.memory_space<semaphore_mem>>) src(%dma_wait3A_116 : memref<128xi32, #tpu.memory_space<hbm>>) dst(%arg11 : memref<128xi32, #tpu.memory_space<vmem>>)
        %add3A_117 = arith.constant 320000 : i32
        %add3A_118 = arith.addi %add3A_117, %multiple_of3A_108 : i32
        %dma_wait3A_119 = tpu.memref_slice %arg3[%add3A_118] : memref<640000xi32, #tpu.memory_space<hbm>> -> memref<128xi32, #tpu.memory_space<hbm>>
        %dma_wait3A_120 = tpu.memref_slice %arg3[%add3A_118] : memref<640000xi32, #tpu.memory_space<hbm>> -> memref<128xi32, #tpu.memory_space<hbm>>
        tpu.wait_dma2 semaphore(%arg23 : memref<!tpu.dma_semaphore, #tpu.memory_space<semaphore_mem>>) src(%dma_wait3A_120 : memref<128xi32, #tpu.memory_space<hbm>>) dst(%arg14 : memref<128xi32, #tpu.memory_space<vmem>>)
        %dma_wait3A_121 = arith.constant 0 : i32
        %dma_wait3A_122 = arith.constant 0 : i32
        %dma_wait3A_123 = tpu.memref_slice %arg2[%dma_wait3A_121, %dma_wait3A_122] : memref<10000x128xf32, #tpu.memory_space<hbm>> -> memref<10000x128xf32, #tpu.memory_space<hbm>>
        tpu.wait_indirect_dma semaphore(%arg24 : memref<!tpu.dma_semaphore, #tpu.memory_space<semaphore_mem>>) src(%dma_wait3A_123 : memref<10000x128xf32, #tpu.memory_space<hbm>>) dst(%arg15 : memref<128x128xf32, #tpu.memory_space<vmem>>)
        %dma_start3A_124 = arith.constant 0 : i32
        %dma_start3A_125 = arith.constant 0 : i32
        %dma_start3A_126 = tpu.memref_slice %arg20[%dma_start3A_124, %dma_start3A_125] : memref<10000x128xf32, #tpu.memory_space<vmem_shared>> -> memref<10000x128xf32, #tpu.memory_space<vmem_shared>>
        tpu.enqueue_indirect_dma source(%arg15 : memref<128x128xf32, #tpu.memory_space<vmem>>) target(%dma_start3A_126 : memref<10000x128xf32, #tpu.memory_space<vmem_shared>>) offsets(%arg12 : memref<128xi32, #tpu.memory_space<vmem>>) semaphore(%arg27 : memref<!tpu.dma_semaphore, #tpu.memory_space<semaphore_mem>>) {add = true}
        %dma_start3A_127 = arith.constant 0 : i32
        %dma_start3A_128 = arith.constant 0 : i32
        %dma_start3A_129 = tpu.memref_slice %arg2[%dma_start3A_127, %dma_start3A_128] : memref<10000x128xf32, #tpu.memory_space<hbm>> -> memref<10000x128xf32, #tpu.memory_space<hbm>>
        tpu.enqueue_indirect_dma source(%dma_start3A_129 : memref<10000x128xf32, #tpu.memory_space<hbm>>) target(%arg17 : memref<128x128xf32, #tpu.memory_space<vmem>>) offsets(%arg11 : memref<128xi32, #tpu.memory_space<vmem>>) semaphore(%arg26 : memref<!tpu.dma_semaphore, #tpu.memory_space<semaphore_mem>>)
        %dma_wait3A_130 = arith.constant 0 : i32
        %dma_wait3A_131 = arith.constant 0 : i32
        %dma_wait3A_132 = tpu.memref_slice %arg20[%dma_wait3A_130, %dma_wait3A_131] : memref<10000x128xf32, #tpu.memory_space<vmem_shared>> -> memref<10000x128xf32, #tpu.memory_space<vmem_shared>>
        tpu.wait_indirect_dma semaphore(%arg27 : memref<!tpu.dma_semaphore, #tpu.memory_space<semaphore_mem>>) src(%arg15 : memref<128x128xf32, #tpu.memory_space<vmem>>) dst(%dma_wait3A_132 : memref<10000x128xf32, #tpu.memory_space<vmem_shared>>)
        %lt3A = arith.constant 51 : i32
        %lt3A_133 = arith.cmpi slt, %scan3A_93, %lt3A : i32
        %convert_element_type3A_134 = arith.extui %lt3A_133 : i1 to i32
        %cond3A_135 = arith.constant 0 : i32
        %cond3A_136 = arith.cmpi ne, %convert_element_type3A_134, %cond3A_135 : i32
        scf.if %cond3A_136 {
          %add3A_157 = arith.constant 3 : i32
          %add3A_158 = arith.addi %mul3A_95, %add3A_157 : i32
          %mul3A_159 = arith.constant 128 : i32
          %mul3A_160 = arith.muli %add3A_158, %mul3A_159 : i32
          %add3A_161 = arith.addi %mul3A_16, %mul3A_160 : i32
          %multiple_of3A_162 = tpu.assume_multiple %add3A_161, 8 : i32
          %dma_start3A_163 = tpu.memref_slice %arg3[%multiple_of3A_162] : memref<640000xi32, #tpu.memory_space<hbm>> -> memref<128xi32, #tpu.memory_space<hbm>>
          %dma_start3A_164 = tpu.memref_slice %arg3[%multiple_of3A_162] : memref<640000xi32, #tpu.memory_space<hbm>> -> memref<128xi32, #tpu.memory_space<hbm>>
          tpu.enqueue_dma source(%dma_start3A_164 : memref<128xi32, #tpu.memory_space<hbm>>) target(%arg9 : memref<128xi32, #tpu.memory_space<vmem>>) target_semaphore(%arg21 : memref<!tpu.dma_semaphore, #tpu.memory_space<semaphore_mem>>)
          %add3A_165 = arith.constant 320000 : i32
          %add3A_166 = arith.addi %add3A_165, %multiple_of3A_162 : i32
          %dma_start3A_167 = tpu.memref_slice %arg3[%add3A_166] : memref<640000xi32, #tpu.memory_space<hbm>> -> memref<128xi32, #tpu.memory_space<hbm>>
          %dma_start3A_168 = tpu.memref_slice %arg3[%add3A_166] : memref<640000xi32, #tpu.memory_space<hbm>> -> memref<128xi32, #tpu.memory_space<hbm>>
          tpu.enqueue_dma source(%dma_start3A_168 : memref<128xi32, #tpu.memory_space<hbm>>) target(%arg12 : memref<128xi32, #tpu.memory_space<vmem>>) target_semaphore(%arg21 : memref<!tpu.dma_semaphore, #tpu.memory_space<semaphore_mem>>)
          %dma_wait3A_169 = tpu.memref_slice %arg3[%multiple_of3A_162] : memref<640000xi32, #tpu.memory_space<hbm>> -> memref<128xi32, #tpu.memory_space<hbm>>
          %dma_wait3A_170 = tpu.memref_slice %arg3[%multiple_of3A_162] : memref<640000xi32, #tpu.memory_space<hbm>> -> memref<128xi32, #tpu.memory_space<hbm>>
          tpu.wait_dma2 semaphore(%arg21 : memref<!tpu.dma_semaphore, #tpu.memory_space<semaphore_mem>>) src(%dma_wait3A_170 : memref<128xi32, #tpu.memory_space<hbm>>) dst(%arg9 : memref<128xi32, #tpu.memory_space<vmem>>)
          %add3A_171 = arith.constant 320000 : i32
          %add3A_172 = arith.addi %add3A_171, %multiple_of3A_162 : i32
          %dma_wait3A_173 = tpu.memref_slice %arg3[%add3A_172] : memref<640000xi32, #tpu.memory_space<hbm>> -> memref<128xi32, #tpu.memory_space<hbm>>
          %dma_wait3A_174 = tpu.memref_slice %arg3[%add3A_172] : memref<640000xi32, #tpu.memory_space<hbm>> -> memref<128xi32, #tpu.memory_space<hbm>>
          tpu.wait_dma2 semaphore(%arg21 : memref<!tpu.dma_semaphore, #tpu.memory_space<semaphore_mem>>) src(%dma_wait3A_174 : memref<128xi32, #tpu.memory_space<hbm>>) dst(%arg12 : memref<128xi32, #tpu.memory_space<vmem>>)
          %dma_start3A_175 = arith.constant 0 : i32
          %dma_start3A_176 = arith.constant 0 : i32
          %dma_start3A_177 = tpu.memref_slice %arg2[%dma_start3A_175, %dma_start3A_176] : memref<10000x128xf32, #tpu.memory_space<hbm>> -> memref<10000x128xf32, #tpu.memory_space<hbm>>
          tpu.enqueue_indirect_dma source(%dma_start3A_177 : memref<10000x128xf32, #tpu.memory_space<hbm>>) target(%arg15 : memref<128x128xf32, #tpu.memory_space<vmem>>) offsets(%arg9 : memref<128xi32, #tpu.memory_space<vmem>>) semaphore(%arg24 : memref<!tpu.dma_semaphore, #tpu.memory_space<semaphore_mem>>)
        } else {
        }
        %dma_wait3A_137 = arith.constant 0 : i32
        %dma_wait3A_138 = arith.constant 0 : i32
        %dma_wait3A_139 = tpu.memref_slice %arg2[%dma_wait3A_137, %dma_wait3A_138] : memref<10000x128xf32, #tpu.memory_space<hbm>> -> memref<10000x128xf32, #tpu.memory_space<hbm>>
        tpu.wait_indirect_dma semaphore(%arg25 : memref<!tpu.dma_semaphore, #tpu.memory_space<semaphore_mem>>) src(%dma_wait3A_139 : memref<10000x128xf32, #tpu.memory_space<hbm>>) dst(%arg16 : memref<128x128xf32, #tpu.memory_space<vmem>>)
        %dma_start3A_140 = arith.constant 0 : i32
        %dma_start3A_141 = arith.constant 0 : i32
        %dma_start3A_142 = tpu.memref_slice %arg20[%dma_start3A_140, %dma_start3A_141] : memref<10000x128xf32, #tpu.memory_space<vmem_shared>> -> memref<10000x128xf32, #tpu.memory_space<vmem_shared>>
        tpu.enqueue_indirect_dma source(%arg16 : memref<128x128xf32, #tpu.memory_space<vmem>>) target(%dma_start3A_142 : memref<10000x128xf32, #tpu.memory_space<vmem_shared>>) offsets(%arg13 : memref<128xi32, #tpu.memory_space<vmem>>) semaphore(%arg28 : memref<!tpu.dma_semaphore, #tpu.memory_space<semaphore_mem>>) {add = true}
        %dma_wait3A_143 = arith.constant 0 : i32
        %dma_wait3A_144 = arith.constant 0 : i32
        %dma_wait3A_145 = tpu.memref_slice %arg20[%dma_wait3A_143, %dma_wait3A_144] : memref<10000x128xf32, #tpu.memory_space<vmem_shared>> -> memref<10000x128xf32, #tpu.memory_space<vmem_shared>>
        tpu.wait_indirect_dma semaphore(%arg28 : memref<!tpu.dma_semaphore, #tpu.memory_space<semaphore_mem>>) src(%arg16 : memref<128x128xf32, #tpu.memory_space<vmem>>) dst(%dma_wait3A_145 : memref<10000x128xf32, #tpu.memory_space<vmem_shared>>)
        %lt3A_146 = arith.constant 51 : i32
        %lt3A_147 = arith.cmpi slt, %scan3A_93, %lt3A_146 : i32
        %convert_element_type3A_148 = arith.extui %lt3A_147 : i1 to i32
        %cond3A_149 = arith.constant 0 : i32
        %cond3A_150 = arith.cmpi ne, %convert_element_type3A_148, %cond3A_149 : i32
        scf.if %cond3A_150 {
          %add3A_157 = arith.constant 4 : i32
          %add3A_158 = arith.addi %mul3A_95, %add3A_157 : i32
          %mul3A_159 = arith.constant 128 : i32
          %mul3A_160 = arith.muli %add3A_158, %mul3A_159 : i32
          %add3A_161 = arith.addi %mul3A_16, %mul3A_160 : i32
          %multiple_of3A_162 = tpu.assume_multiple %add3A_161, 8 : i32
          %dma_start3A_163 = tpu.memref_slice %arg3[%multiple_of3A_162] : memref<640000xi32, #tpu.memory_space<hbm>> -> memref<128xi32, #tpu.memory_space<hbm>>
          %dma_start3A_164 = tpu.memref_slice %arg3[%multiple_of3A_162] : memref<640000xi32, #tpu.memory_space<hbm>> -> memref<128xi32, #tpu.memory_space<hbm>>
          tpu.enqueue_dma source(%dma_start3A_164 : memref<128xi32, #tpu.memory_space<hbm>>) target(%arg10 : memref<128xi32, #tpu.memory_space<vmem>>) target_semaphore(%arg22 : memref<!tpu.dma_semaphore, #tpu.memory_space<semaphore_mem>>)
          %add3A_165 = arith.constant 320000 : i32
          %add3A_166 = arith.addi %add3A_165, %multiple_of3A_162 : i32
          %dma_start3A_167 = tpu.memref_slice %arg3[%add3A_166] : memref<640000xi32, #tpu.memory_space<hbm>> -> memref<128xi32, #tpu.memory_space<hbm>>
          %dma_start3A_168 = tpu.memref_slice %arg3[%add3A_166] : memref<640000xi32, #tpu.memory_space<hbm>> -> memref<128xi32, #tpu.memory_space<hbm>>
          tpu.enqueue_dma source(%dma_start3A_168 : memref<128xi32, #tpu.memory_space<hbm>>) target(%arg13 : memref<128xi32, #tpu.memory_space<vmem>>) target_semaphore(%arg22 : memref<!tpu.dma_semaphore, #tpu.memory_space<semaphore_mem>>)
          %dma_wait3A_169 = tpu.memref_slice %arg3[%multiple_of3A_162] : memref<640000xi32, #tpu.memory_space<hbm>> -> memref<128xi32, #tpu.memory_space<hbm>>
          %dma_wait3A_170 = tpu.memref_slice %arg3[%multiple_of3A_162] : memref<640000xi32, #tpu.memory_space<hbm>> -> memref<128xi32, #tpu.memory_space<hbm>>
          tpu.wait_dma2 semaphore(%arg22 : memref<!tpu.dma_semaphore, #tpu.memory_space<semaphore_mem>>) src(%dma_wait3A_170 : memref<128xi32, #tpu.memory_space<hbm>>) dst(%arg10 : memref<128xi32, #tpu.memory_space<vmem>>)
          %add3A_171 = arith.constant 320000 : i32
          %add3A_172 = arith.addi %add3A_171, %multiple_of3A_162 : i32
          %dma_wait3A_173 = tpu.memref_slice %arg3[%add3A_172] : memref<640000xi32, #tpu.memory_space<hbm>> -> memref<128xi32, #tpu.memory_space<hbm>>
          %dma_wait3A_174 = tpu.memref_slice %arg3[%add3A_172] : memref<640000xi32, #tpu.memory_space<hbm>> -> memref<128xi32, #tpu.memory_space<hbm>>
          tpu.wait_dma2 semaphore(%arg22 : memref<!tpu.dma_semaphore, #tpu.memory_space<semaphore_mem>>) src(%dma_wait3A_174 : memref<128xi32, #tpu.memory_space<hbm>>) dst(%arg13 : memref<128xi32, #tpu.memory_space<vmem>>)
        } else {
        }
        %dma_wait3A_151 = arith.constant 0 : i32
        %dma_wait3A_152 = arith.constant 0 : i32
        %dma_wait3A_153 = tpu.memref_slice %arg2[%dma_wait3A_151, %dma_wait3A_152] : memref<10000x128xf32, #tpu.memory_space<hbm>> -> memref<10000x128xf32, #tpu.memory_space<hbm>>
        tpu.wait_indirect_dma semaphore(%arg26 : memref<!tpu.dma_semaphore, #tpu.memory_space<semaphore_mem>>) src(%dma_wait3A_153 : memref<10000x128xf32, #tpu.memory_space<hbm>>) dst(%arg17 : memref<128x128xf32, #tpu.memory_space<vmem>>)
        %dma_start3A_154 = arith.constant 0 : i32
        %dma_start3A_155 = arith.constant 0 : i32
        %dma_start3A_156 = tpu.memref_slice %arg20[%dma_start3A_154, %dma_start3A_155] : memref<10000x128xf32, #tpu.memory_space<vmem_shared>> -> memref<10000x128xf32, #tpu.memory_space<vmem_shared>>
        tpu.enqueue_indirect_dma source(%arg17 : memref<128x128xf32, #tpu.memory_space<vmem>>) target(%dma_start3A_156 : memref<10000x128xf32, #tpu.memory_space<vmem_shared>>) offsets(%arg14 : memref<128xi32, #tpu.memory_space<vmem>>) semaphore(%arg29 : memref<!tpu.dma_semaphore, #tpu.memory_space<semaphore_mem>>) {add = true}
      }
      %scan3A_50 = arith.constant 52 : i32
      %add3A_51 = arith.constant 19968 : i32
      %add3A_52 = arith.addi %mul3A_16, %add3A_51 : i32
      %multiple_of3A_53 = tpu.assume_multiple %add3A_52, 8 : i32
      "tpu.region"() ({
        %run_scoped3A = tpu.sem_alloc : memref<!tpu.dma_semaphore, #tpu.memory_space<semaphore_mem>>
        %dma_start3A_93 = tpu.memref_slice %arg3[%multiple_of3A_53] : memref<640000xi32, #tpu.memory_space<hbm>> -> memref<32xi32, #tpu.memory_space<hbm>>
        %dma_start3A_94 = tpu.memref_slice %arg3[%multiple_of3A_53] : memref<640000xi32, #tpu.memory_space<hbm>> -> memref<32xi32, #tpu.memory_space<hbm>>
        tpu.enqueue_dma source(%dma_start3A_94 : memref<32xi32, #tpu.memory_space<hbm>>) target(%arg18 : memref<32xi32, #tpu.memory_space<vmem>>) target_semaphore(%run_scoped3A : memref<!tpu.dma_semaphore, #tpu.memory_space<semaphore_mem>>)
        %dma_wait3A_95 = tpu.memref_slice %arg3[%multiple_of3A_53] : memref<640000xi32, #tpu.memory_space<hbm>> -> memref<32xi32, #tpu.memory_space<hbm>>
        %dma_wait3A_96 = tpu.memref_slice %arg3[%multiple_of3A_53] : memref<640000xi32, #tpu.memory_space<hbm>> -> memref<32xi32, #tpu.memory_space<hbm>>
        tpu.wait_dma2 semaphore(%run_scoped3A : memref<!tpu.dma_semaphore, #tpu.memory_space<semaphore_mem>>) src(%dma_wait3A_96 : memref<32xi32, #tpu.memory_space<hbm>>) dst(%arg18 : memref<32xi32, #tpu.memory_space<vmem>>)
        tpu.yield
      }) : () -> ()
      %add3A_54 = arith.constant 320000 : i32
      %add3A_55 = arith.addi %add3A_54, %multiple_of3A_53 : i32
      "tpu.region"() ({
        %run_scoped3A = tpu.sem_alloc : memref<!tpu.dma_semaphore, #tpu.memory_space<semaphore_mem>>
        %dma_start3A_93 = tpu.memref_slice %arg3[%add3A_55] : memref<640000xi32, #tpu.memory_space<hbm>> -> memref<32xi32, #tpu.memory_space<hbm>>
        %dma_start3A_94 = tpu.memref_slice %arg3[%add3A_55] : memref<640000xi32, #tpu.memory_space<hbm>> -> memref<32xi32, #tpu.memory_space<hbm>>
        tpu.enqueue_dma source(%dma_start3A_94 : memref<32xi32, #tpu.memory_space<hbm>>) target(%arg19 : memref<32xi32, #tpu.memory_space<vmem>>) target_semaphore(%run_scoped3A : memref<!tpu.dma_semaphore, #tpu.memory_space<semaphore_mem>>)
        %dma_wait3A_95 = tpu.memref_slice %arg3[%add3A_55] : memref<640000xi32, #tpu.memory_space<hbm>> -> memref<32xi32, #tpu.memory_space<hbm>>
        %dma_wait3A_96 = tpu.memref_slice %arg3[%add3A_55] : memref<640000xi32, #tpu.memory_space<hbm>> -> memref<32xi32, #tpu.memory_space<hbm>>
        tpu.wait_dma2 semaphore(%run_scoped3A : memref<!tpu.dma_semaphore, #tpu.memory_space<semaphore_mem>>) src(%dma_wait3A_96 : memref<32xi32, #tpu.memory_space<hbm>>) dst(%arg19 : memref<32xi32, #tpu.memory_space<vmem>>)
        tpu.yield
      }) : () -> ()
      %dma_start3A_56 = arith.constant 0 : i32
      %dma_start3A_57 = arith.constant 0 : i32
      %dma_start3A_58 = tpu.memref_slice %arg15[%dma_start3A_56, %dma_start3A_57] : memref<128x128xf32, #tpu.memory_space<vmem>> -> memref<32x128xf32, #tpu.memory_space<vmem>>
      %dma_start3A_59 = arith.constant 0 : i32
      %dma_start3A_60 = arith.constant 0 : i32
      %dma_start3A_61 = tpu.memref_slice %arg2[%dma_start3A_59, %dma_start3A_60] : memref<10000x128xf32, #tpu.memory_space<hbm>> -> memref<10000x128xf32, #tpu.memory_space<hbm>>
      tpu.enqueue_indirect_dma source(%dma_start3A_61 : memref<10000x128xf32, #tpu.memory_space<hbm>>) target(%dma_start3A_58 : memref<32x128xf32, #tpu.memory_space<vmem>>) offsets(%arg18 : memref<32xi32, #tpu.memory_space<vmem>>) semaphore(%arg24 : memref<!tpu.dma_semaphore, #tpu.memory_space<semaphore_mem>>)
      %dma_wait3A_62 = arith.constant 0 : i32
      %dma_wait3A_63 = arith.constant 0 : i32
      %dma_wait3A_64 = tpu.memref_slice %arg15[%dma_wait3A_62, %dma_wait3A_63] : memref<128x128xf32, #tpu.memory_space<vmem>> -> memref<32x128xf32, #tpu.memory_space<vmem>>
      %dma_wait3A_65 = arith.constant 0 : i32
      %dma_wait3A_66 = arith.constant 0 : i32
      %dma_wait3A_67 = tpu.memref_slice %arg2[%dma_wait3A_65, %dma_wait3A_66] : memref<10000x128xf32, #tpu.memory_space<hbm>> -> memref<10000x128xf32, #tpu.memory_space<hbm>>
      tpu.wait_indirect_dma semaphore(%arg24 : memref<!tpu.dma_semaphore, #tpu.memory_space<semaphore_mem>>) src(%dma_wait3A_67 : memref<10000x128xf32, #tpu.memory_space<hbm>>) dst(%dma_wait3A_64 : memref<32x128xf32, #tpu.memory_space<vmem>>)
      %dma_start3A_68 = arith.constant 0 : i32
      %dma_start3A_69 = arith.constant 0 : i32
      %dma_start3A_70 = tpu.memref_slice %arg15[%dma_start3A_68, %dma_start3A_69] : memref<128x128xf32, #tpu.memory_space<vmem>> -> memref<32x128xf32, #tpu.memory_space<vmem>>
      %dma_start3A_71 = arith.constant 0 : i32
      %dma_start3A_72 = arith.constant 0 : i32
      %dma_start3A_73 = tpu.memref_slice %arg20[%dma_start3A_71, %dma_start3A_72] : memref<10000x128xf32, #tpu.memory_space<vmem_shared>> -> memref<10000x128xf32, #tpu.memory_space<vmem_shared>>
      tpu.enqueue_indirect_dma source(%dma_start3A_70 : memref<32x128xf32, #tpu.memory_space<vmem>>) target(%dma_start3A_73 : memref<10000x128xf32, #tpu.memory_space<vmem_shared>>) offsets(%arg19 : memref<32xi32, #tpu.memory_space<vmem>>) semaphore(%arg27 : memref<!tpu.dma_semaphore, #tpu.memory_space<semaphore_mem>>) {add = true}
      %dma_wait3A_74 = arith.constant 0 : i32
      %dma_wait3A_75 = arith.constant 0 : i32
      %dma_wait3A_76 = tpu.memref_slice %arg15[%dma_wait3A_74, %dma_wait3A_75] : memref<128x128xf32, #tpu.memory_space<vmem>> -> memref<32x128xf32, #tpu.memory_space<vmem>>
      %dma_wait3A_77 = arith.constant 0 : i32
      %dma_wait3A_78 = arith.constant 0 : i32
      %dma_wait3A_79 = tpu.memref_slice %arg20[%dma_wait3A_77, %dma_wait3A_78] : memref<10000x128xf32, #tpu.memory_space<vmem_shared>> -> memref<10000x128xf32, #tpu.memory_space<vmem_shared>>
      tpu.wait_indirect_dma semaphore(%arg27 : memref<!tpu.dma_semaphore, #tpu.memory_space<semaphore_mem>>) src(%dma_wait3A_76 : memref<32x128xf32, #tpu.memory_space<vmem>>) dst(%dma_wait3A_79 : memref<10000x128xf32, #tpu.memory_space<vmem_shared>>)
      %dma_wait3A_80 = arith.constant 0 : i32
      %dma_wait3A_81 = arith.constant 0 : i32
      %dma_wait3A_82 = tpu.memref_slice %arg20[%dma_wait3A_80, %dma_wait3A_81] : memref<10000x128xf32, #tpu.memory_space<vmem_shared>> -> memref<10000x128xf32, #tpu.memory_space<vmem_shared>>
      tpu.wait_indirect_dma semaphore(%arg29 : memref<!tpu.dma_semaphore, #tpu.memory_space<semaphore_mem>>) src(%arg17 : memref<128x128xf32, #tpu.memory_space<vmem>>) dst(%dma_wait3A_82 : memref<10000x128xf32, #tpu.memory_space<vmem_shared>>)
      %barrier3A_83 = arith.constant 0 : index
      tpu.barrier barrier_id(%barrier3A_83)
      %mul3A_84 = arith.constant 624 : i32
      %mul3A_85 = arith.muli %arg1, %mul3A_84 : i32
      %mul3A_86 = arith.constant 624 : i32
      %mul3A_87 = arith.muli %arg1, %mul3A_86 : i32
      "tpu.region"() ({
        %run_scoped3A = tpu.sem_alloc : memref<!tpu.dma_semaphore, #tpu.memory_space<semaphore_mem>>
        %dma_start3A_93 = arith.constant 0 : i32
        %dma_start3A_94 = tpu.memref_slice %arg7[%mul3A_87, %dma_start3A_93] : memref<10000x128xf32, #tpu.memory_space<hbm>> -> memref<624x128xf32, #tpu.memory_space<hbm>>
        %dma_start3A_95 = arith.constant 0 : i32
        %dma_start3A_96 = tpu.memref_slice %arg20[%mul3A_85, %dma_start3A_95] : memref<10000x128xf32, #tpu.memory_space<vmem_shared>> -> memref<624x128xf32, #tpu.memory_space<vmem_shared>>
        tpu.enqueue_dma source(%dma_start3A_96 : memref<624x128xf32, #tpu.memory_space<vmem_shared>>) target(%dma_start3A_94 : memref<624x128xf32, #tpu.memory_space<hbm>>) target_semaphore(%run_scoped3A : memref<!tpu.dma_semaphore, #tpu.memory_space<semaphore_mem>>)
        %dma_wait3A_97 = arith.constant 0 : i32
        %dma_wait3A_98 = tpu.memref_slice %arg7[%mul3A_87, %dma_wait3A_97] : memref<10000x128xf32, #tpu.memory_space<hbm>> -> memref<624x128xf32, #tpu.memory_space<hbm>>
        %dma_wait3A_99 = arith.constant 0 : i32
        %dma_wait3A_100 = tpu.memref_slice %arg20[%mul3A_85, %dma_wait3A_99] : memref<10000x128xf32, #tpu.memory_space<vmem_shared>> -> memref<624x128xf32, #tpu.memory_space<vmem_shared>>
        tpu.wait_dma2 semaphore(%run_scoped3A : memref<!tpu.dma_semaphore, #tpu.memory_space<semaphore_mem>>) src(%dma_wait3A_100 : memref<624x128xf32, #tpu.memory_space<vmem_shared>>) dst(%dma_wait3A_98 : memref<624x128xf32, #tpu.memory_space<hbm>>)
        tpu.yield
      }) : () -> ()
      %eq3A_88 = arith.constant 15 : i32
      %eq3A_89 = arith.cmpi eq, %arg1, %eq3A_88 : i32
      %convert_element_type3A_90 = arith.extui %eq3A_89 : i1 to i32
      %cond3A_91 = arith.constant 0 : i32
      %cond3A_92 = arith.cmpi ne, %convert_element_type3A_90, %cond3A_91 : i32
      scf.if %cond3A_92 {
        "tpu.region"() ({
          %run_scoped3A = tpu.sem_alloc : memref<!tpu.dma_semaphore, #tpu.memory_space<semaphore_mem>>
          %dma_start3A_93 = arith.constant 9984 : i32
          %dma_start3A_94 = arith.constant 0 : i32
          %dma_start3A_95 = tpu.memref_slice %arg7[%dma_start3A_93, %dma_start3A_94] : memref<10000x128xf32, #tpu.memory_space<hbm>> -> memref<16x128xf32, #tpu.memory_space<hbm>>
          %dma_start3A_96 = arith.constant 9984 : i32
          %dma_start3A_97 = arith.constant 0 : i32
          %dma_start3A_98 = tpu.memref_slice %arg20[%dma_start3A_96, %dma_start3A_97] : memref<10000x128xf32, #tpu.memory_space<vmem_shared>> -> memref<16x128xf32, #tpu.memory_space<vmem_shared>>
          tpu.enqueue_dma source(%dma_start3A_98 : memref<16x128xf32, #tpu.memory_space<vmem_shared>>) target(%dma_start3A_95 : memref<16x128xf32, #tpu.memory_space<hbm>>) target_semaphore(%run_scoped3A : memref<!tpu.dma_semaphore, #tpu.memory_space<semaphore_mem>>)
          %dma_wait3A_99 = arith.constant 9984 : i32
          %dma_wait3A_100 = arith.constant 0 : i32
          %dma_wait3A_101 = tpu.memref_slice %arg7[%dma_wait3A_99, %dma_wait3A_100] : memref<10000x128xf32, #tpu.memory_space<hbm>> -> memref<16x128xf32, #tpu.memory_space<hbm>>
          %dma_wait3A_102 = arith.constant 9984 : i32
          %dma_wait3A_103 = arith.constant 0 : i32
          %dma_wait3A_104 = tpu.memref_slice %arg20[%dma_wait3A_102, %dma_wait3A_103] : memref<10000x128xf32, #tpu.memory_space<vmem_shared>> -> memref<16x128xf32, #tpu.memory_space<vmem_shared>>
          tpu.wait_dma2 semaphore(%run_scoped3A : memref<!tpu.dma_semaphore, #tpu.memory_space<semaphore_mem>>) src(%dma_wait3A_104 : memref<16x128xf32, #tpu.memory_space<vmem_shared>>) dst(%dma_wait3A_101 : memref<16x128xf32, #tpu.memory_space<hbm>>)
          tpu.yield
        }) : () -> ()
      } else {
      }
    } else {
    }
    %eq3A_10 = arith.constant 1 : i32
    %eq3A_11 = arith.cmpi eq, %arg0, %eq3A_10 : i32
    %convert_element_type3A_12 = arith.extui %eq3A_11 : i1 to i32
    %cond3A_13 = arith.constant 0 : i32
    %cond3A_14 = arith.cmpi ne, %convert_element_type3A_12, %cond3A_13 : i32
    scf.if %cond3A_14 {
      %mul3A_15 = arith.constant 20000 : i32
      %mul3A_16 = arith.muli %arg1, %mul3A_15 : i32
      %add3A = arith.constant 0 : i32
      %add3A_17 = arith.addi %mul3A_16, %add3A : i32
      %multiple_of3A = tpu.assume_multiple %add3A_17, 8 : i32
      %dma_start3A = tpu.memref_slice %arg5[%multiple_of3A] : memref<640000xi32, #tpu.memory_space<hbm>> -> memref<128xi32, #tpu.memory_space<hbm>>
      %dma_start3A_18 = tpu.memref_slice %arg5[%multiple_of3A] : memref<640000xi32, #tpu.memory_space<hbm>> -> memref<128xi32, #tpu.memory_space<hbm>>
      tpu.enqueue_dma source(%dma_start3A_18 : memref<128xi32, #tpu.memory_space<hbm>>) target(%arg9 : memref<128xi32, #tpu.memory_space<vmem>>) target_semaphore(%arg21 : memref<!tpu.dma_semaphore, #tpu.memory_space<semaphore_mem>>)
      %add3A_19 = arith.constant 320000 : i32
      %add3A_20 = arith.addi %add3A_19, %multiple_of3A : i32
      %dma_start3A_21 = tpu.memref_slice %arg5[%add3A_20] : memref<640000xi32, #tpu.memory_space<hbm>> -> memref<128xi32, #tpu.memory_space<hbm>>
      %dma_start3A_22 = tpu.memref_slice %arg5[%add3A_20] : memref<640000xi32, #tpu.memory_space<hbm>> -> memref<128xi32, #tpu.memory_space<hbm>>
      tpu.enqueue_dma source(%dma_start3A_22 : memref<128xi32, #tpu.memory_space<hbm>>) target(%arg12 : memref<128xi32, #tpu.memory_space<vmem>>) target_semaphore(%arg21 : memref<!tpu.dma_semaphore, #tpu.memory_space<semaphore_mem>>)
      %dma_wait3A = tpu.memref_slice %arg5[%multiple_of3A] : memref<640000xi32, #tpu.memory_space<hbm>> -> memref<128xi32, #tpu.memory_space<hbm>>
      %dma_wait3A_23 = tpu.memref_slice %arg5[%multiple_of3A] : memref<640000xi32, #tpu.memory_space<hbm>> -> memref<128xi32, #tpu.memory_space<hbm>>
      tpu.wait_dma2 semaphore(%arg21 : memref<!tpu.dma_semaphore, #tpu.memory_space<semaphore_mem>>) src(%dma_wait3A_23 : memref<128xi32, #tpu.memory_space<hbm>>) dst(%arg9 : memref<128xi32, #tpu.memory_space<vmem>>)
      %add3A_24 = arith.constant 320000 : i32
      %add3A_25 = arith.addi %add3A_24, %multiple_of3A : i32
      %dma_wait3A_26 = tpu.memref_slice %arg5[%add3A_25] : memref<640000xi32, #tpu.memory_space<hbm>> -> memref<128xi32, #tpu.memory_space<hbm>>
      %dma_wait3A_27 = tpu.memref_slice %arg5[%add3A_25] : memref<640000xi32, #tpu.memory_space<hbm>> -> memref<128xi32, #tpu.memory_space<hbm>>
      tpu.wait_dma2 semaphore(%arg21 : memref<!tpu.dma_semaphore, #tpu.memory_space<semaphore_mem>>) src(%dma_wait3A_27 : memref<128xi32, #tpu.memory_space<hbm>>) dst(%arg12 : memref<128xi32, #tpu.memory_space<vmem>>)
      %dma_start3A_28 = arith.constant 0 : i32
      %dma_start3A_29 = arith.constant 0 : i32
      %dma_start3A_30 = tpu.memref_slice %arg4[%dma_start3A_28, %dma_start3A_29] : memref<10000x128xf32, #tpu.memory_space<hbm>> -> memref<10000x128xf32, #tpu.memory_space<hbm>>
      tpu.enqueue_indirect_dma source(%dma_start3A_30 : memref<10000x128xf32, #tpu.memory_space<hbm>>) target(%arg15 : memref<128x128xf32, #tpu.memory_space<vmem>>) offsets(%arg9 : memref<128xi32, #tpu.memory_space<vmem>>) semaphore(%arg24 : memref<!tpu.dma_semaphore, #tpu.memory_space<semaphore_mem>>)
      %add3A_31 = arith.constant 128 : i32
      %add3A_32 = arith.addi %mul3A_16, %add3A_31 : i32
      %multiple_of3A_33 = tpu.assume_multiple %add3A_32, 8 : i32
      %dma_start3A_34 = tpu.memref_slice %arg5[%multiple_of3A_33] : memref<640000xi32, #tpu.memory_space<hbm>> -> memref<128xi32, #tpu.memory_space<hbm>>
      %dma_start3A_35 = tpu.memref_slice %arg5[%multiple_of3A_33] : memref<640000xi32, #tpu.memory_space<hbm>> -> memref<128xi32, #tpu.memory_space<hbm>>
      tpu.enqueue_dma source(%dma_start3A_35 : memref<128xi32, #tpu.memory_space<hbm>>) target(%arg10 : memref<128xi32, #tpu.memory_space<vmem>>) target_semaphore(%arg22 : memref<!tpu.dma_semaphore, #tpu.memory_space<semaphore_mem>>)
      %add3A_36 = arith.constant 320000 : i32
      %add3A_37 = arith.addi %add3A_36, %multiple_of3A_33 : i32
      %dma_start3A_38 = tpu.memref_slice %arg5[%add3A_37] : memref<640000xi32, #tpu.memory_space<hbm>> -> memref<128xi32, #tpu.memory_space<hbm>>
      %dma_start3A_39 = tpu.memref_slice %arg5[%add3A_37] : memref<640000xi32, #tpu.memory_space<hbm>> -> memref<128xi32, #tpu.memory_space<hbm>>
      tpu.enqueue_dma source(%dma_start3A_39 : memref<128xi32, #tpu.memory_space<hbm>>) target(%arg13 : memref<128xi32, #tpu.memory_space<vmem>>) target_semaphore(%arg22 : memref<!tpu.dma_semaphore, #tpu.memory_space<semaphore_mem>>)
      %dma_wait3A_40 = tpu.memref_slice %arg5[%multiple_of3A_33] : memref<640000xi32, #tpu.memory_space<hbm>> -> memref<128xi32, #tpu.memory_space<hbm>>
      %dma_wait3A_41 = tpu.memref_slice %arg5[%multiple_of3A_33] : memref<640000xi32, #tpu.memory_space<hbm>> -> memref<128xi32, #tpu.memory_space<hbm>>
      tpu.wait_dma2 semaphore(%arg22 : memref<!tpu.dma_semaphore, #tpu.memory_space<semaphore_mem>>) src(%dma_wait3A_41 : memref<128xi32, #tpu.memory_space<hbm>>) dst(%arg10 : memref<128xi32, #tpu.memory_space<vmem>>)
      %add3A_42 = arith.constant 320000 : i32
      %add3A_43 = arith.addi %add3A_42, %multiple_of3A_33 : i32
      %dma_wait3A_44 = tpu.memref_slice %arg5[%add3A_43] : memref<640000xi32, #tpu.memory_space<hbm>> -> memref<128xi32, #tpu.memory_space<hbm>>
      %dma_wait3A_45 = tpu.memref_slice %arg5[%add3A_43] : memref<640000xi32, #tpu.memory_space<hbm>> -> memref<128xi32, #tpu.memory_space<hbm>>
      tpu.wait_dma2 semaphore(%arg22 : memref<!tpu.dma_semaphore, #tpu.memory_space<semaphore_mem>>) src(%dma_wait3A_45 : memref<128xi32, #tpu.memory_space<hbm>>) dst(%arg13 : memref<128xi32, #tpu.memory_space<vmem>>)
      %scan3A = arith.constant 0 : i32
      %scan3A_46 = arith.constant 0 : i32
      %scan3A_47 = arith.constant 52 : i32
      %scan3A_48 = arith.addi %scan3A_46, %scan3A_47 : i32
      %scan3A_49 = arith.constant 1 : i32
      scf.for %scan3A_93 = %scan3A_46 to %scan3A_48 step %scan3A_49  : i32 {
        %mul3A_94 = arith.constant 3 : i32
        %mul3A_95 = arith.muli %scan3A_93, %mul3A_94 : i32
        %dma_start3A_96 = arith.constant 0 : i32
        %dma_start3A_97 = arith.constant 0 : i32
        %dma_start3A_98 = tpu.memref_slice %arg4[%dma_start3A_96, %dma_start3A_97] : memref<10000x128xf32, #tpu.memory_space<hbm>> -> memref<10000x128xf32, #tpu.memory_space<hbm>>
        tpu.enqueue_indirect_dma source(%dma_start3A_98 : memref<10000x128xf32, #tpu.memory_space<hbm>>) target(%arg16 : memref<128x128xf32, #tpu.memory_space<vmem>>) offsets(%arg10 : memref<128xi32, #tpu.memory_space<vmem>>) semaphore(%arg25 : memref<!tpu.dma_semaphore, #tpu.memory_space<semaphore_mem>>)
        %gt3A = arith.constant 0 : i32
        %gt3A_99 = arith.cmpi sgt, %scan3A_93, %gt3A : i32
        %convert_element_type3A_100 = arith.extui %gt3A_99 : i1 to i32
        %cond3A_101 = arith.constant 0 : i32
        %cond3A_102 = arith.cmpi ne, %convert_element_type3A_100, %cond3A_101 : i32
        scf.if %cond3A_102 {
          %dma_wait3A_157 = arith.constant 0 : i32
          %dma_wait3A_158 = arith.constant 0 : i32
          %dma_wait3A_159 = tpu.memref_slice %arg20[%dma_wait3A_157, %dma_wait3A_158] : memref<10000x128xf32, #tpu.memory_space<vmem_shared>> -> memref<10000x128xf32, #tpu.memory_space<vmem_shared>>
          tpu.wait_indirect_dma semaphore(%arg29 : memref<!tpu.dma_semaphore, #tpu.memory_space<semaphore_mem>>) src(%arg17 : memref<128x128xf32, #tpu.memory_space<vmem>>) dst(%dma_wait3A_159 : memref<10000x128xf32, #tpu.memory_space<vmem_shared>>)
        } else {
        }
        %add3A_103 = arith.constant 2 : i32
        %add3A_104 = arith.addi %mul3A_95, %add3A_103 : i32
        %mul3A_105 = arith.constant 128 : i32
        %mul3A_106 = arith.muli %add3A_104, %mul3A_105 : i32
        %add3A_107 = arith.addi %mul3A_16, %mul3A_106 : i32
        %multiple_of3A_108 = tpu.assume_multiple %add3A_107, 8 : i32
        %dma_start3A_109 = tpu.memref_slice %arg5[%multiple_of3A_108] : memref<640000xi32, #tpu.memory_space<hbm>> -> memref<128xi32, #tpu.memory_space<hbm>>
        %dma_start3A_110 = tpu.memref_slice %arg5[%multiple_of3A_108] : memref<640000xi32, #tpu.memory_space<hbm>> -> memref<128xi32, #tpu.memory_space<hbm>>
        tpu.enqueue_dma source(%dma_start3A_110 : memref<128xi32, #tpu.memory_space<hbm>>) target(%arg11 : memref<128xi32, #tpu.memory_space<vmem>>) target_semaphore(%arg23 : memref<!tpu.dma_semaphore, #tpu.memory_space<semaphore_mem>>)
        %add3A_111 = arith.constant 320000 : i32
        %add3A_112 = arith.addi %add3A_111, %multiple_of3A_108 : i32
        %dma_start3A_113 = tpu.memref_slice %arg5[%add3A_112] : memref<640000xi32, #tpu.memory_space<hbm>> -> memref<128xi32, #tpu.memory_space<hbm>>
        %dma_start3A_114 = tpu.memref_slice %arg5[%add3A_112] : memref<640000xi32, #tpu.memory_space<hbm>> -> memref<128xi32, #tpu.memory_space<hbm>>
        tpu.enqueue_dma source(%dma_start3A_114 : memref<128xi32, #tpu.memory_space<hbm>>) target(%arg14 : memref<128xi32, #tpu.memory_space<vmem>>) target_semaphore(%arg23 : memref<!tpu.dma_semaphore, #tpu.memory_space<semaphore_mem>>)
        %dma_wait3A_115 = tpu.memref_slice %arg5[%multiple_of3A_108] : memref<640000xi32, #tpu.memory_space<hbm>> -> memref<128xi32, #tpu.memory_space<hbm>>
        %dma_wait3A_116 = tpu.memref_slice %arg5[%multiple_of3A_108] : memref<640000xi32, #tpu.memory_space<hbm>> -> memref<128xi32, #tpu.memory_space<hbm>>
        tpu.wait_dma2 semaphore(%arg23 : memref<!tpu.dma_semaphore, #tpu.memory_space<semaphore_mem>>) src(%dma_wait3A_116 : memref<128xi32, #tpu.memory_space<hbm>>) dst(%arg11 : memref<128xi32, #tpu.memory_space<vmem>>)
        %add3A_117 = arith.constant 320000 : i32
        %add3A_118 = arith.addi %add3A_117, %multiple_of3A_108 : i32
        %dma_wait3A_119 = tpu.memref_slice %arg5[%add3A_118] : memref<640000xi32, #tpu.memory_space<hbm>> -> memref<128xi32, #tpu.memory_space<hbm>>
        %dma_wait3A_120 = tpu.memref_slice %arg5[%add3A_118] : memref<640000xi32, #tpu.memory_space<hbm>> -> memref<128xi32, #tpu.memory_space<hbm>>
        tpu.wait_dma2 semaphore(%arg23 : memref<!tpu.dma_semaphore, #tpu.memory_space<semaphore_mem>>) src(%dma_wait3A_120 : memref<128xi32, #tpu.memory_space<hbm>>) dst(%arg14 : memref<128xi32, #tpu.memory_space<vmem>>)
        %dma_wait3A_121 = arith.constant 0 : i32
        %dma_wait3A_122 = arith.constant 0 : i32
        %dma_wait3A_123 = tpu.memref_slice %arg4[%dma_wait3A_121, %dma_wait3A_122] : memref<10000x128xf32, #tpu.memory_space<hbm>> -> memref<10000x128xf32, #tpu.memory_space<hbm>>
        tpu.wait_indirect_dma semaphore(%arg24 : memref<!tpu.dma_semaphore, #tpu.memory_space<semaphore_mem>>) src(%dma_wait3A_123 : memref<10000x128xf32, #tpu.memory_space<hbm>>) dst(%arg15 : memref<128x128xf32, #tpu.memory_space<vmem>>)
        %dma_start3A_124 = arith.constant 0 : i32
        %dma_start3A_125 = arith.constant 0 : i32
        %dma_start3A_126 = tpu.memref_slice %arg20[%dma_start3A_124, %dma_start3A_125] : memref<10000x128xf32, #tpu.memory_space<vmem_shared>> -> memref<10000x128xf32, #tpu.memory_space<vmem_shared>>
        tpu.enqueue_indirect_dma source(%arg15 : memref<128x128xf32, #tpu.memory_space<vmem>>) target(%dma_start3A_126 : memref<10000x128xf32, #tpu.memory_space<vmem_shared>>) offsets(%arg12 : memref<128xi32, #tpu.memory_space<vmem>>) semaphore(%arg27 : memref<!tpu.dma_semaphore, #tpu.memory_space<semaphore_mem>>) {add = true}
        %dma_start3A_127 = arith.constant 0 : i32
        %dma_start3A_128 = arith.constant 0 : i32
        %dma_start3A_129 = tpu.memref_slice %arg4[%dma_start3A_127, %dma_start3A_128] : memref<10000x128xf32, #tpu.memory_space<hbm>> -> memref<10000x128xf32, #tpu.memory_space<hbm>>
        tpu.enqueue_indirect_dma source(%dma_start3A_129 : memref<10000x128xf32, #tpu.memory_space<hbm>>) target(%arg17 : memref<128x128xf32, #tpu.memory_space<vmem>>) offsets(%arg11 : memref<128xi32, #tpu.memory_space<vmem>>) semaphore(%arg26 : memref<!tpu.dma_semaphore, #tpu.memory_space<semaphore_mem>>)
        %dma_wait3A_130 = arith.constant 0 : i32
        %dma_wait3A_131 = arith.constant 0 : i32
        %dma_wait3A_132 = tpu.memref_slice %arg20[%dma_wait3A_130, %dma_wait3A_131] : memref<10000x128xf32, #tpu.memory_space<vmem_shared>> -> memref<10000x128xf32, #tpu.memory_space<vmem_shared>>
        tpu.wait_indirect_dma semaphore(%arg27 : memref<!tpu.dma_semaphore, #tpu.memory_space<semaphore_mem>>) src(%arg15 : memref<128x128xf32, #tpu.memory_space<vmem>>) dst(%dma_wait3A_132 : memref<10000x128xf32, #tpu.memory_space<vmem_shared>>)
        %lt3A = arith.constant 51 : i32
        %lt3A_133 = arith.cmpi slt, %scan3A_93, %lt3A : i32
        %convert_element_type3A_134 = arith.extui %lt3A_133 : i1 to i32
        %cond3A_135 = arith.constant 0 : i32
        %cond3A_136 = arith.cmpi ne, %convert_element_type3A_134, %cond3A_135 : i32
        scf.if %cond3A_136 {
          %add3A_157 = arith.constant 3 : i32
          %add3A_158 = arith.addi %mul3A_95, %add3A_157 : i32
          %mul3A_159 = arith.constant 128 : i32
          %mul3A_160 = arith.muli %add3A_158, %mul3A_159 : i32
          %add3A_161 = arith.addi %mul3A_16, %mul3A_160 : i32
          %multiple_of3A_162 = tpu.assume_multiple %add3A_161, 8 : i32
          %dma_start3A_163 = tpu.memref_slice %arg5[%multiple_of3A_162] : memref<640000xi32, #tpu.memory_space<hbm>> -> memref<128xi32, #tpu.memory_space<hbm>>
          %dma_start3A_164 = tpu.memref_slice %arg5[%multiple_of3A_162] : memref<640000xi32, #tpu.memory_space<hbm>> -> memref<128xi32, #tpu.memory_space<hbm>>
          tpu.enqueue_dma source(%dma_start3A_164 : memref<128xi32, #tpu.memory_space<hbm>>) target(%arg9 : memref<128xi32, #tpu.memory_space<vmem>>) target_semaphore(%arg21 : memref<!tpu.dma_semaphore, #tpu.memory_space<semaphore_mem>>)
          %add3A_165 = arith.constant 320000 : i32
          %add3A_166 = arith.addi %add3A_165, %multiple_of3A_162 : i32
          %dma_start3A_167 = tpu.memref_slice %arg5[%add3A_166] : memref<640000xi32, #tpu.memory_space<hbm>> -> memref<128xi32, #tpu.memory_space<hbm>>
          %dma_start3A_168 = tpu.memref_slice %arg5[%add3A_166] : memref<640000xi32, #tpu.memory_space<hbm>> -> memref<128xi32, #tpu.memory_space<hbm>>
          tpu.enqueue_dma source(%dma_start3A_168 : memref<128xi32, #tpu.memory_space<hbm>>) target(%arg12 : memref<128xi32, #tpu.memory_space<vmem>>) target_semaphore(%arg21 : memref<!tpu.dma_semaphore, #tpu.memory_space<semaphore_mem>>)
          %dma_wait3A_169 = tpu.memref_slice %arg5[%multiple_of3A_162] : memref<640000xi32, #tpu.memory_space<hbm>> -> memref<128xi32, #tpu.memory_space<hbm>>
          %dma_wait3A_170 = tpu.memref_slice %arg5[%multiple_of3A_162] : memref<640000xi32, #tpu.memory_space<hbm>> -> memref<128xi32, #tpu.memory_space<hbm>>
          tpu.wait_dma2 semaphore(%arg21 : memref<!tpu.dma_semaphore, #tpu.memory_space<semaphore_mem>>) src(%dma_wait3A_170 : memref<128xi32, #tpu.memory_space<hbm>>) dst(%arg9 : memref<128xi32, #tpu.memory_space<vmem>>)
          %add3A_171 = arith.constant 320000 : i32
          %add3A_172 = arith.addi %add3A_171, %multiple_of3A_162 : i32
          %dma_wait3A_173 = tpu.memref_slice %arg5[%add3A_172] : memref<640000xi32, #tpu.memory_space<hbm>> -> memref<128xi32, #tpu.memory_space<hbm>>
          %dma_wait3A_174 = tpu.memref_slice %arg5[%add3A_172] : memref<640000xi32, #tpu.memory_space<hbm>> -> memref<128xi32, #tpu.memory_space<hbm>>
          tpu.wait_dma2 semaphore(%arg21 : memref<!tpu.dma_semaphore, #tpu.memory_space<semaphore_mem>>) src(%dma_wait3A_174 : memref<128xi32, #tpu.memory_space<hbm>>) dst(%arg12 : memref<128xi32, #tpu.memory_space<vmem>>)
          %dma_start3A_175 = arith.constant 0 : i32
          %dma_start3A_176 = arith.constant 0 : i32
          %dma_start3A_177 = tpu.memref_slice %arg4[%dma_start3A_175, %dma_start3A_176] : memref<10000x128xf32, #tpu.memory_space<hbm>> -> memref<10000x128xf32, #tpu.memory_space<hbm>>
          tpu.enqueue_indirect_dma source(%dma_start3A_177 : memref<10000x128xf32, #tpu.memory_space<hbm>>) target(%arg15 : memref<128x128xf32, #tpu.memory_space<vmem>>) offsets(%arg9 : memref<128xi32, #tpu.memory_space<vmem>>) semaphore(%arg24 : memref<!tpu.dma_semaphore, #tpu.memory_space<semaphore_mem>>)
        } else {
        }
        %dma_wait3A_137 = arith.constant 0 : i32
        %dma_wait3A_138 = arith.constant 0 : i32
        %dma_wait3A_139 = tpu.memref_slice %arg4[%dma_wait3A_137, %dma_wait3A_138] : memref<10000x128xf32, #tpu.memory_space<hbm>> -> memref<10000x128xf32, #tpu.memory_space<hbm>>
        tpu.wait_indirect_dma semaphore(%arg25 : memref<!tpu.dma_semaphore, #tpu.memory_space<semaphore_mem>>) src(%dma_wait3A_139 : memref<10000x128xf32, #tpu.memory_space<hbm>>) dst(%arg16 : memref<128x128xf32, #tpu.memory_space<vmem>>)
        %dma_start3A_140 = arith.constant 0 : i32
        %dma_start3A_141 = arith.constant 0 : i32
        %dma_start3A_142 = tpu.memref_slice %arg20[%dma_start3A_140, %dma_start3A_141] : memref<10000x128xf32, #tpu.memory_space<vmem_shared>> -> memref<10000x128xf32, #tpu.memory_space<vmem_shared>>
        tpu.enqueue_indirect_dma source(%arg16 : memref<128x128xf32, #tpu.memory_space<vmem>>) target(%dma_start3A_142 : memref<10000x128xf32, #tpu.memory_space<vmem_shared>>) offsets(%arg13 : memref<128xi32, #tpu.memory_space<vmem>>) semaphore(%arg28 : memref<!tpu.dma_semaphore, #tpu.memory_space<semaphore_mem>>) {add = true}
        %dma_wait3A_143 = arith.constant 0 : i32
        %dma_wait3A_144 = arith.constant 0 : i32
        %dma_wait3A_145 = tpu.memref_slice %arg20[%dma_wait3A_143, %dma_wait3A_144] : memref<10000x128xf32, #tpu.memory_space<vmem_shared>> -> memref<10000x128xf32, #tpu.memory_space<vmem_shared>>
        tpu.wait_indirect_dma semaphore(%arg28 : memref<!tpu.dma_semaphore, #tpu.memory_space<semaphore_mem>>) src(%arg16 : memref<128x128xf32, #tpu.memory_space<vmem>>) dst(%dma_wait3A_145 : memref<10000x128xf32, #tpu.memory_space<vmem_shared>>)
        %lt3A_146 = arith.constant 51 : i32
        %lt3A_147 = arith.cmpi slt, %scan3A_93, %lt3A_146 : i32
        %convert_element_type3A_148 = arith.extui %lt3A_147 : i1 to i32
        %cond3A_149 = arith.constant 0 : i32
        %cond3A_150 = arith.cmpi ne, %convert_element_type3A_148, %cond3A_149 : i32
        scf.if %cond3A_150 {
          %add3A_157 = arith.constant 4 : i32
          %add3A_158 = arith.addi %mul3A_95, %add3A_157 : i32
          %mul3A_159 = arith.constant 128 : i32
          %mul3A_160 = arith.muli %add3A_158, %mul3A_159 : i32
          %add3A_161 = arith.addi %mul3A_16, %mul3A_160 : i32
          %multiple_of3A_162 = tpu.assume_multiple %add3A_161, 8 : i32
          %dma_start3A_163 = tpu.memref_slice %arg5[%multiple_of3A_162] : memref<640000xi32, #tpu.memory_space<hbm>> -> memref<128xi32, #tpu.memory_space<hbm>>
          %dma_start3A_164 = tpu.memref_slice %arg5[%multiple_of3A_162] : memref<640000xi32, #tpu.memory_space<hbm>> -> memref<128xi32, #tpu.memory_space<hbm>>
          tpu.enqueue_dma source(%dma_start3A_164 : memref<128xi32, #tpu.memory_space<hbm>>) target(%arg10 : memref<128xi32, #tpu.memory_space<vmem>>) target_semaphore(%arg22 : memref<!tpu.dma_semaphore, #tpu.memory_space<semaphore_mem>>)
          %add3A_165 = arith.constant 320000 : i32
          %add3A_166 = arith.addi %add3A_165, %multiple_of3A_162 : i32
          %dma_start3A_167 = tpu.memref_slice %arg5[%add3A_166] : memref<640000xi32, #tpu.memory_space<hbm>> -> memref<128xi32, #tpu.memory_space<hbm>>
          %dma_start3A_168 = tpu.memref_slice %arg5[%add3A_166] : memref<640000xi32, #tpu.memory_space<hbm>> -> memref<128xi32, #tpu.memory_space<hbm>>
          tpu.enqueue_dma source(%dma_start3A_168 : memref<128xi32, #tpu.memory_space<hbm>>) target(%arg13 : memref<128xi32, #tpu.memory_space<vmem>>) target_semaphore(%arg22 : memref<!tpu.dma_semaphore, #tpu.memory_space<semaphore_mem>>)
          %dma_wait3A_169 = tpu.memref_slice %arg5[%multiple_of3A_162] : memref<640000xi32, #tpu.memory_space<hbm>> -> memref<128xi32, #tpu.memory_space<hbm>>
          %dma_wait3A_170 = tpu.memref_slice %arg5[%multiple_of3A_162] : memref<640000xi32, #tpu.memory_space<hbm>> -> memref<128xi32, #tpu.memory_space<hbm>>
          tpu.wait_dma2 semaphore(%arg22 : memref<!tpu.dma_semaphore, #tpu.memory_space<semaphore_mem>>) src(%dma_wait3A_170 : memref<128xi32, #tpu.memory_space<hbm>>) dst(%arg10 : memref<128xi32, #tpu.memory_space<vmem>>)
          %add3A_171 = arith.constant 320000 : i32
          %add3A_172 = arith.addi %add3A_171, %multiple_of3A_162 : i32
          %dma_wait3A_173 = tpu.memref_slice %arg5[%add3A_172] : memref<640000xi32, #tpu.memory_space<hbm>> -> memref<128xi32, #tpu.memory_space<hbm>>
          %dma_wait3A_174 = tpu.memref_slice %arg5[%add3A_172] : memref<640000xi32, #tpu.memory_space<hbm>> -> memref<128xi32, #tpu.memory_space<hbm>>
          tpu.wait_dma2 semaphore(%arg22 : memref<!tpu.dma_semaphore, #tpu.memory_space<semaphore_mem>>) src(%dma_wait3A_174 : memref<128xi32, #tpu.memory_space<hbm>>) dst(%arg13 : memref<128xi32, #tpu.memory_space<vmem>>)
        } else {
        }
        %dma_wait3A_151 = arith.constant 0 : i32
        %dma_wait3A_152 = arith.constant 0 : i32
        %dma_wait3A_153 = tpu.memref_slice %arg4[%dma_wait3A_151, %dma_wait3A_152] : memref<10000x128xf32, #tpu.memory_space<hbm>> -> memref<10000x128xf32, #tpu.memory_space<hbm>>
        tpu.wait_indirect_dma semaphore(%arg26 : memref<!tpu.dma_semaphore, #tpu.memory_space<semaphore_mem>>) src(%dma_wait3A_153 : memref<10000x128xf32, #tpu.memory_space<hbm>>) dst(%arg17 : memref<128x128xf32, #tpu.memory_space<vmem>>)
        %dma_start3A_154 = arith.constant 0 : i32
        %dma_start3A_155 = arith.constant 0 : i32
        %dma_start3A_156 = tpu.memref_slice %arg20[%dma_start3A_154, %dma_start3A_155] : memref<10000x128xf32, #tpu.memory_space<vmem_shared>> -> memref<10000x128xf32, #tpu.memory_space<vmem_shared>>
        tpu.enqueue_indirect_dma source(%arg17 : memref<128x128xf32, #tpu.memory_space<vmem>>) target(%dma_start3A_156 : memref<10000x128xf32, #tpu.memory_space<vmem_shared>>) offsets(%arg14 : memref<128xi32, #tpu.memory_space<vmem>>) semaphore(%arg29 : memref<!tpu.dma_semaphore, #tpu.memory_space<semaphore_mem>>) {add = true}
      }
      %scan3A_50 = arith.constant 52 : i32
      %add3A_51 = arith.constant 19968 : i32
      %add3A_52 = arith.addi %mul3A_16, %add3A_51 : i32
      %multiple_of3A_53 = tpu.assume_multiple %add3A_52, 8 : i32
      "tpu.region"() ({
        %run_scoped3A = tpu.sem_alloc : memref<!tpu.dma_semaphore, #tpu.memory_space<semaphore_mem>>
        %dma_start3A_93 = tpu.memref_slice %arg5[%multiple_of3A_53] : memref<640000xi32, #tpu.memory_space<hbm>> -> memref<32xi32, #tpu.memory_space<hbm>>
        %dma_start3A_94 = tpu.memref_slice %arg5[%multiple_of3A_53] : memref<640000xi32, #tpu.memory_space<hbm>> -> memref<32xi32, #tpu.memory_space<hbm>>
        tpu.enqueue_dma source(%dma_start3A_94 : memref<32xi32, #tpu.memory_space<hbm>>) target(%arg18 : memref<32xi32, #tpu.memory_space<vmem>>) target_semaphore(%run_scoped3A : memref<!tpu.dma_semaphore, #tpu.memory_space<semaphore_mem>>)
        %dma_wait3A_95 = tpu.memref_slice %arg5[%multiple_of3A_53] : memref<640000xi32, #tpu.memory_space<hbm>> -> memref<32xi32, #tpu.memory_space<hbm>>
        %dma_wait3A_96 = tpu.memref_slice %arg5[%multiple_of3A_53] : memref<640000xi32, #tpu.memory_space<hbm>> -> memref<32xi32, #tpu.memory_space<hbm>>
        tpu.wait_dma2 semaphore(%run_scoped3A : memref<!tpu.dma_semaphore, #tpu.memory_space<semaphore_mem>>) src(%dma_wait3A_96 : memref<32xi32, #tpu.memory_space<hbm>>) dst(%arg18 : memref<32xi32, #tpu.memory_space<vmem>>)
        tpu.yield
      }) : () -> ()
      %add3A_54 = arith.constant 320000 : i32
      %add3A_55 = arith.addi %add3A_54, %multiple_of3A_53 : i32
      "tpu.region"() ({
        %run_scoped3A = tpu.sem_alloc : memref<!tpu.dma_semaphore, #tpu.memory_space<semaphore_mem>>
        %dma_start3A_93 = tpu.memref_slice %arg5[%add3A_55] : memref<640000xi32, #tpu.memory_space<hbm>> -> memref<32xi32, #tpu.memory_space<hbm>>
        %dma_start3A_94 = tpu.memref_slice %arg5[%add3A_55] : memref<640000xi32, #tpu.memory_space<hbm>> -> memref<32xi32, #tpu.memory_space<hbm>>
        tpu.enqueue_dma source(%dma_start3A_94 : memref<32xi32, #tpu.memory_space<hbm>>) target(%arg19 : memref<32xi32, #tpu.memory_space<vmem>>) target_semaphore(%run_scoped3A : memref<!tpu.dma_semaphore, #tpu.memory_space<semaphore_mem>>)
        %dma_wait3A_95 = tpu.memref_slice %arg5[%add3A_55] : memref<640000xi32, #tpu.memory_space<hbm>> -> memref<32xi32, #tpu.memory_space<hbm>>
        %dma_wait3A_96 = tpu.memref_slice %arg5[%add3A_55] : memref<640000xi32, #tpu.memory_space<hbm>> -> memref<32xi32, #tpu.memory_space<hbm>>
        tpu.wait_dma2 semaphore(%run_scoped3A : memref<!tpu.dma_semaphore, #tpu.memory_space<semaphore_mem>>) src(%dma_wait3A_96 : memref<32xi32, #tpu.memory_space<hbm>>) dst(%arg19 : memref<32xi32, #tpu.memory_space<vmem>>)
        tpu.yield
      }) : () -> ()
      %dma_start3A_56 = arith.constant 0 : i32
      %dma_start3A_57 = arith.constant 0 : i32
      %dma_start3A_58 = tpu.memref_slice %arg15[%dma_start3A_56, %dma_start3A_57] : memref<128x128xf32, #tpu.memory_space<vmem>> -> memref<32x128xf32, #tpu.memory_space<vmem>>
      %dma_start3A_59 = arith.constant 0 : i32
      %dma_start3A_60 = arith.constant 0 : i32
      %dma_start3A_61 = tpu.memref_slice %arg4[%dma_start3A_59, %dma_start3A_60] : memref<10000x128xf32, #tpu.memory_space<hbm>> -> memref<10000x128xf32, #tpu.memory_space<hbm>>
      tpu.enqueue_indirect_dma source(%dma_start3A_61 : memref<10000x128xf32, #tpu.memory_space<hbm>>) target(%dma_start3A_58 : memref<32x128xf32, #tpu.memory_space<vmem>>) offsets(%arg18 : memref<32xi32, #tpu.memory_space<vmem>>) semaphore(%arg24 : memref<!tpu.dma_semaphore, #tpu.memory_space<semaphore_mem>>)
      %dma_wait3A_62 = arith.constant 0 : i32
      %dma_wait3A_63 = arith.constant 0 : i32
      %dma_wait3A_64 = tpu.memref_slice %arg15[%dma_wait3A_62, %dma_wait3A_63] : memref<128x128xf32, #tpu.memory_space<vmem>> -> memref<32x128xf32, #tpu.memory_space<vmem>>
      %dma_wait3A_65 = arith.constant 0 : i32
      %dma_wait3A_66 = arith.constant 0 : i32
      %dma_wait3A_67 = tpu.memref_slice %arg4[%dma_wait3A_65, %dma_wait3A_66] : memref<10000x128xf32, #tpu.memory_space<hbm>> -> memref<10000x128xf32, #tpu.memory_space<hbm>>
      tpu.wait_indirect_dma semaphore(%arg24 : memref<!tpu.dma_semaphore, #tpu.memory_space<semaphore_mem>>) src(%dma_wait3A_67 : memref<10000x128xf32, #tpu.memory_space<hbm>>) dst(%dma_wait3A_64 : memref<32x128xf32, #tpu.memory_space<vmem>>)
      %dma_start3A_68 = arith.constant 0 : i32
      %dma_start3A_69 = arith.constant 0 : i32
      %dma_start3A_70 = tpu.memref_slice %arg15[%dma_start3A_68, %dma_start3A_69] : memref<128x128xf32, #tpu.memory_space<vmem>> -> memref<32x128xf32, #tpu.memory_space<vmem>>
      %dma_start3A_71 = arith.constant 0 : i32
      %dma_start3A_72 = arith.constant 0 : i32
      %dma_start3A_73 = tpu.memref_slice %arg20[%dma_start3A_71, %dma_start3A_72] : memref<10000x128xf32, #tpu.memory_space<vmem_shared>> -> memref<10000x128xf32, #tpu.memory_space<vmem_shared>>
      tpu.enqueue_indirect_dma source(%dma_start3A_70 : memref<32x128xf32, #tpu.memory_space<vmem>>) target(%dma_start3A_73 : memref<10000x128xf32, #tpu.memory_space<vmem_shared>>) offsets(%arg19 : memref<32xi32, #tpu.memory_space<vmem>>) semaphore(%arg27 : memref<!tpu.dma_semaphore, #tpu.memory_space<semaphore_mem>>) {add = true}
      %dma_wait3A_74 = arith.constant 0 : i32
      %dma_wait3A_75 = arith.constant 0 : i32
      %dma_wait3A_76 = tpu.memref_slice %arg15[%dma_wait3A_74, %dma_wait3A_75] : memref<128x128xf32, #tpu.memory_space<vmem>> -> memref<32x128xf32, #tpu.memory_space<vmem>>
      %dma_wait3A_77 = arith.constant 0 : i32
      %dma_wait3A_78 = arith.constant 0 : i32
      %dma_wait3A_79 = tpu.memref_slice %arg20[%dma_wait3A_77, %dma_wait3A_78] : memref<10000x128xf32, #tpu.memory_space<vmem_shared>> -> memref<10000x128xf32, #tpu.memory_space<vmem_shared>>
      tpu.wait_indirect_dma semaphore(%arg27 : memref<!tpu.dma_semaphore, #tpu.memory_space<semaphore_mem>>) src(%dma_wait3A_76 : memref<32x128xf32, #tpu.memory_space<vmem>>) dst(%dma_wait3A_79 : memref<10000x128xf32, #tpu.memory_space<vmem_shared>>)
      %dma_wait3A_80 = arith.constant 0 : i32
      %dma_wait3A_81 = arith.constant 0 : i32
      %dma_wait3A_82 = tpu.memref_slice %arg20[%dma_wait3A_80, %dma_wait3A_81] : memref<10000x128xf32, #tpu.memory_space<vmem_shared>> -> memref<10000x128xf32, #tpu.memory_space<vmem_shared>>
      tpu.wait_indirect_dma semaphore(%arg29 : memref<!tpu.dma_semaphore, #tpu.memory_space<semaphore_mem>>) src(%arg17 : memref<128x128xf32, #tpu.memory_space<vmem>>) dst(%dma_wait3A_82 : memref<10000x128xf32, #tpu.memory_space<vmem_shared>>)
      %barrier3A_83 = arith.constant 0 : index
      tpu.barrier barrier_id(%barrier3A_83)
      %mul3A_84 = arith.constant 624 : i32
      %mul3A_85 = arith.muli %arg1, %mul3A_84 : i32
      %mul3A_86 = arith.constant 624 : i32
      %mul3A_87 = arith.muli %arg1, %mul3A_86 : i32
      "tpu.region"() ({
        %run_scoped3A = tpu.sem_alloc : memref<!tpu.dma_semaphore, #tpu.memory_space<semaphore_mem>>
        %dma_start3A_93 = arith.constant 0 : i32
        %dma_start3A_94 = tpu.memref_slice %arg8[%mul3A_87, %dma_start3A_93] : memref<10000x128xf32, #tpu.memory_space<hbm>> -> memref<624x128xf32, #tpu.memory_space<hbm>>
        %dma_start3A_95 = arith.constant 0 : i32
        %dma_start3A_96 = tpu.memref_slice %arg20[%mul3A_85, %dma_start3A_95] : memref<10000x128xf32, #tpu.memory_space<vmem_shared>> -> memref<624x128xf32, #tpu.memory_space<vmem_shared>>
        tpu.enqueue_dma source(%dma_start3A_96 : memref<624x128xf32, #tpu.memory_space<vmem_shared>>) target(%dma_start3A_94 : memref<624x128xf32, #tpu.memory_space<hbm>>) target_semaphore(%run_scoped3A : memref<!tpu.dma_semaphore, #tpu.memory_space<semaphore_mem>>)
        %dma_wait3A_97 = arith.constant 0 : i32
        %dma_wait3A_98 = tpu.memref_slice %arg8[%mul3A_87, %dma_wait3A_97] : memref<10000x128xf32, #tpu.memory_space<hbm>> -> memref<624x128xf32, #tpu.memory_space<hbm>>
        %dma_wait3A_99 = arith.constant 0 : i32
        %dma_wait3A_100 = tpu.memref_slice %arg20[%mul3A_85, %dma_wait3A_99] : memref<10000x128xf32, #tpu.memory_space<vmem_shared>> -> memref<624x128xf32, #tpu.memory_space<vmem_shared>>
        tpu.wait_dma2 semaphore(%run_scoped3A : memref<!tpu.dma_semaphore, #tpu.memory_space<semaphore_mem>>) src(%dma_wait3A_100 : memref<624x128xf32, #tpu.memory_space<vmem_shared>>) dst(%dma_wait3A_98 : memref<624x128xf32, #tpu.memory_space<hbm>>)
        tpu.yield
      }) : () -> ()
      %eq3A_88 = arith.constant 15 : i32
      %eq3A_89 = arith.cmpi eq, %arg1, %eq3A_88 : i32
      %convert_element_type3A_90 = arith.extui %eq3A_89 : i1 to i32
      %cond3A_91 = arith.constant 0 : i32
      %cond3A_92 = arith.cmpi ne, %convert_element_type3A_90, %cond3A_91 : i32
      scf.if %cond3A_92 {
        "tpu.region"() ({
          %run_scoped3A = tpu.sem_alloc : memref<!tpu.dma_semaphore, #tpu.memory_space<semaphore_mem>>
          %dma_start3A_93 = arith.constant 9984 : i32
          %dma_start3A_94 = arith.constant 0 : i32
          %dma_start3A_95 = tpu.memref_slice %arg8[%dma_start3A_93, %dma_start3A_94] : memref<10000x128xf32, #tpu.memory_space<hbm>> -> memref<16x128xf32, #tpu.memory_space<hbm>>
          %dma_start3A_96 = arith.constant 9984 : i32
          %dma_start3A_97 = arith.constant 0 : i32
          %dma_start3A_98 = tpu.memref_slice %arg20[%dma_start3A_96, %dma_start3A_97] : memref<10000x128xf32, #tpu.memory_space<vmem_shared>> -> memref<16x128xf32, #tpu.memory_space<vmem_shared>>
          tpu.enqueue_dma source(%dma_start3A_98 : memref<16x128xf32, #tpu.memory_space<vmem_shared>>) target(%dma_start3A_95 : memref<16x128xf32, #tpu.memory_space<hbm>>) target_semaphore(%run_scoped3A : memref<!tpu.dma_semaphore, #tpu.memory_space<semaphore_mem>>)
          %dma_wait3A_99 = arith.constant 9984 : i32
          %dma_wait3A_100 = arith.constant 0 : i32
          %dma_wait3A_101 = tpu.memref_slice %arg8[%dma_wait3A_99, %dma_wait3A_100] : memref<10000x128xf32, #tpu.memory_space<hbm>> -> memref<16x128xf32, #tpu.memory_space<hbm>>
          %dma_wait3A_102 = arith.constant 9984 : i32
          %dma_wait3A_103 = arith.constant 0 : i32
          %dma_wait3A_104 = tpu.memref_slice %arg20[%dma_wait3A_102, %dma_wait3A_103] : memref<10000x128xf32, #tpu.memory_space<vmem_shared>> -> memref<16x128xf32, #tpu.memory_space<vmem_shared>>
          tpu.wait_dma2 semaphore(%run_scoped3A : memref<!tpu.dma_semaphore, #tpu.memory_space<semaphore_mem>>) src(%dma_wait3A_104 : memref<16x128xf32, #tpu.memory_space<vmem_shared>>) dst(%dma_wait3A_101 : memref<16x128xf32, #tpu.memory_space<hbm>>)
          tpu.yield
        }) : () -> ()
      } else {
      }
    } else {
    }
    return
  }
}

#map = affine_map<(d0, d1) -> (0, 0)>
#map1 = affine_map<(d0, d1) -> (0)>
#map2 = affine_map<(d0, d1) -> (0, 0, 0)>
module attributes {stable_mosaic.version = 14 : i64} {
  func.func @_seg_body(%arg0: i32, %arg1: i32, %arg2: memref<10000x128xf32, #tpu.memory_space<hbm>>, %arg3: memref<640000xi32, #tpu.memory_space<hbm>>, %arg4: memref<10000x128xf32, #tpu.memory_space<hbm>>, %arg5: memref<640000xi32, #tpu.memory_space<hbm>>, %arg6: memref<10000x128xf32, #tpu.memory_space<hbm>>, %arg7: memref<10000x128xf32, #tpu.memory_space<hbm>>, %arg8: memref<10000x128xf32, #tpu.memory_space<hbm>>, %arg9: memref<2x16x10000xf32, #tpu.memory_space<hbm>>, %arg10: memref<128xi32, #tpu.memory_space<vmem>>, %arg11: memref<128xi32, #tpu.memory_space<vmem>>, %arg12: memref<128xi32, #tpu.memory_space<vmem>>, %arg13: memref<128xi32, #tpu.memory_space<vmem>>, %arg14: memref<128x128xf32, #tpu.memory_space<vmem>>, %arg15: memref<128x128xf32, #tpu.memory_space<vmem>>, %arg16: memref<32xi32, #tpu.memory_space<vmem>>, %arg17: memref<32xi32, #tpu.memory_space<vmem>>, %arg18: memref<10000xf32, #tpu.memory_space<vmem>>, %arg19: memref<10000x128xf32, #tpu.memory_space<vmem_shared>>, %arg20: memref<!tpu.dma_semaphore, #tpu.memory_space<semaphore_mem>>, %arg21: memref<!tpu.dma_semaphore, #tpu.memory_space<semaphore_mem>>, %arg22: memref<!tpu.dma_semaphore, #tpu.memory_space<semaphore_mem>>, %arg23: memref<!tpu.dma_semaphore, #tpu.memory_space<semaphore_mem>>, %arg24: memref<!tpu.dma_semaphore, #tpu.memory_space<semaphore_mem>>, %arg25: memref<!tpu.dma_semaphore, #tpu.memory_space<semaphore_mem>>) attributes {dimension_semantics = [#tpu.dimension_semantics<core_parallel>, #tpu.dimension_semantics<subcore_parallel>], iteration_bounds = array<i64: 2, 16>, scalar_prefetch = 0 : i64, scratch_operands = 16 : i64, tpu.core_type = #tpu.core_type<sc_vector_subcore>, window_params = [{transform_indices = #map}, {transform_indices = #map1}, {transform_indices = #map}, {transform_indices = #map1}, {transform_indices = #map}, {transform_indices = #map}, {transform_indices = #map}, {transform_indices = #map2}]} {
    %mul3A = arith.constant 624 : i32
    %mul3A_0 = arith.muli %arg1, %mul3A : i32
    %mul3A_1 = arith.constant 624 : i32
    %mul3A_2 = arith.muli %arg1, %mul3A_1 : i32
    "tpu.region"() ({
      %run_scoped3A = tpu.sem_alloc : memref<!tpu.dma_semaphore, #tpu.memory_space<semaphore_mem>>
      %dma_start3A = arith.constant 0 : i32
      %dma_start3A_20 = tpu.memref_slice %arg19[%mul3A_2, %dma_start3A] : memref<10000x128xf32, #tpu.memory_space<vmem_shared>> -> memref<624x128xf32, #tpu.memory_space<vmem_shared>>
      %dma_start3A_21 = arith.constant 0 : i32
      %dma_start3A_22 = tpu.memref_slice %arg6[%mul3A_0, %dma_start3A_21] : memref<10000x128xf32, #tpu.memory_space<hbm>> -> memref<624x128xf32, #tpu.memory_space<hbm>>
      tpu.enqueue_dma source(%dma_start3A_22 : memref<624x128xf32, #tpu.memory_space<hbm>>) target(%dma_start3A_20 : memref<624x128xf32, #tpu.memory_space<vmem_shared>>) target_semaphore(%run_scoped3A : memref<!tpu.dma_semaphore, #tpu.memory_space<semaphore_mem>>)
      %dma_wait3A = arith.constant 0 : i32
      %dma_wait3A_23 = tpu.memref_slice %arg19[%mul3A_2, %dma_wait3A] : memref<10000x128xf32, #tpu.memory_space<vmem_shared>> -> memref<624x128xf32, #tpu.memory_space<vmem_shared>>
      %dma_wait3A_24 = arith.constant 0 : i32
      %dma_wait3A_25 = tpu.memref_slice %arg6[%mul3A_0, %dma_wait3A_24] : memref<10000x128xf32, #tpu.memory_space<hbm>> -> memref<624x128xf32, #tpu.memory_space<hbm>>
      tpu.wait_dma2 semaphore(%run_scoped3A : memref<!tpu.dma_semaphore, #tpu.memory_space<semaphore_mem>>) src(%dma_wait3A_25 : memref<624x128xf32, #tpu.memory_space<hbm>>) dst(%dma_wait3A_23 : memref<624x128xf32, #tpu.memory_space<vmem_shared>>)
      tpu.yield
    }) : () -> ()
    %eq3A = arith.constant 15 : i32
    %eq3A_3 = arith.cmpi eq, %arg1, %eq3A : i32
    %convert_element_type3A = arith.extui %eq3A_3 : i1 to i32
    %cond3A = arith.constant 0 : i32
    %cond3A_4 = arith.cmpi ne, %convert_element_type3A, %cond3A : i32
    scf.if %cond3A_4 {
      "tpu.region"() ({
        %run_scoped3A = tpu.sem_alloc : memref<!tpu.dma_semaphore, #tpu.memory_space<semaphore_mem>>
        %dma_start3A = arith.constant 9984 : i32
        %dma_start3A_20 = arith.constant 0 : i32
        %dma_start3A_21 = tpu.memref_slice %arg19[%dma_start3A, %dma_start3A_20] : memref<10000x128xf32, #tpu.memory_space<vmem_shared>> -> memref<16x128xf32, #tpu.memory_space<vmem_shared>>
        %dma_start3A_22 = arith.constant 9984 : i32
        %dma_start3A_23 = arith.constant 0 : i32
        %dma_start3A_24 = tpu.memref_slice %arg6[%dma_start3A_22, %dma_start3A_23] : memref<10000x128xf32, #tpu.memory_space<hbm>> -> memref<16x128xf32, #tpu.memory_space<hbm>>
        tpu.enqueue_dma source(%dma_start3A_24 : memref<16x128xf32, #tpu.memory_space<hbm>>) target(%dma_start3A_21 : memref<16x128xf32, #tpu.memory_space<vmem_shared>>) target_semaphore(%run_scoped3A : memref<!tpu.dma_semaphore, #tpu.memory_space<semaphore_mem>>)
        %dma_wait3A = arith.constant 9984 : i32
        %dma_wait3A_25 = arith.constant 0 : i32
        %dma_wait3A_26 = tpu.memref_slice %arg19[%dma_wait3A, %dma_wait3A_25] : memref<10000x128xf32, #tpu.memory_space<vmem_shared>> -> memref<16x128xf32, #tpu.memory_space<vmem_shared>>
        %dma_wait3A_27 = arith.constant 9984 : i32
        %dma_wait3A_28 = arith.constant 0 : i32
        %dma_wait3A_29 = tpu.memref_slice %arg6[%dma_wait3A_27, %dma_wait3A_28] : memref<10000x128xf32, #tpu.memory_space<hbm>> -> memref<16x128xf32, #tpu.memory_space<hbm>>
        tpu.wait_dma2 semaphore(%run_scoped3A : memref<!tpu.dma_semaphore, #tpu.memory_space<semaphore_mem>>) src(%dma_wait3A_29 : memref<16x128xf32, #tpu.memory_space<hbm>>) dst(%dma_wait3A_26 : memref<16x128xf32, #tpu.memory_space<vmem_shared>>)
        tpu.yield
      }) : () -> ()
    } else {
    }
    %scan3A = arith.constant 0 : i32
    %scan3A_5 = arith.constant 0 : i32
    %scan3A_6 = arith.constant 625 : i32
    %scan3A_7 = arith.addi %scan3A_5, %scan3A_6 : i32
    %scan3A_8 = arith.constant 1 : i32
    scf.for %scan3A_20 = %scan3A_5 to %scan3A_7 step %scan3A_8  : i32 {
      %broadcast_in_dim3A = arith.constant 0.000000e+00 : f32
      %broadcast_in_dim3A_21 = vector.broadcast %broadcast_in_dim3A : f32 to vector<16xf32>
      %mul3A_22 = arith.constant 16 : i32
      %mul3A_23 = arith.muli %scan3A_20, %mul3A_22 : i32
      %multiple_of3A = tpu.assume_multiple %mul3A_23, 16 : i32
      %swap3A = arith.index_cast %multiple_of3A : i32 to index
      %swap3A_24 = tpu.vector_load %arg18[%swap3A] {strides = array<i32>} : memref<10000xf32, #tpu.memory_space<vmem>>, vector<16xf32>,
      tpu.vector_store %arg18[%swap3A], %broadcast_in_dim3A_21 {strides = array<i32>} : memref<10000xf32, #tpu.memory_space<vmem>>, vector<16xf32>,
    }
    %scan3A_9 = arith.constant 625 : i32
    %barrier3A = arith.constant 0 : index
    tpu.barrier barrier_id(%barrier3A)
    %eq3A_10 = arith.constant 0 : i32
    %eq3A_11 = arith.cmpi eq, %arg0, %eq3A_10 : i32
    %convert_element_type3A_12 = arith.extui %eq3A_11 : i1 to i32
    %cond3A_13 = arith.constant 0 : i32
    %cond3A_14 = arith.cmpi ne, %convert_element_type3A_12, %cond3A_13 : i32
    scf.if %cond3A_14 {
      %mul3A_20 = arith.constant 20000 : i32
      %mul3A_21 = arith.muli %arg1, %mul3A_20 : i32
      %add3A = arith.constant 0 : i32
      %add3A_22 = arith.addi %mul3A_21, %add3A : i32
      %multiple_of3A = tpu.assume_multiple %add3A_22, 8 : i32
      %dma_start3A = tpu.memref_slice %arg3[%multiple_of3A] : memref<640000xi32, #tpu.memory_space<hbm>> -> memref<128xi32, #tpu.memory_space<hbm>>
      %dma_start3A_23 = tpu.memref_slice %arg3[%multiple_of3A] : memref<640000xi32, #tpu.memory_space<hbm>> -> memref<128xi32, #tpu.memory_space<hbm>>
      tpu.enqueue_dma source(%dma_start3A_23 : memref<128xi32, #tpu.memory_space<hbm>>) target(%arg10 : memref<128xi32, #tpu.memory_space<vmem>>) target_semaphore(%arg20 : memref<!tpu.dma_semaphore, #tpu.memory_space<semaphore_mem>>)
      %add3A_24 = arith.constant 320000 : i32
      %add3A_25 = arith.addi %add3A_24, %multiple_of3A : i32
      %dma_start3A_26 = tpu.memref_slice %arg3[%add3A_25] : memref<640000xi32, #tpu.memory_space<hbm>> -> memref<128xi32, #tpu.memory_space<hbm>>
      %dma_start3A_27 = tpu.memref_slice %arg3[%add3A_25] : memref<640000xi32, #tpu.memory_space<hbm>> -> memref<128xi32, #tpu.memory_space<hbm>>
      tpu.enqueue_dma source(%dma_start3A_27 : memref<128xi32, #tpu.memory_space<hbm>>) target(%arg12 : memref<128xi32, #tpu.memory_space<vmem>>) target_semaphore(%arg20 : memref<!tpu.dma_semaphore, #tpu.memory_space<semaphore_mem>>)
      %dma_wait3A = tpu.memref_slice %arg3[%multiple_of3A] : memref<640000xi32, #tpu.memory_space<hbm>> -> memref<128xi32, #tpu.memory_space<hbm>>
      %dma_wait3A_28 = tpu.memref_slice %arg3[%multiple_of3A] : memref<640000xi32, #tpu.memory_space<hbm>> -> memref<128xi32, #tpu.memory_space<hbm>>
      tpu.wait_dma2 semaphore(%arg20 : memref<!tpu.dma_semaphore, #tpu.memory_space<semaphore_mem>>) src(%dma_wait3A_28 : memref<128xi32, #tpu.memory_space<hbm>>) dst(%arg10 : memref<128xi32, #tpu.memory_space<vmem>>)
      %add3A_29 = arith.constant 320000 : i32
      %add3A_30 = arith.addi %add3A_29, %multiple_of3A : i32
      %dma_wait3A_31 = tpu.memref_slice %arg3[%add3A_30] : memref<640000xi32, #tpu.memory_space<hbm>> -> memref<128xi32, #tpu.memory_space<hbm>>
      %dma_wait3A_32 = tpu.memref_slice %arg3[%add3A_30] : memref<640000xi32, #tpu.memory_space<hbm>> -> memref<128xi32, #tpu.memory_space<hbm>>
      tpu.wait_dma2 semaphore(%arg20 : memref<!tpu.dma_semaphore, #tpu.memory_space<semaphore_mem>>) src(%dma_wait3A_32 : memref<128xi32, #tpu.memory_space<hbm>>) dst(%arg12 : memref<128xi32, #tpu.memory_space<vmem>>)
      %broadcast_in_dim3A = arith.constant 1.000000e+00 : f32
      %broadcast_in_dim3A_33 = vector.broadcast %broadcast_in_dim3A : f32 to vector<16xf32>
      %get3A = arith.constant 0 : index
      %get3A_34 = tpu.vector_load %arg12[%get3A] {strides = array<i32>} : memref<128xi32, #tpu.memory_space<vmem>>, vector<16xi32>,
      tpu.vector_store_idx %arg18[%get3A_34], %broadcast_in_dim3A_33 {add = true} : memref<10000xf32, #tpu.memory_space<vmem>>[vector<16xi32>], vector<16xf32>,
      %get3A_35 = arith.constant 16 : index
      %get3A_36 = tpu.vector_load %arg12[%get3A_35] {strides = array<i32>} : memref<128xi32, #tpu.memory_space<vmem>>, vector<16xi32>,
      tpu.vector_store_idx %arg18[%get3A_36], %broadcast_in_dim3A_33 {add = true} : memref<10000xf32, #tpu.memory_space<vmem>>[vector<16xi32>], vector<16xf32>,
      %get3A_37 = arith.constant 32 : index
      %get3A_38 = tpu.vector_load %arg12[%get3A_37] {strides = array<i32>} : memref<128xi32, #tpu.memory_space<vmem>>, vector<16xi32>,
      tpu.vector_store_idx %arg18[%get3A_38], %broadcast_in_dim3A_33 {add = true} : memref<10000xf32, #tpu.memory_space<vmem>>[vector<16xi32>], vector<16xf32>,
      %get3A_39 = arith.constant 48 : index
      %get3A_40 = tpu.vector_load %arg12[%get3A_39] {strides = array<i32>} : memref<128xi32, #tpu.memory_space<vmem>>, vector<16xi32>,
      tpu.vector_store_idx %arg18[%get3A_40], %broadcast_in_dim3A_33 {add = true} : memref<10000xf32, #tpu.memory_space<vmem>>[vector<16xi32>], vector<16xf32>,
      %get3A_41 = arith.constant 64 : index
      %get3A_42 = tpu.vector_load %arg12[%get3A_41] {strides = array<i32>} : memref<128xi32, #tpu.memory_space<vmem>>, vector<16xi32>,
      tpu.vector_store_idx %arg18[%get3A_42], %broadcast_in_dim3A_33 {add = true} : memref<10000xf32, #tpu.memory_space<vmem>>[vector<16xi32>], vector<16xf32>,
      %get3A_43 = arith.constant 80 : index
      %get3A_44 = tpu.vector_load %arg12[%get3A_43] {strides = array<i32>} : memref<128xi32, #tpu.memory_space<vmem>>, vector<16xi32>,
      tpu.vector_store_idx %arg18[%get3A_44], %broadcast_in_dim3A_33 {add = true} : memref<10000xf32, #tpu.memory_space<vmem>>[vector<16xi32>], vector<16xf32>,
      %get3A_45 = arith.constant 96 : index
      %get3A_46 = tpu.vector_load %arg12[%get3A_45] {strides = array<i32>} : memref<128xi32, #tpu.memory_space<vmem>>, vector<16xi32>,
      tpu.vector_store_idx %arg18[%get3A_46], %broadcast_in_dim3A_33 {add = true} : memref<10000xf32, #tpu.memory_space<vmem>>[vector<16xi32>], vector<16xf32>,
      %get3A_47 = arith.constant 112 : index
      %get3A_48 = tpu.vector_load %arg12[%get3A_47] {strides = array<i32>} : memref<128xi32, #tpu.memory_space<vmem>>, vector<16xi32>,
      tpu.vector_store_idx %arg18[%get3A_48], %broadcast_in_dim3A_33 {add = true} : memref<10000xf32, #tpu.memory_space<vmem>>[vector<16xi32>], vector<16xf32>,
      %dma_start3A_49 = arith.constant 0 : i32
      %dma_start3A_50 = arith.constant 0 : i32
      %dma_start3A_51 = tpu.memref_slice %arg2[%dma_start3A_49, %dma_start3A_50] : memref<10000x128xf32, #tpu.memory_space<hbm>> -> memref<10000x128xf32, #tpu.memory_space<hbm>>
      tpu.enqueue_indirect_dma source(%dma_start3A_51 : memref<10000x128xf32, #tpu.memory_space<hbm>>) target(%arg14 : memref<128x128xf32, #tpu.memory_space<vmem>>) offsets(%arg10 : memref<128xi32, #tpu.memory_space<vmem>>) semaphore(%arg22 : memref<!tpu.dma_semaphore, #tpu.memory_space<semaphore_mem>>)
      %scan3A_52 = arith.constant 0 : i32
      %scan3A_53 = arith.constant 0 : i32
      %scan3A_54 = arith.constant 78 : i32
      %scan3A_55 = arith.addi %scan3A_53, %scan3A_54 : i32
      %scan3A_56 = arith.constant 1 : i32
      scf.for %scan3A_106 = %scan3A_53 to %scan3A_55 step %scan3A_56  : i32 {
        %mul3A_107 = arith.constant 2 : i32
        %mul3A_108 = arith.muli %scan3A_106, %mul3A_107 : i32
        %gt3A = arith.constant 0 : i32
        %gt3A_109 = arith.cmpi sgt, %scan3A_106, %gt3A : i32
        %convert_element_type3A_110 = arith.extui %gt3A_109 : i1 to i32
        %cond3A_111 = arith.constant 0 : i32
        %cond3A_112 = arith.cmpi ne, %convert_element_type3A_110, %cond3A_111 : i32
        scf.if %cond3A_112 {
          %dma_wait3A_171 = arith.constant 0 : i32
          %dma_wait3A_172 = arith.constant 0 : i32
          %dma_wait3A_173 = tpu.memref_slice %arg19[%dma_wait3A_171, %dma_wait3A_172] : memref<10000x128xf32, #tpu.memory_space<vmem_shared>> -> memref<10000x128xf32, #tpu.memory_space<vmem_shared>>
          tpu.wait_indirect_dma semaphore(%arg25 : memref<!tpu.dma_semaphore, #tpu.memory_space<semaphore_mem>>) src(%arg15 : memref<128x128xf32, #tpu.memory_space<vmem>>) dst(%dma_wait3A_173 : memref<10000x128xf32, #tpu.memory_space<vmem_shared>>)
        } else {
        }
        %add3A_113 = arith.constant 1 : i32
        %add3A_114 = arith.addi %mul3A_108, %add3A_113 : i32
        %mul3A_115 = arith.constant 128 : i32
        %mul3A_116 = arith.muli %add3A_114, %mul3A_115 : i32
        %add3A_117 = arith.addi %mul3A_21, %mul3A_116 : i32
        %multiple_of3A_118 = tpu.assume_multiple %add3A_117, 8 : i32
        %dma_start3A_119 = tpu.memref_slice %arg3[%multiple_of3A_118] : memref<640000xi32, #tpu.memory_space<hbm>> -> memref<128xi32, #tpu.memory_space<hbm>>
        %dma_start3A_120 = tpu.memref_slice %arg3[%multiple_of3A_118] : memref<640000xi32, #tpu.memory_space<hbm>> -> memref<128xi32, #tpu.memory_space<hbm>>
        tpu.enqueue_dma source(%dma_start3A_120 : memref<128xi32, #tpu.memory_space<hbm>>) target(%arg11 : memref<128xi32, #tpu.memory_space<vmem>>) target_semaphore(%arg21 : memref<!tpu.dma_semaphore, #tpu.memory_space<semaphore_mem>>)
        %add3A_121 = arith.constant 320000 : i32
        %add3A_122 = arith.addi %add3A_121, %multiple_of3A_118 : i32
        %dma_start3A_123 = tpu.memref_slice %arg3[%add3A_122] : memref<640000xi32, #tpu.memory_space<hbm>> -> memref<128xi32, #tpu.memory_space<hbm>>
        %dma_start3A_124 = tpu.memref_slice %arg3[%add3A_122] : memref<640000xi32, #tpu.memory_space<hbm>> -> memref<128xi32, #tpu.memory_space<hbm>>
        tpu.enqueue_dma source(%dma_start3A_124 : memref<128xi32, #tpu.memory_space<hbm>>) target(%arg13 : memref<128xi32, #tpu.memory_space<vmem>>) target_semaphore(%arg21 : memref<!tpu.dma_semaphore, #tpu.memory_space<semaphore_mem>>)
        %dma_wait3A_125 = tpu.memref_slice %arg3[%multiple_of3A_118] : memref<640000xi32, #tpu.memory_space<hbm>> -> memref<128xi32, #tpu.memory_space<hbm>>
        %dma_wait3A_126 = tpu.memref_slice %arg3[%multiple_of3A_118] : memref<640000xi32, #tpu.memory_space<hbm>> -> memref<128xi32, #tpu.memory_space<hbm>>
        tpu.wait_dma2 semaphore(%arg21 : memref<!tpu.dma_semaphore, #tpu.memory_space<semaphore_mem>>) src(%dma_wait3A_126 : memref<128xi32, #tpu.memory_space<hbm>>) dst(%arg11 : memref<128xi32, #tpu.memory_space<vmem>>)
        %add3A_127 = arith.constant 320000 : i32
        %add3A_128 = arith.addi %add3A_127, %multiple_of3A_118 : i32
        %dma_wait3A_129 = tpu.memref_slice %arg3[%add3A_128] : memref<640000xi32, #tpu.memory_space<hbm>> -> memref<128xi32, #tpu.memory_space<hbm>>
        %dma_wait3A_130 = tpu.memref_slice %arg3[%add3A_128] : memref<640000xi32, #tpu.memory_space<hbm>> -> memref<128xi32, #tpu.memory_space<hbm>>
        tpu.wait_dma2 semaphore(%arg21 : memref<!tpu.dma_semaphore, #tpu.memory_space<semaphore_mem>>) src(%dma_wait3A_130 : memref<128xi32, #tpu.memory_space<hbm>>) dst(%arg13 : memref<128xi32, #tpu.memory_space<vmem>>)
        %broadcast_in_dim3A_131 = arith.constant 1.000000e+00 : f32
        %broadcast_in_dim3A_132 = vector.broadcast %broadcast_in_dim3A_131 : f32 to vector<16xf32>
        %get3A_133 = arith.constant 0 : index
        %get3A_134 = tpu.vector_load %arg13[%get3A_133] {strides = array<i32>} : memref<128xi32, #tpu.memory_space<vmem>>, vector<16xi32>,
        tpu.vector_store_idx %arg18[%get3A_134], %broadcast_in_dim3A_132 {add = true} : memref<10000xf32, #tpu.memory_space<vmem>>[vector<16xi32>], vector<16xf32>,
        %get3A_135 = arith.constant 16 : index
        %get3A_136 = tpu.vector_load %arg13[%get3A_135] {strides = array<i32>} : memref<128xi32, #tpu.memory_space<vmem>>, vector<16xi32>,
        tpu.vector_store_idx %arg18[%get3A_136], %broadcast_in_dim3A_132 {add = true} : memref<10000xf32, #tpu.memory_space<vmem>>[vector<16xi32>], vector<16xf32>,
        %get3A_137 = arith.constant 32 : index
        %get3A_138 = tpu.vector_load %arg13[%get3A_137] {strides = array<i32>} : memref<128xi32, #tpu.memory_space<vmem>>, vector<16xi32>,
        tpu.vector_store_idx %arg18[%get3A_138], %broadcast_in_dim3A_132 {add = true} : memref<10000xf32, #tpu.memory_space<vmem>>[vector<16xi32>], vector<16xf32>,
        %get3A_139 = arith.constant 48 : index
        %get3A_140 = tpu.vector_load %arg13[%get3A_139] {strides = array<i32>} : memref<128xi32, #tpu.memory_space<vmem>>, vector<16xi32>,
        tpu.vector_store_idx %arg18[%get3A_140], %broadcast_in_dim3A_132 {add = true} : memref<10000xf32, #tpu.memory_space<vmem>>[vector<16xi32>], vector<16xf32>,
        %get3A_141 = arith.constant 64 : index
        %get3A_142 = tpu.vector_load %arg13[%get3A_141] {strides = array<i32>} : memref<128xi32, #tpu.memory_space<vmem>>, vector<16xi32>,
        tpu.vector_store_idx %arg18[%get3A_142], %broadcast_in_dim3A_132 {add = true} : memref<10000xf32, #tpu.memory_space<vmem>>[vector<16xi32>], vector<16xf32>,
        %get3A_143 = arith.constant 80 : index
        %get3A_144 = tpu.vector_load %arg13[%get3A_143] {strides = array<i32>} : memref<128xi32, #tpu.memory_space<vmem>>, vector<16xi32>,
        tpu.vector_store_idx %arg18[%get3A_144], %broadcast_in_dim3A_132 {add = true} : memref<10000xf32, #tpu.memory_space<vmem>>[vector<16xi32>], vector<16xf32>,
        %get3A_145 = arith.constant 96 : index
        %get3A_146 = tpu.vector_load %arg13[%get3A_145] {strides = array<i32>} : memref<128xi32, #tpu.memory_space<vmem>>, vector<16xi32>,
        tpu.vector_store_idx %arg18[%get3A_146], %broadcast_in_dim3A_132 {add = true} : memref<10000xf32, #tpu.memory_space<vmem>>[vector<16xi32>], vector<16xf32>,
        %get3A_147 = arith.constant 112 : index
        %get3A_148 = tpu.vector_load %arg13[%get3A_147] {strides = array<i32>} : memref<128xi32, #tpu.memory_space<vmem>>, vector<16xi32>,
        tpu.vector_store_idx %arg18[%get3A_148], %broadcast_in_dim3A_132 {add = true} : memref<10000xf32, #tpu.memory_space<vmem>>[vector<16xi32>], vector<16xf32>,
        %dma_start3A_149 = arith.constant 0 : i32
        %dma_start3A_150 = arith.constant 0 : i32
        %dma_start3A_151 = tpu.memref_slice %arg2[%dma_start3A_149, %dma_start3A_150] : memref<10000x128xf32, #tpu.memory_space<hbm>> -> memref<10000x128xf32, #tpu.memory_space<hbm>>
        tpu.enqueue_indirect_dma source(%dma_start3A_151 : memref<10000x128xf32, #tpu.memory_space<hbm>>) target(%arg15 : memref<128x128xf32, #tpu.memory_space<vmem>>) offsets(%arg11 : memref<128xi32, #tpu.memory_space<vmem>>) semaphore(%arg23 : memref<!tpu.dma_semaphore, #tpu.memory_space<semaphore_mem>>)
        %dma_wait3A_152 = arith.constant 0 : i32
        %dma_wait3A_153 = arith.constant 0 : i32
        %dma_wait3A_154 = tpu.memref_slice %arg2[%dma_wait3A_152, %dma_wait3A_153] : memref<10000x128xf32, #tpu.memory_space<hbm>> -> memref<10000x128xf32, #tpu.memory_space<hbm>>
        tpu.wait_indirect_dma semaphore(%arg22 : memref<!tpu.dma_semaphore, #tpu.memory_space<semaphore_mem>>) src(%dma_wait3A_154 : memref<10000x128xf32, #tpu.memory_space<hbm>>) dst(%arg14 : memref<128x128xf32, #tpu.memory_space<vmem>>)
        %dma_start3A_155 = arith.constant 0 : i32
        %dma_start3A_156 = arith.constant 0 : i32
        %dma_start3A_157 = tpu.memref_slice %arg19[%dma_start3A_155, %dma_start3A_156] : memref<10000x128xf32, #tpu.memory_space<vmem_shared>> -> memref<10000x128xf32, #tpu.memory_space<vmem_shared>>
        tpu.enqueue_indirect_dma source(%arg14 : memref<128x128xf32, #tpu.memory_space<vmem>>) target(%dma_start3A_157 : memref<10000x128xf32, #tpu.memory_space<vmem_shared>>) offsets(%arg12 : memref<128xi32, #tpu.memory_space<vmem>>) semaphore(%arg24 : memref<!tpu.dma_semaphore, #tpu.memory_space<semaphore_mem>>) {add = true}
        %dma_wait3A_158 = arith.constant 0 : i32
        %dma_wait3A_159 = arith.constant 0 : i32
        %dma_wait3A_160 = tpu.memref_slice %arg19[%dma_wait3A_158, %dma_wait3A_159] : memref<10000x128xf32, #tpu.memory_space<vmem_shared>> -> memref<10000x128xf32, #tpu.memory_space<vmem_shared>>
        tpu.wait_indirect_dma semaphore(%arg24 : memref<!tpu.dma_semaphore, #tpu.memory_space<semaphore_mem>>) src(%arg14 : memref<128x128xf32, #tpu.memory_space<vmem>>) dst(%dma_wait3A_160 : memref<10000x128xf32, #tpu.memory_space<vmem_shared>>)
        %lt3A = arith.constant 77 : i32
        %lt3A_161 = arith.cmpi slt, %scan3A_106, %lt3A : i32
        %convert_element_type3A_162 = arith.extui %lt3A_161 : i1 to i32
        %cond3A_163 = arith.constant 0 : i32
        %cond3A_164 = arith.cmpi ne, %convert_element_type3A_162, %cond3A_163 : i32
        scf.if %cond3A_164 {
          %add3A_171 = arith.constant 2 : i32
          %add3A_172 = arith.addi %mul3A_108, %add3A_171 : i32
          %mul3A_173 = arith.constant 128 : i32
          %mul3A_174 = arith.muli %add3A_172, %mul3A_173 : i32
          %add3A_175 = arith.addi %mul3A_21, %mul3A_174 : i32
          %multiple_of3A_176 = tpu.assume_multiple %add3A_175, 8 : i32
          %dma_start3A_177 = tpu.memref_slice %arg3[%multiple_of3A_176] : memref<640000xi32, #tpu.memory_space<hbm>> -> memref<128xi32, #tpu.memory_space<hbm>>
          %dma_start3A_178 = tpu.memref_slice %arg3[%multiple_of3A_176] : memref<640000xi32, #tpu.memory_space<hbm>> -> memref<128xi32, #tpu.memory_space<hbm>>
          tpu.enqueue_dma source(%dma_start3A_178 : memref<128xi32, #tpu.memory_space<hbm>>) target(%arg10 : memref<128xi32, #tpu.memory_space<vmem>>) target_semaphore(%arg20 : memref<!tpu.dma_semaphore, #tpu.memory_space<semaphore_mem>>)
          %add3A_179 = arith.constant 320000 : i32
          %add3A_180 = arith.addi %add3A_179, %multiple_of3A_176 : i32
          %dma_start3A_181 = tpu.memref_slice %arg3[%add3A_180] : memref<640000xi32, #tpu.memory_space<hbm>> -> memref<128xi32, #tpu.memory_space<hbm>>
          %dma_start3A_182 = tpu.memref_slice %arg3[%add3A_180] : memref<640000xi32, #tpu.memory_space<hbm>> -> memref<128xi32, #tpu.memory_space<hbm>>
          tpu.enqueue_dma source(%dma_start3A_182 : memref<128xi32, #tpu.memory_space<hbm>>) target(%arg12 : memref<128xi32, #tpu.memory_space<vmem>>) target_semaphore(%arg20 : memref<!tpu.dma_semaphore, #tpu.memory_space<semaphore_mem>>)
          %dma_wait3A_183 = tpu.memref_slice %arg3[%multiple_of3A_176] : memref<640000xi32, #tpu.memory_space<hbm>> -> memref<128xi32, #tpu.memory_space<hbm>>
          %dma_wait3A_184 = tpu.memref_slice %arg3[%multiple_of3A_176] : memref<640000xi32, #tpu.memory_space<hbm>> -> memref<128xi32, #tpu.memory_space<hbm>>
          tpu.wait_dma2 semaphore(%arg20 : memref<!tpu.dma_semaphore, #tpu.memory_space<semaphore_mem>>) src(%dma_wait3A_184 : memref<128xi32, #tpu.memory_space<hbm>>) dst(%arg10 : memref<128xi32, #tpu.memory_space<vmem>>)
          %add3A_185 = arith.constant 320000 : i32
          %add3A_186 = arith.addi %add3A_185, %multiple_of3A_176 : i32
          %dma_wait3A_187 = tpu.memref_slice %arg3[%add3A_186] : memref<640000xi32, #tpu.memory_space<hbm>> -> memref<128xi32, #tpu.memory_space<hbm>>
          %dma_wait3A_188 = tpu.memref_slice %arg3[%add3A_186] : memref<640000xi32, #tpu.memory_space<hbm>> -> memref<128xi32, #tpu.memory_space<hbm>>
          tpu.wait_dma2 semaphore(%arg20 : memref<!tpu.dma_semaphore, #tpu.memory_space<semaphore_mem>>) src(%dma_wait3A_188 : memref<128xi32, #tpu.memory_space<hbm>>) dst(%arg12 : memref<128xi32, #tpu.memory_space<vmem>>)
          %broadcast_in_dim3A_189 = arith.constant 1.000000e+00 : f32
          %broadcast_in_dim3A_190 = vector.broadcast %broadcast_in_dim3A_189 : f32 to vector<16xf32>
          %get3A_191 = arith.constant 0 : index
          %get3A_192 = tpu.vector_load %arg12[%get3A_191] {strides = array<i32>} : memref<128xi32, #tpu.memory_space<vmem>>, vector<16xi32>,
          tpu.vector_store_idx %arg18[%get3A_192], %broadcast_in_dim3A_190 {add = true} : memref<10000xf32, #tpu.memory_space<vmem>>[vector<16xi32>], vector<16xf32>,
          %get3A_193 = arith.constant 16 : index
          %get3A_194 = tpu.vector_load %arg12[%get3A_193] {strides = array<i32>} : memref<128xi32, #tpu.memory_space<vmem>>, vector<16xi32>,
          tpu.vector_store_idx %arg18[%get3A_194], %broadcast_in_dim3A_190 {add = true} : memref<10000xf32, #tpu.memory_space<vmem>>[vector<16xi32>], vector<16xf32>,
          %get3A_195 = arith.constant 32 : index
          %get3A_196 = tpu.vector_load %arg12[%get3A_195] {strides = array<i32>} : memref<128xi32, #tpu.memory_space<vmem>>, vector<16xi32>,
          tpu.vector_store_idx %arg18[%get3A_196], %broadcast_in_dim3A_190 {add = true} : memref<10000xf32, #tpu.memory_space<vmem>>[vector<16xi32>], vector<16xf32>,
          %get3A_197 = arith.constant 48 : index
          %get3A_198 = tpu.vector_load %arg12[%get3A_197] {strides = array<i32>} : memref<128xi32, #tpu.memory_space<vmem>>, vector<16xi32>,
          tpu.vector_store_idx %arg18[%get3A_198], %broadcast_in_dim3A_190 {add = true} : memref<10000xf32, #tpu.memory_space<vmem>>[vector<16xi32>], vector<16xf32>,
          %get3A_199 = arith.constant 64 : index
          %get3A_200 = tpu.vector_load %arg12[%get3A_199] {strides = array<i32>} : memref<128xi32, #tpu.memory_space<vmem>>, vector<16xi32>,
          tpu.vector_store_idx %arg18[%get3A_200], %broadcast_in_dim3A_190 {add = true} : memref<10000xf32, #tpu.memory_space<vmem>>[vector<16xi32>], vector<16xf32>,
          %get3A_201 = arith.constant 80 : index
          %get3A_202 = tpu.vector_load %arg12[%get3A_201] {strides = array<i32>} : memref<128xi32, #tpu.memory_space<vmem>>, vector<16xi32>,
          tpu.vector_store_idx %arg18[%get3A_202], %broadcast_in_dim3A_190 {add = true} : memref<10000xf32, #tpu.memory_space<vmem>>[vector<16xi32>], vector<16xf32>,
          %get3A_203 = arith.constant 96 : index
          %get3A_204 = tpu.vector_load %arg12[%get3A_203] {strides = array<i32>} : memref<128xi32, #tpu.memory_space<vmem>>, vector<16xi32>,
          tpu.vector_store_idx %arg18[%get3A_204], %broadcast_in_dim3A_190 {add = true} : memref<10000xf32, #tpu.memory_space<vmem>>[vector<16xi32>], vector<16xf32>,
          %get3A_205 = arith.constant 112 : index
          %get3A_206 = tpu.vector_load %arg12[%get3A_205] {strides = array<i32>} : memref<128xi32, #tpu.memory_space<vmem>>, vector<16xi32>,
          tpu.vector_store_idx %arg18[%get3A_206], %broadcast_in_dim3A_190 {add = true} : memref<10000xf32, #tpu.memory_space<vmem>>[vector<16xi32>], vector<16xf32>,
          %dma_start3A_207 = arith.constant 0 : i32
          %dma_start3A_208 = arith.constant 0 : i32
          %dma_start3A_209 = tpu.memref_slice %arg2[%dma_start3A_207, %dma_start3A_208] : memref<10000x128xf32, #tpu.memory_space<hbm>> -> memref<10000x128xf32, #tpu.memory_space<hbm>>
          tpu.enqueue_indirect_dma source(%dma_start3A_209 : memref<10000x128xf32, #tpu.memory_space<hbm>>) target(%arg14 : memref<128x128xf32, #tpu.memory_space<vmem>>) offsets(%arg10 : memref<128xi32, #tpu.memory_space<vmem>>) semaphore(%arg22 : memref<!tpu.dma_semaphore, #tpu.memory_space<semaphore_mem>>)
        } else {
        }
        %dma_wait3A_165 = arith.constant 0 : i32
        %dma_wait3A_166 = arith.constant 0 : i32
        %dma_wait3A_167 = tpu.memref_slice %arg2[%dma_wait3A_165, %dma_wait3A_166] : memref<10000x128xf32, #tpu.memory_space<hbm>> -> memref<10000x128xf32, #tpu.memory_space<hbm>>
        tpu.wait_indirect_dma semaphore(%arg23 : memref<!tpu.dma_semaphore, #tpu.memory_space<semaphore_mem>>) src(%dma_wait3A_167 : memref<10000x128xf32, #tpu.memory_space<hbm>>) dst(%arg15 : memref<128x128xf32, #tpu.memory_space<vmem>>)
        %dma_start3A_168 = arith.constant 0 : i32
        %dma_start3A_169 = arith.constant 0 : i32
        %dma_start3A_170 = tpu.memref_slice %arg19[%dma_start3A_168, %dma_start3A_169] : memref<10000x128xf32, #tpu.memory_space<vmem_shared>> -> memref<10000x128xf32, #tpu.memory_space<vmem_shared>>
        tpu.enqueue_indirect_dma source(%arg15 : memref<128x128xf32, #tpu.memory_space<vmem>>) target(%dma_start3A_170 : memref<10000x128xf32, #tpu.memory_space<vmem_shared>>) offsets(%arg13 : memref<128xi32, #tpu.memory_space<vmem>>) semaphore(%arg25 : memref<!tpu.dma_semaphore, #tpu.memory_space<semaphore_mem>>) {add = true}
      }
      %scan3A_57 = arith.constant 78 : i32
      %add3A_58 = arith.constant 19968 : i32
      %add3A_59 = arith.addi %mul3A_21, %add3A_58 : i32
      %multiple_of3A_60 = tpu.assume_multiple %add3A_59, 8 : i32
      "tpu.region"() ({
        %run_scoped3A = tpu.sem_alloc : memref<!tpu.dma_semaphore, #tpu.memory_space<semaphore_mem>>
        %dma_start3A_106 = tpu.memref_slice %arg3[%multiple_of3A_60] : memref<640000xi32, #tpu.memory_space<hbm>> -> memref<32xi32, #tpu.memory_space<hbm>>
        %dma_start3A_107 = tpu.memref_slice %arg3[%multiple_of3A_60] : memref<640000xi32, #tpu.memory_space<hbm>> -> memref<32xi32, #tpu.memory_space<hbm>>
        tpu.enqueue_dma source(%dma_start3A_107 : memref<32xi32, #tpu.memory_space<hbm>>) target(%arg16 : memref<32xi32, #tpu.memory_space<vmem>>) target_semaphore(%run_scoped3A : memref<!tpu.dma_semaphore, #tpu.memory_space<semaphore_mem>>)
        %dma_wait3A_108 = tpu.memref_slice %arg3[%multiple_of3A_60] : memref<640000xi32, #tpu.memory_space<hbm>> -> memref<32xi32, #tpu.memory_space<hbm>>
        %dma_wait3A_109 = tpu.memref_slice %arg3[%multiple_of3A_60] : memref<640000xi32, #tpu.memory_space<hbm>> -> memref<32xi32, #tpu.memory_space<hbm>>
        tpu.wait_dma2 semaphore(%run_scoped3A : memref<!tpu.dma_semaphore, #tpu.memory_space<semaphore_mem>>) src(%dma_wait3A_109 : memref<32xi32, #tpu.memory_space<hbm>>) dst(%arg16 : memref<32xi32, #tpu.memory_space<vmem>>)
        tpu.yield
      }) : () -> ()
      %add3A_61 = arith.constant 320000 : i32
      %add3A_62 = arith.addi %add3A_61, %multiple_of3A_60 : i32
      "tpu.region"() ({
        %run_scoped3A = tpu.sem_alloc : memref<!tpu.dma_semaphore, #tpu.memory_space<semaphore_mem>>
        %dma_start3A_106 = tpu.memref_slice %arg3[%add3A_62] : memref<640000xi32, #tpu.memory_space<hbm>> -> memref<32xi32, #tpu.memory_space<hbm>>
        %dma_start3A_107 = tpu.memref_slice %arg3[%add3A_62] : memref<640000xi32, #tpu.memory_space<hbm>> -> memref<32xi32, #tpu.memory_space<hbm>>
        tpu.enqueue_dma source(%dma_start3A_107 : memref<32xi32, #tpu.memory_space<hbm>>) target(%arg17 : memref<32xi32, #tpu.memory_space<vmem>>) target_semaphore(%run_scoped3A : memref<!tpu.dma_semaphore, #tpu.memory_space<semaphore_mem>>)
        %dma_wait3A_108 = tpu.memref_slice %arg3[%add3A_62] : memref<640000xi32, #tpu.memory_space<hbm>> -> memref<32xi32, #tpu.memory_space<hbm>>
        %dma_wait3A_109 = tpu.memref_slice %arg3[%add3A_62] : memref<640000xi32, #tpu.memory_space<hbm>> -> memref<32xi32, #tpu.memory_space<hbm>>
        tpu.wait_dma2 semaphore(%run_scoped3A : memref<!tpu.dma_semaphore, #tpu.memory_space<semaphore_mem>>) src(%dma_wait3A_109 : memref<32xi32, #tpu.memory_space<hbm>>) dst(%arg17 : memref<32xi32, #tpu.memory_space<vmem>>)
        tpu.yield
      }) : () -> ()
      %broadcast_in_dim3A_63 = arith.constant 1.000000e+00 : f32
      %broadcast_in_dim3A_64 = vector.broadcast %broadcast_in_dim3A_63 : f32 to vector<16xf32>
      %get3A_65 = arith.constant 0 : index
      %get3A_66 = tpu.vector_load %arg17[%get3A_65] {strides = array<i32>} : memref<32xi32, #tpu.memory_space<vmem>>, vector<16xi32>,
      tpu.vector_store_idx %arg18[%get3A_66], %broadcast_in_dim3A_64 {add = true} : memref<10000xf32, #tpu.memory_space<vmem>>[vector<16xi32>], vector<16xf32>,
      %get3A_67 = arith.constant 16 : index
      %get3A_68 = tpu.vector_load %arg17[%get3A_67] {strides = array<i32>} : memref<32xi32, #tpu.memory_space<vmem>>, vector<16xi32>,
      tpu.vector_store_idx %arg18[%get3A_68], %broadcast_in_dim3A_64 {add = true} : memref<10000xf32, #tpu.memory_space<vmem>>[vector<16xi32>], vector<16xf32>,
      %dma_start3A_69 = arith.constant 0 : i32
      %dma_start3A_70 = arith.constant 0 : i32
      %dma_start3A_71 = tpu.memref_slice %arg14[%dma_start3A_69, %dma_start3A_70] : memref<128x128xf32, #tpu.memory_space<vmem>> -> memref<32x128xf32, #tpu.memory_space<vmem>>
      %dma_start3A_72 = arith.constant 0 : i32
      %dma_start3A_73 = arith.constant 0 : i32
      %dma_start3A_74 = tpu.memref_slice %arg2[%dma_start3A_72, %dma_start3A_73] : memref<10000x128xf32, #tpu.memory_space<hbm>> -> memref<10000x128xf32, #tpu.memory_space<hbm>>
      tpu.enqueue_indirect_dma source(%dma_start3A_74 : memref<10000x128xf32, #tpu.memory_space<hbm>>) target(%dma_start3A_71 : memref<32x128xf32, #tpu.memory_space<vmem>>) offsets(%arg16 : memref<32xi32, #tpu.memory_space<vmem>>) semaphore(%arg22 : memref<!tpu.dma_semaphore, #tpu.memory_space<semaphore_mem>>)
      %dma_wait3A_75 = arith.constant 0 : i32
      %dma_wait3A_76 = arith.constant 0 : i32
      %dma_wait3A_77 = tpu.memref_slice %arg14[%dma_wait3A_75, %dma_wait3A_76] : memref<128x128xf32, #tpu.memory_space<vmem>> -> memref<32x128xf32, #tpu.memory_space<vmem>>
      %dma_wait3A_78 = arith.constant 0 : i32
      %dma_wait3A_79 = arith.constant 0 : i32
      %dma_wait3A_80 = tpu.memref_slice %arg2[%dma_wait3A_78, %dma_wait3A_79] : memref<10000x128xf32, #tpu.memory_space<hbm>> -> memref<10000x128xf32, #tpu.memory_space<hbm>>
      tpu.wait_indirect_dma semaphore(%arg22 : memref<!tpu.dma_semaphore, #tpu.memory_space<semaphore_mem>>) src(%dma_wait3A_80 : memref<10000x128xf32, #tpu.memory_space<hbm>>) dst(%dma_wait3A_77 : memref<32x128xf32, #tpu.memory_space<vmem>>)
      %dma_start3A_81 = arith.constant 0 : i32
      %dma_start3A_82 = arith.constant 0 : i32
      %dma_start3A_83 = tpu.memref_slice %arg14[%dma_start3A_81, %dma_start3A_82] : memref<128x128xf32, #tpu.memory_space<vmem>> -> memref<32x128xf32, #tpu.memory_space<vmem>>
      %dma_start3A_84 = arith.constant 0 : i32
      %dma_start3A_85 = arith.constant 0 : i32
      %dma_start3A_86 = tpu.memref_slice %arg19[%dma_start3A_84, %dma_start3A_85] : memref<10000x128xf32, #tpu.memory_space<vmem_shared>> -> memref<10000x128xf32, #tpu.memory_space<vmem_shared>>
      tpu.enqueue_indirect_dma source(%dma_start3A_83 : memref<32x128xf32, #tpu.memory_space<vmem>>) target(%dma_start3A_86 : memref<10000x128xf32, #tpu.memory_space<vmem_shared>>) offsets(%arg17 : memref<32xi32, #tpu.memory_space<vmem>>) semaphore(%arg24 : memref<!tpu.dma_semaphore, #tpu.memory_space<semaphore_mem>>) {add = true}
      %dma_wait3A_87 = arith.constant 0 : i32
      %dma_wait3A_88 = arith.constant 0 : i32
      %dma_wait3A_89 = tpu.memref_slice %arg14[%dma_wait3A_87, %dma_wait3A_88] : memref<128x128xf32, #tpu.memory_space<vmem>> -> memref<32x128xf32, #tpu.memory_space<vmem>>
      %dma_wait3A_90 = arith.constant 0 : i32
      %dma_wait3A_91 = arith.constant 0 : i32
      %dma_wait3A_92 = tpu.memref_slice %arg19[%dma_wait3A_90, %dma_wait3A_91] : memref<10000x128xf32, #tpu.memory_space<vmem_shared>> -> memref<10000x128xf32, #tpu.memory_space<vmem_shared>>
      tpu.wait_indirect_dma semaphore(%arg24 : memref<!tpu.dma_semaphore, #tpu.memory_space<semaphore_mem>>) src(%dma_wait3A_89 : memref<32x128xf32, #tpu.memory_space<vmem>>) dst(%dma_wait3A_92 : memref<10000x128xf32, #tpu.memory_space<vmem_shared>>)
      %dma_wait3A_93 = arith.constant 0 : i32
      %dma_wait3A_94 = arith.constant 0 : i32
      %dma_wait3A_95 = tpu.memref_slice %arg19[%dma_wait3A_93, %dma_wait3A_94] : memref<10000x128xf32, #tpu.memory_space<vmem_shared>> -> memref<10000x128xf32, #tpu.memory_space<vmem_shared>>
      tpu.wait_indirect_dma semaphore(%arg25 : memref<!tpu.dma_semaphore, #tpu.memory_space<semaphore_mem>>) src(%arg15 : memref<128x128xf32, #tpu.memory_space<vmem>>) dst(%dma_wait3A_95 : memref<10000x128xf32, #tpu.memory_space<vmem_shared>>)
      %barrier3A_96 = arith.constant 0 : index
      tpu.barrier barrier_id(%barrier3A_96)
      %mul3A_97 = arith.constant 624 : i32
      %mul3A_98 = arith.muli %arg1, %mul3A_97 : i32
      %mul3A_99 = arith.constant 624 : i32
      %mul3A_100 = arith.muli %arg1, %mul3A_99 : i32
      "tpu.region"() ({
        %run_scoped3A = tpu.sem_alloc : memref<!tpu.dma_semaphore, #tpu.memory_space<semaphore_mem>>
        %dma_start3A_106 = arith.constant 0 : i32
        %dma_start3A_107 = tpu.memref_slice %arg7[%mul3A_100, %dma_start3A_106] : memref<10000x128xf32, #tpu.memory_space<hbm>> -> memref<624x128xf32, #tpu.memory_space<hbm>>
        %dma_start3A_108 = arith.constant 0 : i32
        %dma_start3A_109 = tpu.memref_slice %arg19[%mul3A_98, %dma_start3A_108] : memref<10000x128xf32, #tpu.memory_space<vmem_shared>> -> memref<624x128xf32, #tpu.memory_space<vmem_shared>>
        tpu.enqueue_dma source(%dma_start3A_109 : memref<624x128xf32, #tpu.memory_space<vmem_shared>>) target(%dma_start3A_107 : memref<624x128xf32, #tpu.memory_space<hbm>>) target_semaphore(%run_scoped3A : memref<!tpu.dma_semaphore, #tpu.memory_space<semaphore_mem>>)
        %dma_wait3A_110 = arith.constant 0 : i32
        %dma_wait3A_111 = tpu.memref_slice %arg7[%mul3A_100, %dma_wait3A_110] : memref<10000x128xf32, #tpu.memory_space<hbm>> -> memref<624x128xf32, #tpu.memory_space<hbm>>
        %dma_wait3A_112 = arith.constant 0 : i32
        %dma_wait3A_113 = tpu.memref_slice %arg19[%mul3A_98, %dma_wait3A_112] : memref<10000x128xf32, #tpu.memory_space<vmem_shared>> -> memref<624x128xf32, #tpu.memory_space<vmem_shared>>
        tpu.wait_dma2 semaphore(%run_scoped3A : memref<!tpu.dma_semaphore, #tpu.memory_space<semaphore_mem>>) src(%dma_wait3A_113 : memref<624x128xf32, #tpu.memory_space<vmem_shared>>) dst(%dma_wait3A_111 : memref<624x128xf32, #tpu.memory_space<hbm>>)
        tpu.yield
      }) : () -> ()
      %eq3A_101 = arith.constant 15 : i32
      %eq3A_102 = arith.cmpi eq, %arg1, %eq3A_101 : i32
      %convert_element_type3A_103 = arith.extui %eq3A_102 : i1 to i32
      %cond3A_104 = arith.constant 0 : i32
      %cond3A_105 = arith.cmpi ne, %convert_element_type3A_103, %cond3A_104 : i32
      scf.if %cond3A_105 {
        "tpu.region"() ({
          %run_scoped3A = tpu.sem_alloc : memref<!tpu.dma_semaphore, #tpu.memory_space<semaphore_mem>>
          %dma_start3A_106 = arith.constant 9984 : i32
          %dma_start3A_107 = arith.constant 0 : i32
          %dma_start3A_108 = tpu.memref_slice %arg7[%dma_start3A_106, %dma_start3A_107] : memref<10000x128xf32, #tpu.memory_space<hbm>> -> memref<16x128xf32, #tpu.memory_space<hbm>>
          %dma_start3A_109 = arith.constant 9984 : i32
          %dma_start3A_110 = arith.constant 0 : i32
          %dma_start3A_111 = tpu.memref_slice %arg19[%dma_start3A_109, %dma_start3A_110] : memref<10000x128xf32, #tpu.memory_space<vmem_shared>> -> memref<16x128xf32, #tpu.memory_space<vmem_shared>>
          tpu.enqueue_dma source(%dma_start3A_111 : memref<16x128xf32, #tpu.memory_space<vmem_shared>>) target(%dma_start3A_108 : memref<16x128xf32, #tpu.memory_space<hbm>>) target_semaphore(%run_scoped3A : memref<!tpu.dma_semaphore, #tpu.memory_space<semaphore_mem>>)
          %dma_wait3A_112 = arith.constant 9984 : i32
          %dma_wait3A_113 = arith.constant 0 : i32
          %dma_wait3A_114 = tpu.memref_slice %arg7[%dma_wait3A_112, %dma_wait3A_113] : memref<10000x128xf32, #tpu.memory_space<hbm>> -> memref<16x128xf32, #tpu.memory_space<hbm>>
          %dma_wait3A_115 = arith.constant 9984 : i32
          %dma_wait3A_116 = arith.constant 0 : i32
          %dma_wait3A_117 = tpu.memref_slice %arg19[%dma_wait3A_115, %dma_wait3A_116] : memref<10000x128xf32, #tpu.memory_space<vmem_shared>> -> memref<16x128xf32, #tpu.memory_space<vmem_shared>>
          tpu.wait_dma2 semaphore(%run_scoped3A : memref<!tpu.dma_semaphore, #tpu.memory_space<semaphore_mem>>) src(%dma_wait3A_117 : memref<16x128xf32, #tpu.memory_space<vmem_shared>>) dst(%dma_wait3A_114 : memref<16x128xf32, #tpu.memory_space<hbm>>)
          tpu.yield
        }) : () -> ()
      } else {
      }
      "tpu.region"() ({
        %run_scoped3A = tpu.sem_alloc : memref<!tpu.dma_semaphore, #tpu.memory_space<semaphore_mem>>
        %dma_start3A_106 = arith.constant 0 : i32
        %dma_start3A_107 = tpu.memref_slice %arg9[%arg0, %arg1, %dma_start3A_106] : memref<2x16x10000xf32, #tpu.memory_space<hbm>> -> memref<1x1x10000xf32, #tpu.memory_space<hbm>>
        %dma_start3A_108 = tpu.memref_squeeze %dma_start3A_107 : memref<1x1x10000xf32, #tpu.memory_space<hbm>> -> memref<10000xf32, #tpu.memory_space<hbm>>
        %dma_start3A_109 = arith.constant 0 : i32
        %dma_start3A_110 = tpu.memref_slice %arg9[%arg0, %arg1, %dma_start3A_109] : memref<2x16x10000xf32, #tpu.memory_space<hbm>> -> memref<1x1x10000xf32, #tpu.memory_space<hbm>>
        %dma_start3A_111 = tpu.memref_squeeze %dma_start3A_110 : memref<1x1x10000xf32, #tpu.memory_space<hbm>> -> memref<10000xf32, #tpu.memory_space<hbm>>
        tpu.enqueue_dma source(%arg18 : memref<10000xf32, #tpu.memory_space<vmem>>) target(%dma_start3A_111 : memref<10000xf32, #tpu.memory_space<hbm>>) target_semaphore(%run_scoped3A : memref<!tpu.dma_semaphore, #tpu.memory_space<semaphore_mem>>)
        %dma_wait3A_112 = arith.constant 0 : i32
        %dma_wait3A_113 = tpu.memref_slice %arg9[%arg0, %arg1, %dma_wait3A_112] : memref<2x16x10000xf32, #tpu.memory_space<hbm>> -> memref<1x1x10000xf32, #tpu.memory_space<hbm>>
        %dma_wait3A_114 = tpu.memref_squeeze %dma_wait3A_113 : memref<1x1x10000xf32, #tpu.memory_space<hbm>> -> memref<10000xf32, #tpu.memory_space<hbm>>
        %dma_wait3A_115 = arith.constant 0 : i32
        %dma_wait3A_116 = tpu.memref_slice %arg9[%arg0, %arg1, %dma_wait3A_115] : memref<2x16x10000xf32, #tpu.memory_space<hbm>> -> memref<1x1x10000xf32, #tpu.memory_space<hbm>>
        %dma_wait3A_117 = tpu.memref_squeeze %dma_wait3A_116 : memref<1x1x10000xf32, #tpu.memory_space<hbm>> -> memref<10000xf32, #tpu.memory_space<hbm>>
        tpu.wait_dma2 semaphore(%run_scoped3A : memref<!tpu.dma_semaphore, #tpu.memory_space<semaphore_mem>>) src(%arg18 : memref<10000xf32, #tpu.memory_space<vmem>>) dst(%dma_wait3A_117 : memref<10000xf32, #tpu.memory_space<hbm>>)
        tpu.yield
      }) : () -> ()
    } else {
    }
    %eq3A_15 = arith.constant 1 : i32
    %eq3A_16 = arith.cmpi eq, %arg0, %eq3A_15 : i32
    %convert_element_type3A_17 = arith.extui %eq3A_16 : i1 to i32
    %cond3A_18 = arith.constant 0 : i32
    %cond3A_19 = arith.cmpi ne, %convert_element_type3A_17, %cond3A_18 : i32
    scf.if %cond3A_19 {
      %mul3A_20 = arith.constant 20000 : i32
      %mul3A_21 = arith.muli %arg1, %mul3A_20 : i32
      %add3A = arith.constant 0 : i32
      %add3A_22 = arith.addi %mul3A_21, %add3A : i32
      %multiple_of3A = tpu.assume_multiple %add3A_22, 8 : i32
      %dma_start3A = tpu.memref_slice %arg5[%multiple_of3A] : memref<640000xi32, #tpu.memory_space<hbm>> -> memref<128xi32, #tpu.memory_space<hbm>>
      %dma_start3A_23 = tpu.memref_slice %arg5[%multiple_of3A] : memref<640000xi32, #tpu.memory_space<hbm>> -> memref<128xi32, #tpu.memory_space<hbm>>
      tpu.enqueue_dma source(%dma_start3A_23 : memref<128xi32, #tpu.memory_space<hbm>>) target(%arg10 : memref<128xi32, #tpu.memory_space<vmem>>) target_semaphore(%arg20 : memref<!tpu.dma_semaphore, #tpu.memory_space<semaphore_mem>>)
      %add3A_24 = arith.constant 320000 : i32
      %add3A_25 = arith.addi %add3A_24, %multiple_of3A : i32
      %dma_start3A_26 = tpu.memref_slice %arg5[%add3A_25] : memref<640000xi32, #tpu.memory_space<hbm>> -> memref<128xi32, #tpu.memory_space<hbm>>
      %dma_start3A_27 = tpu.memref_slice %arg5[%add3A_25] : memref<640000xi32, #tpu.memory_space<hbm>> -> memref<128xi32, #tpu.memory_space<hbm>>
      tpu.enqueue_dma source(%dma_start3A_27 : memref<128xi32, #tpu.memory_space<hbm>>) target(%arg12 : memref<128xi32, #tpu.memory_space<vmem>>) target_semaphore(%arg20 : memref<!tpu.dma_semaphore, #tpu.memory_space<semaphore_mem>>)
      %dma_wait3A = tpu.memref_slice %arg5[%multiple_of3A] : memref<640000xi32, #tpu.memory_space<hbm>> -> memref<128xi32, #tpu.memory_space<hbm>>
      %dma_wait3A_28 = tpu.memref_slice %arg5[%multiple_of3A] : memref<640000xi32, #tpu.memory_space<hbm>> -> memref<128xi32, #tpu.memory_space<hbm>>
      tpu.wait_dma2 semaphore(%arg20 : memref<!tpu.dma_semaphore, #tpu.memory_space<semaphore_mem>>) src(%dma_wait3A_28 : memref<128xi32, #tpu.memory_space<hbm>>) dst(%arg10 : memref<128xi32, #tpu.memory_space<vmem>>)
      %add3A_29 = arith.constant 320000 : i32
      %add3A_30 = arith.addi %add3A_29, %multiple_of3A : i32
      %dma_wait3A_31 = tpu.memref_slice %arg5[%add3A_30] : memref<640000xi32, #tpu.memory_space<hbm>> -> memref<128xi32, #tpu.memory_space<hbm>>
      %dma_wait3A_32 = tpu.memref_slice %arg5[%add3A_30] : memref<640000xi32, #tpu.memory_space<hbm>> -> memref<128xi32, #tpu.memory_space<hbm>>
      tpu.wait_dma2 semaphore(%arg20 : memref<!tpu.dma_semaphore, #tpu.memory_space<semaphore_mem>>) src(%dma_wait3A_32 : memref<128xi32, #tpu.memory_space<hbm>>) dst(%arg12 : memref<128xi32, #tpu.memory_space<vmem>>)
      %broadcast_in_dim3A = arith.constant 1.000000e+00 : f32
      %broadcast_in_dim3A_33 = vector.broadcast %broadcast_in_dim3A : f32 to vector<16xf32>
      %get3A = arith.constant 0 : index
      %get3A_34 = tpu.vector_load %arg12[%get3A] {strides = array<i32>} : memref<128xi32, #tpu.memory_space<vmem>>, vector<16xi32>,
      tpu.vector_store_idx %arg18[%get3A_34], %broadcast_in_dim3A_33 {add = true} : memref<10000xf32, #tpu.memory_space<vmem>>[vector<16xi32>], vector<16xf32>,
      %get3A_35 = arith.constant 16 : index
      %get3A_36 = tpu.vector_load %arg12[%get3A_35] {strides = array<i32>} : memref<128xi32, #tpu.memory_space<vmem>>, vector<16xi32>,
      tpu.vector_store_idx %arg18[%get3A_36], %broadcast_in_dim3A_33 {add = true} : memref<10000xf32, #tpu.memory_space<vmem>>[vector<16xi32>], vector<16xf32>,
      %get3A_37 = arith.constant 32 : index
      %get3A_38 = tpu.vector_load %arg12[%get3A_37] {strides = array<i32>} : memref<128xi32, #tpu.memory_space<vmem>>, vector<16xi32>,
      tpu.vector_store_idx %arg18[%get3A_38], %broadcast_in_dim3A_33 {add = true} : memref<10000xf32, #tpu.memory_space<vmem>>[vector<16xi32>], vector<16xf32>,
      %get3A_39 = arith.constant 48 : index
      %get3A_40 = tpu.vector_load %arg12[%get3A_39] {strides = array<i32>} : memref<128xi32, #tpu.memory_space<vmem>>, vector<16xi32>,
      tpu.vector_store_idx %arg18[%get3A_40], %broadcast_in_dim3A_33 {add = true} : memref<10000xf32, #tpu.memory_space<vmem>>[vector<16xi32>], vector<16xf32>,
      %get3A_41 = arith.constant 64 : index
      %get3A_42 = tpu.vector_load %arg12[%get3A_41] {strides = array<i32>} : memref<128xi32, #tpu.memory_space<vmem>>, vector<16xi32>,
      tpu.vector_store_idx %arg18[%get3A_42], %broadcast_in_dim3A_33 {add = true} : memref<10000xf32, #tpu.memory_space<vmem>>[vector<16xi32>], vector<16xf32>,
      %get3A_43 = arith.constant 80 : index
      %get3A_44 = tpu.vector_load %arg12[%get3A_43] {strides = array<i32>} : memref<128xi32, #tpu.memory_space<vmem>>, vector<16xi32>,
      tpu.vector_store_idx %arg18[%get3A_44], %broadcast_in_dim3A_33 {add = true} : memref<10000xf32, #tpu.memory_space<vmem>>[vector<16xi32>], vector<16xf32>,
      %get3A_45 = arith.constant 96 : index
      %get3A_46 = tpu.vector_load %arg12[%get3A_45] {strides = array<i32>} : memref<128xi32, #tpu.memory_space<vmem>>, vector<16xi32>,
      tpu.vector_store_idx %arg18[%get3A_46], %broadcast_in_dim3A_33 {add = true} : memref<10000xf32, #tpu.memory_space<vmem>>[vector<16xi32>], vector<16xf32>,
      %get3A_47 = arith.constant 112 : index
      %get3A_48 = tpu.vector_load %arg12[%get3A_47] {strides = array<i32>} : memref<128xi32, #tpu.memory_space<vmem>>, vector<16xi32>,
      tpu.vector_store_idx %arg18[%get3A_48], %broadcast_in_dim3A_33 {add = true} : memref<10000xf32, #tpu.memory_space<vmem>>[vector<16xi32>], vector<16xf32>,
      %dma_start3A_49 = arith.constant 0 : i32
      %dma_start3A_50 = arith.constant 0 : i32
      %dma_start3A_51 = tpu.memref_slice %arg4[%dma_start3A_49, %dma_start3A_50] : memref<10000x128xf32, #tpu.memory_space<hbm>> -> memref<10000x128xf32, #tpu.memory_space<hbm>>
      tpu.enqueue_indirect_dma source(%dma_start3A_51 : memref<10000x128xf32, #tpu.memory_space<hbm>>) target(%arg14 : memref<128x128xf32, #tpu.memory_space<vmem>>) offsets(%arg10 : memref<128xi32, #tpu.memory_space<vmem>>) semaphore(%arg22 : memref<!tpu.dma_semaphore, #tpu.memory_space<semaphore_mem>>)
      %scan3A_52 = arith.constant 0 : i32
      %scan3A_53 = arith.constant 0 : i32
      %scan3A_54 = arith.constant 78 : i32
      %scan3A_55 = arith.addi %scan3A_53, %scan3A_54 : i32
      %scan3A_56 = arith.constant 1 : i32
      scf.for %scan3A_106 = %scan3A_53 to %scan3A_55 step %scan3A_56  : i32 {
        %mul3A_107 = arith.constant 2 : i32
        %mul3A_108 = arith.muli %scan3A_106, %mul3A_107 : i32
        %gt3A = arith.constant 0 : i32
        %gt3A_109 = arith.cmpi sgt, %scan3A_106, %gt3A : i32
        %convert_element_type3A_110 = arith.extui %gt3A_109 : i1 to i32
        %cond3A_111 = arith.constant 0 : i32
        %cond3A_112 = arith.cmpi ne, %convert_element_type3A_110, %cond3A_111 : i32
        scf.if %cond3A_112 {
          %dma_wait3A_171 = arith.constant 0 : i32
          %dma_wait3A_172 = arith.constant 0 : i32
          %dma_wait3A_173 = tpu.memref_slice %arg19[%dma_wait3A_171, %dma_wait3A_172] : memref<10000x128xf32, #tpu.memory_space<vmem_shared>> -> memref<10000x128xf32, #tpu.memory_space<vmem_shared>>
          tpu.wait_indirect_dma semaphore(%arg25 : memref<!tpu.dma_semaphore, #tpu.memory_space<semaphore_mem>>) src(%arg15 : memref<128x128xf32, #tpu.memory_space<vmem>>) dst(%dma_wait3A_173 : memref<10000x128xf32, #tpu.memory_space<vmem_shared>>)
        } else {
        }
        %add3A_113 = arith.constant 1 : i32
        %add3A_114 = arith.addi %mul3A_108, %add3A_113 : i32
        %mul3A_115 = arith.constant 128 : i32
        %mul3A_116 = arith.muli %add3A_114, %mul3A_115 : i32
        %add3A_117 = arith.addi %mul3A_21, %mul3A_116 : i32
        %multiple_of3A_118 = tpu.assume_multiple %add3A_117, 8 : i32
        %dma_start3A_119 = tpu.memref_slice %arg5[%multiple_of3A_118] : memref<640000xi32, #tpu.memory_space<hbm>> -> memref<128xi32, #tpu.memory_space<hbm>>
        %dma_start3A_120 = tpu.memref_slice %arg5[%multiple_of3A_118] : memref<640000xi32, #tpu.memory_space<hbm>> -> memref<128xi32, #tpu.memory_space<hbm>>
        tpu.enqueue_dma source(%dma_start3A_120 : memref<128xi32, #tpu.memory_space<hbm>>) target(%arg11 : memref<128xi32, #tpu.memory_space<vmem>>) target_semaphore(%arg21 : memref<!tpu.dma_semaphore, #tpu.memory_space<semaphore_mem>>)
        %add3A_121 = arith.constant 320000 : i32
        %add3A_122 = arith.addi %add3A_121, %multiple_of3A_118 : i32
        %dma_start3A_123 = tpu.memref_slice %arg5[%add3A_122] : memref<640000xi32, #tpu.memory_space<hbm>> -> memref<128xi32, #tpu.memory_space<hbm>>
        %dma_start3A_124 = tpu.memref_slice %arg5[%add3A_122] : memref<640000xi32, #tpu.memory_space<hbm>> -> memref<128xi32, #tpu.memory_space<hbm>>
        tpu.enqueue_dma source(%dma_start3A_124 : memref<128xi32, #tpu.memory_space<hbm>>) target(%arg13 : memref<128xi32, #tpu.memory_space<vmem>>) target_semaphore(%arg21 : memref<!tpu.dma_semaphore, #tpu.memory_space<semaphore_mem>>)
        %dma_wait3A_125 = tpu.memref_slice %arg5[%multiple_of3A_118] : memref<640000xi32, #tpu.memory_space<hbm>> -> memref<128xi32, #tpu.memory_space<hbm>>
        %dma_wait3A_126 = tpu.memref_slice %arg5[%multiple_of3A_118] : memref<640000xi32, #tpu.memory_space<hbm>> -> memref<128xi32, #tpu.memory_space<hbm>>
        tpu.wait_dma2 semaphore(%arg21 : memref<!tpu.dma_semaphore, #tpu.memory_space<semaphore_mem>>) src(%dma_wait3A_126 : memref<128xi32, #tpu.memory_space<hbm>>) dst(%arg11 : memref<128xi32, #tpu.memory_space<vmem>>)
        %add3A_127 = arith.constant 320000 : i32
        %add3A_128 = arith.addi %add3A_127, %multiple_of3A_118 : i32
        %dma_wait3A_129 = tpu.memref_slice %arg5[%add3A_128] : memref<640000xi32, #tpu.memory_space<hbm>> -> memref<128xi32, #tpu.memory_space<hbm>>
        %dma_wait3A_130 = tpu.memref_slice %arg5[%add3A_128] : memref<640000xi32, #tpu.memory_space<hbm>> -> memref<128xi32, #tpu.memory_space<hbm>>
        tpu.wait_dma2 semaphore(%arg21 : memref<!tpu.dma_semaphore, #tpu.memory_space<semaphore_mem>>) src(%dma_wait3A_130 : memref<128xi32, #tpu.memory_space<hbm>>) dst(%arg13 : memref<128xi32, #tpu.memory_space<vmem>>)
        %broadcast_in_dim3A_131 = arith.constant 1.000000e+00 : f32
        %broadcast_in_dim3A_132 = vector.broadcast %broadcast_in_dim3A_131 : f32 to vector<16xf32>
        %get3A_133 = arith.constant 0 : index
        %get3A_134 = tpu.vector_load %arg13[%get3A_133] {strides = array<i32>} : memref<128xi32, #tpu.memory_space<vmem>>, vector<16xi32>,
        tpu.vector_store_idx %arg18[%get3A_134], %broadcast_in_dim3A_132 {add = true} : memref<10000xf32, #tpu.memory_space<vmem>>[vector<16xi32>], vector<16xf32>,
        %get3A_135 = arith.constant 16 : index
        %get3A_136 = tpu.vector_load %arg13[%get3A_135] {strides = array<i32>} : memref<128xi32, #tpu.memory_space<vmem>>, vector<16xi32>,
        tpu.vector_store_idx %arg18[%get3A_136], %broadcast_in_dim3A_132 {add = true} : memref<10000xf32, #tpu.memory_space<vmem>>[vector<16xi32>], vector<16xf32>,
        %get3A_137 = arith.constant 32 : index
        %get3A_138 = tpu.vector_load %arg13[%get3A_137] {strides = array<i32>} : memref<128xi32, #tpu.memory_space<vmem>>, vector<16xi32>,
        tpu.vector_store_idx %arg18[%get3A_138], %broadcast_in_dim3A_132 {add = true} : memref<10000xf32, #tpu.memory_space<vmem>>[vector<16xi32>], vector<16xf32>,
        %get3A_139 = arith.constant 48 : index
        %get3A_140 = tpu.vector_load %arg13[%get3A_139] {strides = array<i32>} : memref<128xi32, #tpu.memory_space<vmem>>, vector<16xi32>,
        tpu.vector_store_idx %arg18[%get3A_140], %broadcast_in_dim3A_132 {add = true} : memref<10000xf32, #tpu.memory_space<vmem>>[vector<16xi32>], vector<16xf32>,
        %get3A_141 = arith.constant 64 : index
        %get3A_142 = tpu.vector_load %arg13[%get3A_141] {strides = array<i32>} : memref<128xi32, #tpu.memory_space<vmem>>, vector<16xi32>,
        tpu.vector_store_idx %arg18[%get3A_142], %broadcast_in_dim3A_132 {add = true} : memref<10000xf32, #tpu.memory_space<vmem>>[vector<16xi32>], vector<16xf32>,
        %get3A_143 = arith.constant 80 : index
        %get3A_144 = tpu.vector_load %arg13[%get3A_143] {strides = array<i32>} : memref<128xi32, #tpu.memory_space<vmem>>, vector<16xi32>,
        tpu.vector_store_idx %arg18[%get3A_144], %broadcast_in_dim3A_132 {add = true} : memref<10000xf32, #tpu.memory_space<vmem>>[vector<16xi32>], vector<16xf32>,
        %get3A_145 = arith.constant 96 : index
        %get3A_146 = tpu.vector_load %arg13[%get3A_145] {strides = array<i32>} : memref<128xi32, #tpu.memory_space<vmem>>, vector<16xi32>,
        tpu.vector_store_idx %arg18[%get3A_146], %broadcast_in_dim3A_132 {add = true} : memref<10000xf32, #tpu.memory_space<vmem>>[vector<16xi32>], vector<16xf32>,
        %get3A_147 = arith.constant 112 : index
        %get3A_148 = tpu.vector_load %arg13[%get3A_147] {strides = array<i32>} : memref<128xi32, #tpu.memory_space<vmem>>, vector<16xi32>,
        tpu.vector_store_idx %arg18[%get3A_148], %broadcast_in_dim3A_132 {add = true} : memref<10000xf32, #tpu.memory_space<vmem>>[vector<16xi32>], vector<16xf32>,
        %dma_start3A_149 = arith.constant 0 : i32
        %dma_start3A_150 = arith.constant 0 : i32
        %dma_start3A_151 = tpu.memref_slice %arg4[%dma_start3A_149, %dma_start3A_150] : memref<10000x128xf32, #tpu.memory_space<hbm>> -> memref<10000x128xf32, #tpu.memory_space<hbm>>
        tpu.enqueue_indirect_dma source(%dma_start3A_151 : memref<10000x128xf32, #tpu.memory_space<hbm>>) target(%arg15 : memref<128x128xf32, #tpu.memory_space<vmem>>) offsets(%arg11 : memref<128xi32, #tpu.memory_space<vmem>>) semaphore(%arg23 : memref<!tpu.dma_semaphore, #tpu.memory_space<semaphore_mem>>)
        %dma_wait3A_152 = arith.constant 0 : i32
        %dma_wait3A_153 = arith.constant 0 : i32
        %dma_wait3A_154 = tpu.memref_slice %arg4[%dma_wait3A_152, %dma_wait3A_153] : memref<10000x128xf32, #tpu.memory_space<hbm>> -> memref<10000x128xf32, #tpu.memory_space<hbm>>
        tpu.wait_indirect_dma semaphore(%arg22 : memref<!tpu.dma_semaphore, #tpu.memory_space<semaphore_mem>>) src(%dma_wait3A_154 : memref<10000x128xf32, #tpu.memory_space<hbm>>) dst(%arg14 : memref<128x128xf32, #tpu.memory_space<vmem>>)
        %dma_start3A_155 = arith.constant 0 : i32
        %dma_start3A_156 = arith.constant 0 : i32
        %dma_start3A_157 = tpu.memref_slice %arg19[%dma_start3A_155, %dma_start3A_156] : memref<10000x128xf32, #tpu.memory_space<vmem_shared>> -> memref<10000x128xf32, #tpu.memory_space<vmem_shared>>
        tpu.enqueue_indirect_dma source(%arg14 : memref<128x128xf32, #tpu.memory_space<vmem>>) target(%dma_start3A_157 : memref<10000x128xf32, #tpu.memory_space<vmem_shared>>) offsets(%arg12 : memref<128xi32, #tpu.memory_space<vmem>>) semaphore(%arg24 : memref<!tpu.dma_semaphore, #tpu.memory_space<semaphore_mem>>) {add = true}
        %dma_wait3A_158 = arith.constant 0 : i32
        %dma_wait3A_159 = arith.constant 0 : i32
        %dma_wait3A_160 = tpu.memref_slice %arg19[%dma_wait3A_158, %dma_wait3A_159] : memref<10000x128xf32, #tpu.memory_space<vmem_shared>> -> memref<10000x128xf32, #tpu.memory_space<vmem_shared>>
        tpu.wait_indirect_dma semaphore(%arg24 : memref<!tpu.dma_semaphore, #tpu.memory_space<semaphore_mem>>) src(%arg14 : memref<128x128xf32, #tpu.memory_space<vmem>>) dst(%dma_wait3A_160 : memref<10000x128xf32, #tpu.memory_space<vmem_shared>>)
        %lt3A = arith.constant 77 : i32
        %lt3A_161 = arith.cmpi slt, %scan3A_106, %lt3A : i32
        %convert_element_type3A_162 = arith.extui %lt3A_161 : i1 to i32
        %cond3A_163 = arith.constant 0 : i32
        %cond3A_164 = arith.cmpi ne, %convert_element_type3A_162, %cond3A_163 : i32
        scf.if %cond3A_164 {
          %add3A_171 = arith.constant 2 : i32
          %add3A_172 = arith.addi %mul3A_108, %add3A_171 : i32
          %mul3A_173 = arith.constant 128 : i32
          %mul3A_174 = arith.muli %add3A_172, %mul3A_173 : i32
          %add3A_175 = arith.addi %mul3A_21, %mul3A_174 : i32
          %multiple_of3A_176 = tpu.assume_multiple %add3A_175, 8 : i32
          %dma_start3A_177 = tpu.memref_slice %arg5[%multiple_of3A_176] : memref<640000xi32, #tpu.memory_space<hbm>> -> memref<128xi32, #tpu.memory_space<hbm>>
          %dma_start3A_178 = tpu.memref_slice %arg5[%multiple_of3A_176] : memref<640000xi32, #tpu.memory_space<hbm>> -> memref<128xi32, #tpu.memory_space<hbm>>
          tpu.enqueue_dma source(%dma_start3A_178 : memref<128xi32, #tpu.memory_space<hbm>>) target(%arg10 : memref<128xi32, #tpu.memory_space<vmem>>) target_semaphore(%arg20 : memref<!tpu.dma_semaphore, #tpu.memory_space<semaphore_mem>>)
          %add3A_179 = arith.constant 320000 : i32
          %add3A_180 = arith.addi %add3A_179, %multiple_of3A_176 : i32
          %dma_start3A_181 = tpu.memref_slice %arg5[%add3A_180] : memref<640000xi32, #tpu.memory_space<hbm>> -> memref<128xi32, #tpu.memory_space<hbm>>
          %dma_start3A_182 = tpu.memref_slice %arg5[%add3A_180] : memref<640000xi32, #tpu.memory_space<hbm>> -> memref<128xi32, #tpu.memory_space<hbm>>
          tpu.enqueue_dma source(%dma_start3A_182 : memref<128xi32, #tpu.memory_space<hbm>>) target(%arg12 : memref<128xi32, #tpu.memory_space<vmem>>) target_semaphore(%arg20 : memref<!tpu.dma_semaphore, #tpu.memory_space<semaphore_mem>>)
          %dma_wait3A_183 = tpu.memref_slice %arg5[%multiple_of3A_176] : memref<640000xi32, #tpu.memory_space<hbm>> -> memref<128xi32, #tpu.memory_space<hbm>>
          %dma_wait3A_184 = tpu.memref_slice %arg5[%multiple_of3A_176] : memref<640000xi32, #tpu.memory_space<hbm>> -> memref<128xi32, #tpu.memory_space<hbm>>
          tpu.wait_dma2 semaphore(%arg20 : memref<!tpu.dma_semaphore, #tpu.memory_space<semaphore_mem>>) src(%dma_wait3A_184 : memref<128xi32, #tpu.memory_space<hbm>>) dst(%arg10 : memref<128xi32, #tpu.memory_space<vmem>>)
          %add3A_185 = arith.constant 320000 : i32
          %add3A_186 = arith.addi %add3A_185, %multiple_of3A_176 : i32
          %dma_wait3A_187 = tpu.memref_slice %arg5[%add3A_186] : memref<640000xi32, #tpu.memory_space<hbm>> -> memref<128xi32, #tpu.memory_space<hbm>>
          %dma_wait3A_188 = tpu.memref_slice %arg5[%add3A_186] : memref<640000xi32, #tpu.memory_space<hbm>> -> memref<128xi32, #tpu.memory_space<hbm>>
          tpu.wait_dma2 semaphore(%arg20 : memref<!tpu.dma_semaphore, #tpu.memory_space<semaphore_mem>>) src(%dma_wait3A_188 : memref<128xi32, #tpu.memory_space<hbm>>) dst(%arg12 : memref<128xi32, #tpu.memory_space<vmem>>)
          %broadcast_in_dim3A_189 = arith.constant 1.000000e+00 : f32
          %broadcast_in_dim3A_190 = vector.broadcast %broadcast_in_dim3A_189 : f32 to vector<16xf32>
          %get3A_191 = arith.constant 0 : index
          %get3A_192 = tpu.vector_load %arg12[%get3A_191] {strides = array<i32>} : memref<128xi32, #tpu.memory_space<vmem>>, vector<16xi32>,
          tpu.vector_store_idx %arg18[%get3A_192], %broadcast_in_dim3A_190 {add = true} : memref<10000xf32, #tpu.memory_space<vmem>>[vector<16xi32>], vector<16xf32>,
          %get3A_193 = arith.constant 16 : index
          %get3A_194 = tpu.vector_load %arg12[%get3A_193] {strides = array<i32>} : memref<128xi32, #tpu.memory_space<vmem>>, vector<16xi32>,
          tpu.vector_store_idx %arg18[%get3A_194], %broadcast_in_dim3A_190 {add = true} : memref<10000xf32, #tpu.memory_space<vmem>>[vector<16xi32>], vector<16xf32>,
          %get3A_195 = arith.constant 32 : index
          %get3A_196 = tpu.vector_load %arg12[%get3A_195] {strides = array<i32>} : memref<128xi32, #tpu.memory_space<vmem>>, vector<16xi32>,
          tpu.vector_store_idx %arg18[%get3A_196], %broadcast_in_dim3A_190 {add = true} : memref<10000xf32, #tpu.memory_space<vmem>>[vector<16xi32>], vector<16xf32>,
          %get3A_197 = arith.constant 48 : index
          %get3A_198 = tpu.vector_load %arg12[%get3A_197] {strides = array<i32>} : memref<128xi32, #tpu.memory_space<vmem>>, vector<16xi32>,
          tpu.vector_store_idx %arg18[%get3A_198], %broadcast_in_dim3A_190 {add = true} : memref<10000xf32, #tpu.memory_space<vmem>>[vector<16xi32>], vector<16xf32>,
          %get3A_199 = arith.constant 64 : index
          %get3A_200 = tpu.vector_load %arg12[%get3A_199] {strides = array<i32>} : memref<128xi32, #tpu.memory_space<vmem>>, vector<16xi32>,
          tpu.vector_store_idx %arg18[%get3A_200], %broadcast_in_dim3A_190 {add = true} : memref<10000xf32, #tpu.memory_space<vmem>>[vector<16xi32>], vector<16xf32>,
          %get3A_201 = arith.constant 80 : index
          %get3A_202 = tpu.vector_load %arg12[%get3A_201] {strides = array<i32>} : memref<128xi32, #tpu.memory_space<vmem>>, vector<16xi32>,
          tpu.vector_store_idx %arg18[%get3A_202], %broadcast_in_dim3A_190 {add = true} : memref<10000xf32, #tpu.memory_space<vmem>>[vector<16xi32>], vector<16xf32>,
          %get3A_203 = arith.constant 96 : index
          %get3A_204 = tpu.vector_load %arg12[%get3A_203] {strides = array<i32>} : memref<128xi32, #tpu.memory_space<vmem>>, vector<16xi32>,
          tpu.vector_store_idx %arg18[%get3A_204], %broadcast_in_dim3A_190 {add = true} : memref<10000xf32, #tpu.memory_space<vmem>>[vector<16xi32>], vector<16xf32>,
          %get3A_205 = arith.constant 112 : index
          %get3A_206 = tpu.vector_load %arg12[%get3A_205] {strides = array<i32>} : memref<128xi32, #tpu.memory_space<vmem>>, vector<16xi32>,
          tpu.vector_store_idx %arg18[%get3A_206], %broadcast_in_dim3A_190 {add = true} : memref<10000xf32, #tpu.memory_space<vmem>>[vector<16xi32>], vector<16xf32>,
          %dma_start3A_207 = arith.constant 0 : i32
          %dma_start3A_208 = arith.constant 0 : i32
          %dma_start3A_209 = tpu.memref_slice %arg4[%dma_start3A_207, %dma_start3A_208] : memref<10000x128xf32, #tpu.memory_space<hbm>> -> memref<10000x128xf32, #tpu.memory_space<hbm>>
          tpu.enqueue_indirect_dma source(%dma_start3A_209 : memref<10000x128xf32, #tpu.memory_space<hbm>>) target(%arg14 : memref<128x128xf32, #tpu.memory_space<vmem>>) offsets(%arg10 : memref<128xi32, #tpu.memory_space<vmem>>) semaphore(%arg22 : memref<!tpu.dma_semaphore, #tpu.memory_space<semaphore_mem>>)
        } else {
        }
        %dma_wait3A_165 = arith.constant 0 : i32
        %dma_wait3A_166 = arith.constant 0 : i32
        %dma_wait3A_167 = tpu.memref_slice %arg4[%dma_wait3A_165, %dma_wait3A_166] : memref<10000x128xf32, #tpu.memory_space<hbm>> -> memref<10000x128xf32, #tpu.memory_space<hbm>>
        tpu.wait_indirect_dma semaphore(%arg23 : memref<!tpu.dma_semaphore, #tpu.memory_space<semaphore_mem>>) src(%dma_wait3A_167 : memref<10000x128xf32, #tpu.memory_space<hbm>>) dst(%arg15 : memref<128x128xf32, #tpu.memory_space<vmem>>)
        %dma_start3A_168 = arith.constant 0 : i32
        %dma_start3A_169 = arith.constant 0 : i32
        %dma_start3A_170 = tpu.memref_slice %arg19[%dma_start3A_168, %dma_start3A_169] : memref<10000x128xf32, #tpu.memory_space<vmem_shared>> -> memref<10000x128xf32, #tpu.memory_space<vmem_shared>>
        tpu.enqueue_indirect_dma source(%arg15 : memref<128x128xf32, #tpu.memory_space<vmem>>) target(%dma_start3A_170 : memref<10000x128xf32, #tpu.memory_space<vmem_shared>>) offsets(%arg13 : memref<128xi32, #tpu.memory_space<vmem>>) semaphore(%arg25 : memref<!tpu.dma_semaphore, #tpu.memory_space<semaphore_mem>>) {add = true}
      }
      %scan3A_57 = arith.constant 78 : i32
      %add3A_58 = arith.constant 19968 : i32
      %add3A_59 = arith.addi %mul3A_21, %add3A_58 : i32
      %multiple_of3A_60 = tpu.assume_multiple %add3A_59, 8 : i32
      "tpu.region"() ({
        %run_scoped3A = tpu.sem_alloc : memref<!tpu.dma_semaphore, #tpu.memory_space<semaphore_mem>>
        %dma_start3A_106 = tpu.memref_slice %arg5[%multiple_of3A_60] : memref<640000xi32, #tpu.memory_space<hbm>> -> memref<32xi32, #tpu.memory_space<hbm>>
        %dma_start3A_107 = tpu.memref_slice %arg5[%multiple_of3A_60] : memref<640000xi32, #tpu.memory_space<hbm>> -> memref<32xi32, #tpu.memory_space<hbm>>
        tpu.enqueue_dma source(%dma_start3A_107 : memref<32xi32, #tpu.memory_space<hbm>>) target(%arg16 : memref<32xi32, #tpu.memory_space<vmem>>) target_semaphore(%run_scoped3A : memref<!tpu.dma_semaphore, #tpu.memory_space<semaphore_mem>>)
        %dma_wait3A_108 = tpu.memref_slice %arg5[%multiple_of3A_60] : memref<640000xi32, #tpu.memory_space<hbm>> -> memref<32xi32, #tpu.memory_space<hbm>>
        %dma_wait3A_109 = tpu.memref_slice %arg5[%multiple_of3A_60] : memref<640000xi32, #tpu.memory_space<hbm>> -> memref<32xi32, #tpu.memory_space<hbm>>
        tpu.wait_dma2 semaphore(%run_scoped3A : memref<!tpu.dma_semaphore, #tpu.memory_space<semaphore_mem>>) src(%dma_wait3A_109 : memref<32xi32, #tpu.memory_space<hbm>>) dst(%arg16 : memref<32xi32, #tpu.memory_space<vmem>>)
        tpu.yield
      }) : () -> ()
      %add3A_61 = arith.constant 320000 : i32
      %add3A_62 = arith.addi %add3A_61, %multiple_of3A_60 : i32
      "tpu.region"() ({
        %run_scoped3A = tpu.sem_alloc : memref<!tpu.dma_semaphore, #tpu.memory_space<semaphore_mem>>
        %dma_start3A_106 = tpu.memref_slice %arg5[%add3A_62] : memref<640000xi32, #tpu.memory_space<hbm>> -> memref<32xi32, #tpu.memory_space<hbm>>
        %dma_start3A_107 = tpu.memref_slice %arg5[%add3A_62] : memref<640000xi32, #tpu.memory_space<hbm>> -> memref<32xi32, #tpu.memory_space<hbm>>
        tpu.enqueue_dma source(%dma_start3A_107 : memref<32xi32, #tpu.memory_space<hbm>>) target(%arg17 : memref<32xi32, #tpu.memory_space<vmem>>) target_semaphore(%run_scoped3A : memref<!tpu.dma_semaphore, #tpu.memory_space<semaphore_mem>>)
        %dma_wait3A_108 = tpu.memref_slice %arg5[%add3A_62] : memref<640000xi32, #tpu.memory_space<hbm>> -> memref<32xi32, #tpu.memory_space<hbm>>
        %dma_wait3A_109 = tpu.memref_slice %arg5[%add3A_62] : memref<640000xi32, #tpu.memory_space<hbm>> -> memref<32xi32, #tpu.memory_space<hbm>>
        tpu.wait_dma2 semaphore(%run_scoped3A : memref<!tpu.dma_semaphore, #tpu.memory_space<semaphore_mem>>) src(%dma_wait3A_109 : memref<32xi32, #tpu.memory_space<hbm>>) dst(%arg17 : memref<32xi32, #tpu.memory_space<vmem>>)
        tpu.yield
      }) : () -> ()
      %broadcast_in_dim3A_63 = arith.constant 1.000000e+00 : f32
      %broadcast_in_dim3A_64 = vector.broadcast %broadcast_in_dim3A_63 : f32 to vector<16xf32>
      %get3A_65 = arith.constant 0 : index
      %get3A_66 = tpu.vector_load %arg17[%get3A_65] {strides = array<i32>} : memref<32xi32, #tpu.memory_space<vmem>>, vector<16xi32>,
      tpu.vector_store_idx %arg18[%get3A_66], %broadcast_in_dim3A_64 {add = true} : memref<10000xf32, #tpu.memory_space<vmem>>[vector<16xi32>], vector<16xf32>,
      %get3A_67 = arith.constant 16 : index
      %get3A_68 = tpu.vector_load %arg17[%get3A_67] {strides = array<i32>} : memref<32xi32, #tpu.memory_space<vmem>>, vector<16xi32>,
      tpu.vector_store_idx %arg18[%get3A_68], %broadcast_in_dim3A_64 {add = true} : memref<10000xf32, #tpu.memory_space<vmem>>[vector<16xi32>], vector<16xf32>,
      %dma_start3A_69 = arith.constant 0 : i32
      %dma_start3A_70 = arith.constant 0 : i32
      %dma_start3A_71 = tpu.memref_slice %arg14[%dma_start3A_69, %dma_start3A_70] : memref<128x128xf32, #tpu.memory_space<vmem>> -> memref<32x128xf32, #tpu.memory_space<vmem>>
      %dma_start3A_72 = arith.constant 0 : i32
      %dma_start3A_73 = arith.constant 0 : i32
      %dma_start3A_74 = tpu.memref_slice %arg4[%dma_start3A_72, %dma_start3A_73] : memref<10000x128xf32, #tpu.memory_space<hbm>> -> memref<10000x128xf32, #tpu.memory_space<hbm>>
      tpu.enqueue_indirect_dma source(%dma_start3A_74 : memref<10000x128xf32, #tpu.memory_space<hbm>>) target(%dma_start3A_71 : memref<32x128xf32, #tpu.memory_space<vmem>>) offsets(%arg16 : memref<32xi32, #tpu.memory_space<vmem>>) semaphore(%arg22 : memref<!tpu.dma_semaphore, #tpu.memory_space<semaphore_mem>>)
      %dma_wait3A_75 = arith.constant 0 : i32
      %dma_wait3A_76 = arith.constant 0 : i32
      %dma_wait3A_77 = tpu.memref_slice %arg14[%dma_wait3A_75, %dma_wait3A_76] : memref<128x128xf32, #tpu.memory_space<vmem>> -> memref<32x128xf32, #tpu.memory_space<vmem>>
      %dma_wait3A_78 = arith.constant 0 : i32
      %dma_wait3A_79 = arith.constant 0 : i32
      %dma_wait3A_80 = tpu.memref_slice %arg4[%dma_wait3A_78, %dma_wait3A_79] : memref<10000x128xf32, #tpu.memory_space<hbm>> -> memref<10000x128xf32, #tpu.memory_space<hbm>>
      tpu.wait_indirect_dma semaphore(%arg22 : memref<!tpu.dma_semaphore, #tpu.memory_space<semaphore_mem>>) src(%dma_wait3A_80 : memref<10000x128xf32, #tpu.memory_space<hbm>>) dst(%dma_wait3A_77 : memref<32x128xf32, #tpu.memory_space<vmem>>)
      %dma_start3A_81 = arith.constant 0 : i32
      %dma_start3A_82 = arith.constant 0 : i32
      %dma_start3A_83 = tpu.memref_slice %arg14[%dma_start3A_81, %dma_start3A_82] : memref<128x128xf32, #tpu.memory_space<vmem>> -> memref<32x128xf32, #tpu.memory_space<vmem>>
      %dma_start3A_84 = arith.constant 0 : i32
      %dma_start3A_85 = arith.constant 0 : i32
      %dma_start3A_86 = tpu.memref_slice %arg19[%dma_start3A_84, %dma_start3A_85] : memref<10000x128xf32, #tpu.memory_space<vmem_shared>> -> memref<10000x128xf32, #tpu.memory_space<vmem_shared>>
      tpu.enqueue_indirect_dma source(%dma_start3A_83 : memref<32x128xf32, #tpu.memory_space<vmem>>) target(%dma_start3A_86 : memref<10000x128xf32, #tpu.memory_space<vmem_shared>>) offsets(%arg17 : memref<32xi32, #tpu.memory_space<vmem>>) semaphore(%arg24 : memref<!tpu.dma_semaphore, #tpu.memory_space<semaphore_mem>>) {add = true}
      %dma_wait3A_87 = arith.constant 0 : i32
      %dma_wait3A_88 = arith.constant 0 : i32
      %dma_wait3A_89 = tpu.memref_slice %arg14[%dma_wait3A_87, %dma_wait3A_88] : memref<128x128xf32, #tpu.memory_space<vmem>> -> memref<32x128xf32, #tpu.memory_space<vmem>>
      %dma_wait3A_90 = arith.constant 0 : i32
      %dma_wait3A_91 = arith.constant 0 : i32
      %dma_wait3A_92 = tpu.memref_slice %arg19[%dma_wait3A_90, %dma_wait3A_91] : memref<10000x128xf32, #tpu.memory_space<vmem_shared>> -> memref<10000x128xf32, #tpu.memory_space<vmem_shared>>
      tpu.wait_indirect_dma semaphore(%arg24 : memref<!tpu.dma_semaphore, #tpu.memory_space<semaphore_mem>>) src(%dma_wait3A_89 : memref<32x128xf32, #tpu.memory_space<vmem>>) dst(%dma_wait3A_92 : memref<10000x128xf32, #tpu.memory_space<vmem_shared>>)
      %dma_wait3A_93 = arith.constant 0 : i32
      %dma_wait3A_94 = arith.constant 0 : i32
      %dma_wait3A_95 = tpu.memref_slice %arg19[%dma_wait3A_93, %dma_wait3A_94] : memref<10000x128xf32, #tpu.memory_space<vmem_shared>> -> memref<10000x128xf32, #tpu.memory_space<vmem_shared>>
      tpu.wait_indirect_dma semaphore(%arg25 : memref<!tpu.dma_semaphore, #tpu.memory_space<semaphore_mem>>) src(%arg15 : memref<128x128xf32, #tpu.memory_space<vmem>>) dst(%dma_wait3A_95 : memref<10000x128xf32, #tpu.memory_space<vmem_shared>>)
      %barrier3A_96 = arith.constant 0 : index
      tpu.barrier barrier_id(%barrier3A_96)
      %mul3A_97 = arith.constant 624 : i32
      %mul3A_98 = arith.muli %arg1, %mul3A_97 : i32
      %mul3A_99 = arith.constant 624 : i32
      %mul3A_100 = arith.muli %arg1, %mul3A_99 : i32
      "tpu.region"() ({
        %run_scoped3A = tpu.sem_alloc : memref<!tpu.dma_semaphore, #tpu.memory_space<semaphore_mem>>
        %dma_start3A_106 = arith.constant 0 : i32
        %dma_start3A_107 = tpu.memref_slice %arg8[%mul3A_100, %dma_start3A_106] : memref<10000x128xf32, #tpu.memory_space<hbm>> -> memref<624x128xf32, #tpu.memory_space<hbm>>
        %dma_start3A_108 = arith.constant 0 : i32
        %dma_start3A_109 = tpu.memref_slice %arg19[%mul3A_98, %dma_start3A_108] : memref<10000x128xf32, #tpu.memory_space<vmem_shared>> -> memref<624x128xf32, #tpu.memory_space<vmem_shared>>
        tpu.enqueue_dma source(%dma_start3A_109 : memref<624x128xf32, #tpu.memory_space<vmem_shared>>) target(%dma_start3A_107 : memref<624x128xf32, #tpu.memory_space<hbm>>) target_semaphore(%run_scoped3A : memref<!tpu.dma_semaphore, #tpu.memory_space<semaphore_mem>>)
        %dma_wait3A_110 = arith.constant 0 : i32
        %dma_wait3A_111 = tpu.memref_slice %arg8[%mul3A_100, %dma_wait3A_110] : memref<10000x128xf32, #tpu.memory_space<hbm>> -> memref<624x128xf32, #tpu.memory_space<hbm>>
        %dma_wait3A_112 = arith.constant 0 : i32
        %dma_wait3A_113 = tpu.memref_slice %arg19[%mul3A_98, %dma_wait3A_112] : memref<10000x128xf32, #tpu.memory_space<vmem_shared>> -> memref<624x128xf32, #tpu.memory_space<vmem_shared>>
        tpu.wait_dma2 semaphore(%run_scoped3A : memref<!tpu.dma_semaphore, #tpu.memory_space<semaphore_mem>>) src(%dma_wait3A_113 : memref<624x128xf32, #tpu.memory_space<vmem_shared>>) dst(%dma_wait3A_111 : memref<624x128xf32, #tpu.memory_space<hbm>>)
        tpu.yield
      }) : () -> ()
      %eq3A_101 = arith.constant 15 : i32
      %eq3A_102 = arith.cmpi eq, %arg1, %eq3A_101 : i32
      %convert_element_type3A_103 = arith.extui %eq3A_102 : i1 to i32
      %cond3A_104 = arith.constant 0 : i32
      %cond3A_105 = arith.cmpi ne, %convert_element_type3A_103, %cond3A_104 : i32
      scf.if %cond3A_105 {
        "tpu.region"() ({
          %run_scoped3A = tpu.sem_alloc : memref<!tpu.dma_semaphore, #tpu.memory_space<semaphore_mem>>
          %dma_start3A_106 = arith.constant 9984 : i32
          %dma_start3A_107 = arith.constant 0 : i32
          %dma_start3A_108 = tpu.memref_slice %arg8[%dma_start3A_106, %dma_start3A_107] : memref<10000x128xf32, #tpu.memory_space<hbm>> -> memref<16x128xf32, #tpu.memory_space<hbm>>
          %dma_start3A_109 = arith.constant 9984 : i32
          %dma_start3A_110 = arith.constant 0 : i32
          %dma_start3A_111 = tpu.memref_slice %arg19[%dma_start3A_109, %dma_start3A_110] : memref<10000x128xf32, #tpu.memory_space<vmem_shared>> -> memref<16x128xf32, #tpu.memory_space<vmem_shared>>
          tpu.enqueue_dma source(%dma_start3A_111 : memref<16x128xf32, #tpu.memory_space<vmem_shared>>) target(%dma_start3A_108 : memref<16x128xf32, #tpu.memory_space<hbm>>) target_semaphore(%run_scoped3A : memref<!tpu.dma_semaphore, #tpu.memory_space<semaphore_mem>>)
          %dma_wait3A_112 = arith.constant 9984 : i32
          %dma_wait3A_113 = arith.constant 0 : i32
          %dma_wait3A_114 = tpu.memref_slice %arg8[%dma_wait3A_112, %dma_wait3A_113] : memref<10000x128xf32, #tpu.memory_space<hbm>> -> memref<16x128xf32, #tpu.memory_space<hbm>>
          %dma_wait3A_115 = arith.constant 9984 : i32
          %dma_wait3A_116 = arith.constant 0 : i32
          %dma_wait3A_117 = tpu.memref_slice %arg19[%dma_wait3A_115, %dma_wait3A_116] : memref<10000x128xf32, #tpu.memory_space<vmem_shared>> -> memref<16x128xf32, #tpu.memory_space<vmem_shared>>
          tpu.wait_dma2 semaphore(%run_scoped3A : memref<!tpu.dma_semaphore, #tpu.memory_space<semaphore_mem>>) src(%dma_wait3A_117 : memref<16x128xf32, #tpu.memory_space<vmem_shared>>) dst(%dma_wait3A_114 : memref<16x128xf32, #tpu.memory_space<hbm>>)
          tpu.yield
        }) : () -> ()
      } else {
      }
      "tpu.region"() ({
        %run_scoped3A = tpu.sem_alloc : memref<!tpu.dma_semaphore, #tpu.memory_space<semaphore_mem>>
        %dma_start3A_106 = arith.constant 0 : i32
        %dma_start3A_107 = tpu.memref_slice %arg9[%arg0, %arg1, %dma_start3A_106] : memref<2x16x10000xf32, #tpu.memory_space<hbm>> -> memref<1x1x10000xf32, #tpu.memory_space<hbm>>
        %dma_start3A_108 = tpu.memref_squeeze %dma_start3A_107 : memref<1x1x10000xf32, #tpu.memory_space<hbm>> -> memref<10000xf32, #tpu.memory_space<hbm>>
        %dma_start3A_109 = arith.constant 0 : i32
        %dma_start3A_110 = tpu.memref_slice %arg9[%arg0, %arg1, %dma_start3A_109] : memref<2x16x10000xf32, #tpu.memory_space<hbm>> -> memref<1x1x10000xf32, #tpu.memory_space<hbm>>
        %dma_start3A_111 = tpu.memref_squeeze %dma_start3A_110 : memref<1x1x10000xf32, #tpu.memory_space<hbm>> -> memref<10000xf32, #tpu.memory_space<hbm>>
        tpu.enqueue_dma source(%arg18 : memref<10000xf32, #tpu.memory_space<vmem>>) target(%dma_start3A_111 : memref<10000xf32, #tpu.memory_space<hbm>>) target_semaphore(%run_scoped3A : memref<!tpu.dma_semaphore, #tpu.memory_space<semaphore_mem>>)
        %dma_wait3A_112 = arith.constant 0 : i32
        %dma_wait3A_113 = tpu.memref_slice %arg9[%arg0, %arg1, %dma_wait3A_112] : memref<2x16x10000xf32, #tpu.memory_space<hbm>> -> memref<1x1x10000xf32, #tpu.memory_space<hbm>>
        %dma_wait3A_114 = tpu.memref_squeeze %dma_wait3A_113 : memref<1x1x10000xf32, #tpu.memory_space<hbm>> -> memref<10000xf32, #tpu.memory_space<hbm>>
        %dma_wait3A_115 = arith.constant 0 : i32
        %dma_wait3A_116 = tpu.memref_slice %arg9[%arg0, %arg1, %dma_wait3A_115] : memref<2x16x10000xf32, #tpu.memory_space<hbm>> -> memref<1x1x10000xf32, #tpu.memory_space<hbm>>
        %dma_wait3A_117 = tpu.memref_squeeze %dma_wait3A_116 : memref<1x1x10000xf32, #tpu.memory_space<hbm>> -> memref<10000xf32, #tpu.memory_space<hbm>>
        tpu.wait_dma2 semaphore(%run_scoped3A : memref<!tpu.dma_semaphore, #tpu.memory_space<semaphore_mem>>) src(%arg18 : memref<10000xf32, #tpu.memory_space<vmem>>) dst(%dma_wait3A_117 : memref<10000xf32, #tpu.memory_space<hbm>>)
        tpu.yield
      }) : () -> ()
    } else {
    }
    return
  }
}

module attributes {stable_mosaic.version = 14 : i64} {
  func.func @_proj_body(%arg0: i32, %arg1: memref<2000x128xf32, #tpu.memory_space<vmem>>, %arg2: memref<128x128xf32, #tpu.memory_space<vmem>>, %arg3: memref<1x128xf32, #tpu.memory_space<vmem>>, %arg4: memref<128x128xf32, #tpu.memory_space<vmem>>, %arg5: memref<1x128xf32, #tpu.memory_space<vmem>>, %arg6: memref<2000x128xf32, #tpu.memory_space<vmem>>, %arg7: memref<2000x128xf32, #tpu.memory_space<vmem>>) attributes {dimension_semantics = [#tpu.dimension_semantics<arbitrary>], iteration_bounds = array<i64: 5>, scalar_prefetch = 0 : i64, scratch_operands = 0 : i64, tpu.core_type = #tpu.core_type<tc>, window_params = [{transform_indices = @transform_0, window_bounds = array<i64: 2000, 128>}, {pipeline_mode = #tpu.pipeline_mode<synchronous>, transform_indices = @transform_1, window_bounds = array<i64: 128, 128>}, {pipeline_mode = #tpu.pipeline_mode<synchronous>, transform_indices = @transform_2, window_bounds = array<i64: 1, 128>}, {pipeline_mode = #tpu.pipeline_mode<synchronous>, transform_indices = @transform_3, window_bounds = array<i64: 128, 128>}, {pipeline_mode = #tpu.pipeline_mode<synchronous>, transform_indices = @transform_4, window_bounds = array<i64: 1, 128>}, {transform_indices = @transform_5, window_bounds = array<i64: 2000, 128>}, {transform_indices = @transform_6, window_bounds = array<i64: 2000, 128>}]} {
    %get3A = arith.constant 0 : index
    %get3A_0 = arith.constant 0 : index
    %get3A_1 = vector.load %arg1[%get3A, %get3A_0] : memref<2000x128xf32, #tpu.memory_space<vmem>>, vector<2000x128xf32>
    %get3A_2 = arith.constant 0 : index
    %get3A_3 = arith.constant 0 : index
    %get3A_4 = vector.load %arg2[%get3A_2, %get3A_3] : memref<128x128xf32, #tpu.memory_space<vmem>>, vector<128x128xf32>
    %dot_general3A = arith.constant dense<0.000000e+00> : vector<2000x128xf32>
    %dot_general3A_5 = tpu.matmul %get3A_1, %get3A_4, %dot_general3A {dimension_numbers = #tpu.dot_dimension_numbers<[1], [1], [0], [0], [0, 0, 1, 0], [], []>, transpose_lhs_hint = false} : vector<2000x128xf32>, vector<128x128xf32>, vector<2000x128xf32> -> vector<2000x128xf32>
    %get3A_6 = arith.constant 0 : index
    %get3A_7 = arith.constant 0 : index
    %get3A_8 = vector.load %arg3[%get3A_6, %get3A_7] : memref<1x128xf32, #tpu.memory_space<vmem>>, vector<1x128xf32>
    %add3A = vector.broadcast %get3A_8 : vector<1x128xf32> to vector<2000x128xf32>
    %add3A_9 = arith.addf %dot_general3A_5, %add3A : vector<2000x128xf32>
    %max3A = arith.constant 0.000000e+00 : f32
    %max3A_10 = vector.broadcast %max3A : f32 to vector<2000x128xf32>
    %max3A_11 = arith.maximumf %add3A_9, %max3A_10 : vector<2000x128xf32>
    %swap3A = arith.constant 0 : index
    %swap3A_12 = arith.constant 0 : index
    %swap3A_13 = vector.load %arg6[%swap3A, %swap3A_12] : memref<2000x128xf32, #tpu.memory_space<vmem>>, vector<2000x128xf32>
    tpu.vector_store %arg6[%swap3A, %swap3A_12], %max3A_11 {strides = array<i32>} : memref<2000x128xf32, #tpu.memory_space<vmem>>, vector<2000x128xf32>,
    %get3A_14 = arith.constant 0 : index
    %get3A_15 = arith.constant 0 : index
    %get3A_16 = vector.load %arg4[%get3A_14, %get3A_15] : memref<128x128xf32, #tpu.memory_space<vmem>>, vector<128x128xf32>
    %dot_general3A_17 = arith.constant dense<0.000000e+00> : vector<2000x128xf32>
    %dot_general3A_18 = tpu.matmul %get3A_1, %get3A_16, %dot_general3A_17 {dimension_numbers = #tpu.dot_dimension_numbers<[1], [1], [0], [0], [0, 0, 1, 0], [], []>, transpose_lhs_hint = false} : vector<2000x128xf32>, vector<128x128xf32>, vector<2000x128xf32> -> vector<2000x128xf32>
    %get3A_19 = arith.constant 0 : index
    %get3A_20 = arith.constant 0 : index
    %get3A_21 = vector.load %arg5[%get3A_19, %get3A_20] : memref<1x128xf32, #tpu.memory_space<vmem>>, vector<1x128xf32>
    %add3A_22 = vector.broadcast %get3A_21 : vector<1x128xf32> to vector<2000x128xf32>
    %add3A_23 = arith.addf %dot_general3A_18, %add3A_22 : vector<2000x128xf32>
    %max3A_24 = arith.constant 0.000000e+00 : f32
    %max3A_25 = vector.broadcast %max3A_24 : f32 to vector<2000x128xf32>
    %max3A_26 = arith.maximumf %add3A_23, %max3A_25 : vector<2000x128xf32>
    %swap3A_27 = arith.constant 0 : index
    %swap3A_28 = arith.constant 0 : index
    %swap3A_29 = vector.load %arg7[%swap3A_27, %swap3A_28] : memref<2000x128xf32, #tpu.memory_space<vmem>>, vector<2000x128xf32>
    tpu.vector_store %arg7[%swap3A_27, %swap3A_28], %max3A_26 {strides = array<i32>} : memref<2000x128xf32, #tpu.memory_space<vmem>>, vector<2000x128xf32>,
    return
  }
  func.func @transform_0(%arg0: i32) -> (i32, i32) {
    %c0_i32 = arith.constant 0 : i32
    %c0_i32_0 = arith.constant 0 : i32
    return %arg0, %c0_i32 : i32, i32
  }
  func.func @transform_1(%arg0: i32) -> (i32, i32) {
    %c0_i32 = arith.constant 0 : i32
    %c0_i32_0 = arith.constant 0 : i32
    %c0_i32_1 = arith.constant 0 : i32
    return %c0_i32, %c0_i32_0 : i32, i32
  }
  func.func @transform_2(%arg0: i32) -> (i32, i32) {
    %c0_i32 = arith.constant 0 : i32
    %c0_i32_0 = arith.constant 0 : i32
    %c0_i32_1 = arith.constant 0 : i32
    return %c0_i32, %c0_i32_0 : i32, i32
  }
  func.func @transform_3(%arg0: i32) -> (i32, i32) {
    %c0_i32 = arith.constant 0 : i32
    %c0_i32_0 = arith.constant 0 : i32
    %c0_i32_1 = arith.constant 0 : i32
    return %c0_i32, %c0_i32_0 : i32, i32
  }
  func.func @transform_4(%arg0: i32) -> (i32, i32) {
    %c0_i32 = arith.constant 0 : i32
    %c0_i32_0 = arith.constant 0 : i32
    %c0_i32_1 = arith.constant 0 : i32
    return %c0_i32, %c0_i32_0 : i32, i32
  }
  func.func @transform_5(%arg0: i32) -> (i32, i32) {
    %c0_i32 = arith.constant 0 : i32
    %c0_i32_0 = arith.constant 0 : i32
    return %arg0, %c0_i32 : i32, i32
  }
  func.func @transform_6(%arg0: i32) -> (i32, i32) {
    %c0_i32 = arith.constant 0 : i32
    %c0_i32_0 = arith.constant 0 : i32
    return %arg0, %c0_i32 : i32, i32
  }
}

module attributes {stable_mosaic.version = 14 : i64} {
  func.func @_combine1_body(%arg0: i32, %arg1: memref<2000x128xf32, #tpu.memory_space<vmem>>, %arg2: memref<2000x128xf32, #tpu.memory_space<vmem>>, %arg3: memref<2000x32xf32, #tpu.memory_space<vmem>>, %arg4: memref<2000x128xf32, #tpu.memory_space<vmem>>, %arg5: memref<128x128xf32, #tpu.memory_space<vmem>>, %arg6: memref<1x128xf32, #tpu.memory_space<vmem>>, %arg7: memref<128x128xf32, #tpu.memory_space<vmem>>, %arg8: memref<128x128xf32, #tpu.memory_space<vmem>>, %arg9: memref<1x128xf32, #tpu.memory_space<vmem>>, %arg10: memref<128x128xf32, #tpu.memory_space<vmem>>, %arg11: memref<1x128xf32, #tpu.memory_space<vmem>>, %arg12: memref<1x128xf32, #tpu.memory_space<vmem>>, %arg13: memref<2000x128xf32, #tpu.memory_space<vmem>>) attributes {dimension_semantics = [#tpu.dimension_semantics<arbitrary>], iteration_bounds = array<i64: 5>, scalar_prefetch = 0 : i64, scratch_operands = 0 : i64, tpu.core_type = #tpu.core_type<tc>, window_params = [{transform_indices = @transform_0, window_bounds = array<i64: 2000, 128>}, {transform_indices = @transform_1, window_bounds = array<i64: 2000, 128>}, {transform_indices = @transform_2, window_bounds = array<i64: 2000, 32>}, {transform_indices = @transform_3, window_bounds = array<i64: 2000, 128>}, {pipeline_mode = #tpu.pipeline_mode<synchronous>, transform_indices = @transform_4, window_bounds = array<i64: 128, 128>}, {pipeline_mode = #tpu.pipeline_mode<synchronous>, transform_indices = @transform_5, window_bounds = array<i64: 1, 128>}, {pipeline_mode = #tpu.pipeline_mode<synchronous>, transform_indices = @transform_6, window_bounds = array<i64: 128, 128>}, {pipeline_mode = #tpu.pipeline_mode<synchronous>, transform_indices = @transform_7, window_bounds = array<i64: 128, 128>}, {pipeline_mode = #tpu.pipeline_mode<synchronous>, transform_indices = @transform_8, window_bounds = array<i64: 1, 128>}, {pipeline_mode = #tpu.pipeline_mode<synchronous>, transform_indices = @transform_9, window_bounds = array<i64: 128, 128>}, {pipeline_mode = #tpu.pipeline_mode<synchronous>, transform_indices = @transform_10, window_bounds = array<i64: 1, 128>}, {pipeline_mode = #tpu.pipeline_mode<synchronous>, transform_indices = @transform_11, window_bounds = array<i64: 1, 128>}, {transform_indices = @transform_12, window_bounds = array<i64: 2000, 128>}]} {
    %get3A = arith.constant 0 : index
    %get3A_0 = arith.constant 0 : index
    %get3A_1 = vector.load %arg4[%get3A, %get3A_0] : memref<2000x128xf32, #tpu.memory_space<vmem>>, vector<2000x128xf32>
    %get3A_2 = arith.constant 0 : index
    %get3A_3 = arith.constant 0 : index
    %get3A_4 = vector.load %arg3[%get3A_2, %get3A_3] : memref<2000x32xf32, #tpu.memory_space<vmem>>, vector<2000x32xf32>
    %slice3A = vector.extract_strided_slice %get3A_4 {offsets = [0, 0], sizes = [2000, 16], strides = [1, 1]} : vector<2000x32xf32> to vector<2000x16xf32>
    %reduce_sum3A = arith.constant dense<0.000000e+00> : vector<2000xf32>
    %reduce_sum3A_5 = vector.multi_reduction <add>, %slice3A, %reduce_sum3A [1] : vector<2000x16xf32> to vector<2000xf32>
    %broadcast_in_dim3A = vector.shape_cast %reduce_sum3A_5 : vector<2000xf32> to vector<2000x1xf32>
    %slice3A_6 = vector.extract_strided_slice %get3A_4 {offsets = [0, 16], sizes = [2000, 16], strides = [1, 1]} : vector<2000x32xf32> to vector<2000x16xf32>
    %reduce_sum3A_7 = arith.constant dense<0.000000e+00> : vector<2000xf32>
    %reduce_sum3A_8 = vector.multi_reduction <add>, %slice3A_6, %reduce_sum3A_7 [1] : vector<2000x16xf32> to vector<2000xf32>
    %broadcast_in_dim3A_9 = vector.shape_cast %reduce_sum3A_8 : vector<2000xf32> to vector<2000x1xf32>
    %max3A = arith.constant 1.000000e+00 : f32
    %max3A_10 = vector.broadcast %max3A : f32 to vector<2000x1xf32>
    %max3A_11 = arith.maximumf %broadcast_in_dim3A, %max3A_10 : vector<2000x1xf32>
    %div3A = arith.constant 1.000000e+00 : f32
    %div3A_12 = vector.broadcast %div3A : f32 to vector<2000x1xf32>
    %div3A_13 = arith.divf %div3A_12, %max3A_11 : vector<2000x1xf32>
    %max3A_14 = arith.constant 1.000000e+00 : f32
    %max3A_15 = vector.broadcast %max3A_14 : f32 to vector<2000x1xf32>
    %max3A_16 = arith.maximumf %broadcast_in_dim3A_9, %max3A_15 : vector<2000x1xf32>
    %div3A_17 = arith.constant 1.000000e+00 : f32
    %div3A_18 = vector.broadcast %div3A_17 : f32 to vector<2000x1xf32>
    %div3A_19 = arith.divf %div3A_18, %max3A_16 : vector<2000x1xf32>
    %get3A_20 = arith.constant 0 : index
    %get3A_21 = arith.constant 0 : index
    %get3A_22 = vector.load %arg1[%get3A_20, %get3A_21] : memref<2000x128xf32, #tpu.memory_space<vmem>>, vector<2000x128xf32>
    %get3A_23 = arith.constant 0 : index
    %get3A_24 = arith.constant 0 : index
    %get3A_25 = vector.load %arg5[%get3A_23, %get3A_24] : memref<128x128xf32, #tpu.memory_space<vmem>>, vector<128x128xf32>
    %get3A_26 = arith.constant 0 : index
    %get3A_27 = arith.constant 0 : index
    %get3A_28 = vector.load %arg6[%get3A_26, %get3A_27] : memref<1x128xf32, #tpu.memory_space<vmem>>, vector<1x128xf32>
    %get3A_29 = arith.constant 0 : index
    %get3A_30 = arith.constant 0 : index
    %get3A_31 = vector.load %arg7[%get3A_29, %get3A_30] : memref<128x128xf32, #tpu.memory_space<vmem>>, vector<128x128xf32>
    %mul3A = vector.broadcast %div3A_13 : vector<2000x1xf32> to vector<2000x128xf32>
    %mul3A_32 = arith.mulf %get3A_22, %mul3A : vector<2000x128xf32>
    %dot_general3A = arith.constant dense<0.000000e+00> : vector<2000x128xf32>
    %dot_general3A_33 = tpu.matmul %mul3A_32, %get3A_25, %dot_general3A {dimension_numbers = #tpu.dot_dimension_numbers<[1], [1], [0], [0], [0, 0, 1, 0], [], []>, transpose_lhs_hint = false} : vector<2000x128xf32>, vector<128x128xf32>, vector<2000x128xf32> -> vector<2000x128xf32>
    %add3A = vector.broadcast %get3A_28 : vector<1x128xf32> to vector<2000x128xf32>
    %add3A_34 = arith.addf %dot_general3A_33, %add3A : vector<2000x128xf32>
    %dot_general3A_35 = arith.constant dense<0.000000e+00> : vector<2000x128xf32>
    %dot_general3A_36 = tpu.matmul %get3A_1, %get3A_31, %dot_general3A_35 {dimension_numbers = #tpu.dot_dimension_numbers<[1], [1], [0], [0], [0, 0, 1, 0], [], []>, transpose_lhs_hint = false} : vector<2000x128xf32>, vector<128x128xf32>, vector<2000x128xf32> -> vector<2000x128xf32>
    %add3A_37 = arith.addf %add3A_34, %dot_general3A_36 : vector<2000x128xf32>
    %mul3A_38 = arith.mulf %add3A_37, %add3A_37 : vector<2000x128xf32>
    %reduce_sum3A_39 = arith.constant dense<0.000000e+00> : vector<2000xf32>
    %reduce_sum3A_40 = vector.multi_reduction <add>, %mul3A_38, %reduce_sum3A_39 [1] : vector<2000x128xf32> to vector<2000xf32>
    %broadcast_in_dim3A_41 = vector.shape_cast %reduce_sum3A_40 : vector<2000xf32> to vector<2000x1xf32>
    %sqrt3A = math.sqrt %broadcast_in_dim3A_41 : vector<2000x1xf32>
    %max3A_42 = arith.constant 9.99999996E-13 : f32
    %max3A_43 = vector.broadcast %max3A_42 : f32 to vector<2000x1xf32>
    %max3A_44 = arith.maximumf %sqrt3A, %max3A_43 : vector<2000x1xf32>
    %div3A_45 = vector.broadcast %max3A_44 : vector<2000x1xf32> to vector<2000x128xf32>
    %div3A_46 = arith.divf %add3A_37, %div3A_45 : vector<2000x128xf32>
    %get3A_47 = arith.constant 0 : index
    %get3A_48 = arith.constant 0 : index
    %get3A_49 = vector.load %arg2[%get3A_47, %get3A_48] : memref<2000x128xf32, #tpu.memory_space<vmem>>, vector<2000x128xf32>
    %get3A_50 = arith.constant 0 : index
    %get3A_51 = arith.constant 0 : index
    %get3A_52 = vector.load %arg8[%get3A_50, %get3A_51] : memref<128x128xf32, #tpu.memory_space<vmem>>, vector<128x128xf32>
    %get3A_53 = arith.constant 0 : index
    %get3A_54 = arith.constant 0 : index
    %get3A_55 = vector.load %arg9[%get3A_53, %get3A_54] : memref<1x128xf32, #tpu.memory_space<vmem>>, vector<1x128xf32>
    %get3A_56 = arith.constant 0 : index
    %get3A_57 = arith.constant 0 : index
    %get3A_58 = vector.load %arg10[%get3A_56, %get3A_57] : memref<128x128xf32, #tpu.memory_space<vmem>>, vector<128x128xf32>
    %mul3A_59 = vector.broadcast %div3A_19 : vector<2000x1xf32> to vector<2000x128xf32>
    %mul3A_60 = arith.mulf %get3A_49, %mul3A_59 : vector<2000x128xf32>
    %dot_general3A_61 = arith.constant dense<0.000000e+00> : vector<2000x128xf32>
    %dot_general3A_62 = tpu.matmul %mul3A_60, %get3A_52, %dot_general3A_61 {dimension_numbers = #tpu.dot_dimension_numbers<[1], [1], [0], [0], [0, 0, 1, 0], [], []>, transpose_lhs_hint = false} : vector<2000x128xf32>, vector<128x128xf32>, vector<2000x128xf32> -> vector<2000x128xf32>
    %add3A_63 = vector.broadcast %get3A_55 : vector<1x128xf32> to vector<2000x128xf32>
    %add3A_64 = arith.addf %dot_general3A_62, %add3A_63 : vector<2000x128xf32>
    %dot_general3A_65 = arith.constant dense<0.000000e+00> : vector<2000x128xf32>
    %dot_general3A_66 = tpu.matmul %get3A_1, %get3A_58, %dot_general3A_65 {dimension_numbers = #tpu.dot_dimension_numbers<[1], [1], [0], [0], [0, 0, 1, 0], [], []>, transpose_lhs_hint = false} : vector<2000x128xf32>, vector<128x128xf32>, vector<2000x128xf32> -> vector<2000x128xf32>
    %add3A_67 = arith.addf %add3A_64, %dot_general3A_66 : vector<2000x128xf32>
    %mul3A_68 = arith.mulf %add3A_67, %add3A_67 : vector<2000x128xf32>
    %reduce_sum3A_69 = arith.constant dense<0.000000e+00> : vector<2000xf32>
    %reduce_sum3A_70 = vector.multi_reduction <add>, %mul3A_68, %reduce_sum3A_69 [1] : vector<2000x128xf32> to vector<2000xf32>
    %broadcast_in_dim3A_71 = vector.shape_cast %reduce_sum3A_70 : vector<2000xf32> to vector<2000x1xf32>
    %sqrt3A_72 = math.sqrt %broadcast_in_dim3A_71 : vector<2000x1xf32>
    %max3A_73 = arith.constant 9.99999996E-13 : f32
    %max3A_74 = vector.broadcast %max3A_73 : f32 to vector<2000x1xf32>
    %max3A_75 = arith.maximumf %sqrt3A_72, %max3A_74 : vector<2000x1xf32>
    %div3A_76 = vector.broadcast %max3A_75 : vector<2000x1xf32> to vector<2000x128xf32>
    %div3A_77 = arith.divf %add3A_67, %div3A_76 : vector<2000x128xf32>
    %add3A_78 = arith.addf %div3A_46, %div3A_77 : vector<2000x128xf32>
    %mul3A_79 = arith.constant 5.000000e-01 : f32
    %mul3A_80 = vector.broadcast %mul3A_79 : f32 to vector<2000x128xf32>
    %mul3A_81 = arith.mulf %add3A_78, %mul3A_80 : vector<2000x128xf32>
    %max3A_82 = arith.constant 0.000000e+00 : f32
    %max3A_83 = vector.broadcast %max3A_82 : f32 to vector<2000x128xf32>
    %max3A_84 = arith.maximumf %mul3A_81, %max3A_83 : vector<2000x128xf32>
    %reduce_sum3A_85 = arith.constant dense<0.000000e+00> : vector<2000xf32>
    %reduce_sum3A_86 = vector.multi_reduction <add>, %max3A_84, %reduce_sum3A_85 [1] : vector<2000x128xf32> to vector<2000xf32>
    %broadcast_in_dim3A_87 = vector.shape_cast %reduce_sum3A_86 : vector<2000xf32> to vector<2000x1xf32>
    %div3A_88 = arith.constant 1.280000e+02 : f32
    %div3A_89 = vector.broadcast %div3A_88 : f32 to vector<2000x1xf32>
    %div3A_90 = arith.divf %broadcast_in_dim3A_87, %div3A_89 : vector<2000x1xf32>
    %sub3A = vector.broadcast %div3A_90 : vector<2000x1xf32> to vector<2000x128xf32>
    %sub3A_91 = arith.subf %max3A_84, %sub3A : vector<2000x128xf32>
    %integer_pow3A = arith.mulf %sub3A_91, %sub3A_91 : vector<2000x128xf32>
    %reduce_sum3A_92 = arith.constant dense<0.000000e+00> : vector<2000xf32>
    %reduce_sum3A_93 = vector.multi_reduction <add>, %integer_pow3A, %reduce_sum3A_92 [1] : vector<2000x128xf32> to vector<2000xf32>
    %broadcast_in_dim3A_94 = vector.shape_cast %reduce_sum3A_93 : vector<2000xf32> to vector<2000x1xf32>
    %div3A_95 = arith.constant 1.280000e+02 : f32
    %div3A_96 = vector.broadcast %div3A_95 : f32 to vector<2000x1xf32>
    %div3A_97 = arith.divf %broadcast_in_dim3A_94, %div3A_96 : vector<2000x1xf32>
    %sub3A_98 = vector.broadcast %div3A_90 : vector<2000x1xf32> to vector<2000x128xf32>
    %sub3A_99 = arith.subf %max3A_84, %sub3A_98 : vector<2000x128xf32>
    %add3A_100 = arith.constant 9.99999974E-6 : f32
    %add3A_101 = vector.broadcast %add3A_100 : f32 to vector<2000x1xf32>
    %add3A_102 = arith.addf %div3A_97, %add3A_101 : vector<2000x1xf32>
    %sqrt3A_103 = math.sqrt %add3A_102 : vector<2000x1xf32>
    %div3A_104 = vector.broadcast %sqrt3A_103 : vector<2000x1xf32> to vector<2000x128xf32>
    %div3A_105 = arith.divf %sub3A_99, %div3A_104 : vector<2000x128xf32>
    %get3A_106 = arith.constant 0 : index
    %get3A_107 = arith.constant 0 : index
    %get3A_108 = vector.load %arg11[%get3A_106, %get3A_107] : memref<1x128xf32, #tpu.memory_space<vmem>>, vector<1x128xf32>
    %mul3A_109 = vector.broadcast %get3A_108 : vector<1x128xf32> to vector<2000x128xf32>
    %mul3A_110 = arith.mulf %div3A_105, %mul3A_109 : vector<2000x128xf32>
    %get3A_111 = arith.constant 0 : index
    %get3A_112 = arith.constant 0 : index
    %get3A_113 = vector.load %arg12[%get3A_111, %get3A_112] : memref<1x128xf32, #tpu.memory_space<vmem>>, vector<1x128xf32>
    %add3A_114 = vector.broadcast %get3A_113 : vector<1x128xf32> to vector<2000x128xf32>
    %add3A_115 = arith.addf %mul3A_110, %add3A_114 : vector<2000x128xf32>
    %swap3A = arith.constant 0 : index
    %swap3A_116 = arith.constant 0 : index
    %swap3A_117 = vector.load %arg13[%swap3A, %swap3A_116] : memref<2000x128xf32, #tpu.memory_space<vmem>>, vector<2000x128xf32>
    tpu.vector_store %arg13[%swap3A, %swap3A_116], %add3A_115 {strides = array<i32>} : memref<2000x128xf32, #tpu.memory_space<vmem>>, vector<2000x128xf32>,
    return
  }
  func.func @transform_0(%arg0: i32) -> (i32, i32) {
    %c0_i32 = arith.constant 0 : i32
    %c0_i32_0 = arith.constant 0 : i32
    return %arg0, %c0_i32 : i32, i32
  }
  func.func @transform_1(%arg0: i32) -> (i32, i32) {
    %c0_i32 = arith.constant 0 : i32
    %c0_i32_0 = arith.constant 0 : i32
    return %arg0, %c0_i32 : i32, i32
  }
  func.func @transform_2(%arg0: i32) -> (i32, i32) {
    %c0_i32 = arith.constant 0 : i32
    %c0_i32_0 = arith.constant 0 : i32
    return %arg0, %c0_i32 : i32, i32
  }
  func.func @transform_3(%arg0: i32) -> (i32, i32) {
    %c0_i32 = arith.constant 0 : i32
    %c0_i32_0 = arith.constant 0 : i32
    return %arg0, %c0_i32 : i32, i32
  }
  func.func @transform_4(%arg0: i32) -> (i32, i32) {
    %c0_i32 = arith.constant 0 : i32
    %c0_i32_0 = arith.constant 0 : i32
    %c0_i32_1 = arith.constant 0 : i32
    return %c0_i32, %c0_i32_0 : i32, i32
  }
  func.func @transform_5(%arg0: i32) -> (i32, i32) {
    %c0_i32 = arith.constant 0 : i32
    %c0_i32_0 = arith.constant 0 : i32
    %c0_i32_1 = arith.constant 0 : i32
    return %c0_i32, %c0_i32_0 : i32, i32
  }
  func.func @transform_6(%arg0: i32) -> (i32, i32) {
    %c0_i32 = arith.constant 0 : i32
    %c0_i32_0 = arith.constant 0 : i32
    %c0_i32_1 = arith.constant 0 : i32
    return %c0_i32, %c0_i32_0 : i32, i32
  }
  func.func @transform_7(%arg0: i32) -> (i32, i32) {
    %c0_i32 = arith.constant 0 : i32
    %c0_i32_0 = arith.constant 0 : i32
    %c0_i32_1 = arith.constant 0 : i32
    return %c0_i32, %c0_i32_0 : i32, i32
  }
  func.func @transform_8(%arg0: i32) -> (i32, i32) {
    %c0_i32 = arith.constant 0 : i32
    %c0_i32_0 = arith.constant 0 : i32
    %c0_i32_1 = arith.constant 0 : i32
    return %c0_i32, %c0_i32_0 : i32, i32
  }
  func.func @transform_9(%arg0: i32) -> (i32, i32) {
    %c0_i32 = arith.constant 0 : i32
    %c0_i32_0 = arith.constant 0 : i32
    %c0_i32_1 = arith.constant 0 : i32
    return %c0_i32, %c0_i32_0 : i32, i32
  }
  func.func @transform_10(%arg0: i32) -> (i32, i32) {
    %c0_i32 = arith.constant 0 : i32
    %c0_i32_0 = arith.constant 0 : i32
    %c0_i32_1 = arith.constant 0 : i32
    return %c0_i32, %c0_i32_0 : i32, i32
  }
  func.func @transform_11(%arg0: i32) -> (i32, i32) {
    %c0_i32 = arith.constant 0 : i32
    %c0_i32_0 = arith.constant 0 : i32
    %c0_i32_1 = arith.constant 0 : i32
    return %c0_i32, %c0_i32_0 : i32, i32
  }
  func.func @transform_12(%arg0: i32) -> (i32, i32) {
    %c0_i32 = arith.constant 0 : i32
    %c0_i32_0 = arith.constant 0 : i32
    return %arg0, %c0_i32 : i32, i32
  }
}

module attributes {stable_mosaic.version = 14 : i64} {
  func.func @_combine2_body(%arg0: i32, %arg1: memref<2000x128xf32, #tpu.memory_space<vmem>>, %arg2: memref<2000x128xf32, #tpu.memory_space<vmem>>, %arg3: memref<2000x32xf32, #tpu.memory_space<vmem>>, %arg4: memref<2000x128xf32, #tpu.memory_space<vmem>>, %arg5: memref<128x128xf32, #tpu.memory_space<vmem>>, %arg6: memref<1x128xf32, #tpu.memory_space<vmem>>, %arg7: memref<128x128xf32, #tpu.memory_space<vmem>>, %arg8: memref<128x128xf32, #tpu.memory_space<vmem>>, %arg9: memref<1x128xf32, #tpu.memory_space<vmem>>, %arg10: memref<128x128xf32, #tpu.memory_space<vmem>>, %arg11: memref<128x128xf32, #tpu.memory_space<vmem>>, %arg12: memref<1x128xf32, #tpu.memory_space<vmem>>, %arg13: memref<64x128xf32, #tpu.memory_space<vmem>>, %arg14: memref<1x64xf32, #tpu.memory_space<vmem>>, %arg15: memref<2000x64xf32, #tpu.memory_space<vmem>>) attributes {dimension_semantics = [#tpu.dimension_semantics<arbitrary>], iteration_bounds = array<i64: 5>, scalar_prefetch = 0 : i64, scratch_operands = 0 : i64, tpu.core_type = #tpu.core_type<tc>, window_params = [{transform_indices = @transform_0, window_bounds = array<i64: 2000, 128>}, {transform_indices = @transform_1, window_bounds = array<i64: 2000, 128>}, {transform_indices = @transform_2, window_bounds = array<i64: 2000, 32>}, {transform_indices = @transform_3, window_bounds = array<i64: 2000, 128>}, {pipeline_mode = #tpu.pipeline_mode<synchronous>, transform_indices = @transform_4, window_bounds = array<i64: 128, 128>}, {pipeline_mode = #tpu.pipeline_mode<synchronous>, transform_indices = @transform_5, window_bounds = array<i64: 1, 128>}, {pipeline_mode = #tpu.pipeline_mode<synchronous>, transform_indices = @transform_6, window_bounds = array<i64: 128, 128>}, {pipeline_mode = #tpu.pipeline_mode<synchronous>, transform_indices = @transform_7, window_bounds = array<i64: 128, 128>}, {pipeline_mode = #tpu.pipeline_mode<synchronous>, transform_indices = @transform_8, window_bounds = array<i64: 1, 128>}, {pipeline_mode = #tpu.pipeline_mode<synchronous>, transform_indices = @transform_9, window_bounds = array<i64: 128, 128>}, {pipeline_mode = #tpu.pipeline_mode<synchronous>, transform_indices = @transform_10, window_bounds = array<i64: 128, 128>}, {pipeline_mode = #tpu.pipeline_mode<synchronous>, transform_indices = @transform_11, window_bounds = array<i64: 1, 128>}, {pipeline_mode = #tpu.pipeline_mode<synchronous>, transform_indices = @transform_12, window_bounds = array<i64: 64, 128>}, {pipeline_mode = #tpu.pipeline_mode<synchronous>, transform_indices = @transform_13, window_bounds = array<i64: 1, 64>}, {transform_indices = @transform_14, window_bounds = array<i64: 2000, 64>}]} {
    %get3A = arith.constant 0 : index
    %get3A_0 = arith.constant 0 : index
    %get3A_1 = vector.load %arg4[%get3A, %get3A_0] : memref<2000x128xf32, #tpu.memory_space<vmem>>, vector<2000x128xf32>
    %get3A_2 = arith.constant 0 : index
    %get3A_3 = arith.constant 0 : index
    %get3A_4 = vector.load %arg3[%get3A_2, %get3A_3] : memref<2000x32xf32, #tpu.memory_space<vmem>>, vector<2000x32xf32>
    %slice3A = vector.extract_strided_slice %get3A_4 {offsets = [0, 0], sizes = [2000, 16], strides = [1, 1]} : vector<2000x32xf32> to vector<2000x16xf32>
    %reduce_sum3A = arith.constant dense<0.000000e+00> : vector<2000xf32>
    %reduce_sum3A_5 = vector.multi_reduction <add>, %slice3A, %reduce_sum3A [1] : vector<2000x16xf32> to vector<2000xf32>
    %broadcast_in_dim3A = vector.shape_cast %reduce_sum3A_5 : vector<2000xf32> to vector<2000x1xf32>
    %slice3A_6 = vector.extract_strided_slice %get3A_4 {offsets = [0, 16], sizes = [2000, 16], strides = [1, 1]} : vector<2000x32xf32> to vector<2000x16xf32>
    %reduce_sum3A_7 = arith.constant dense<0.000000e+00> : vector<2000xf32>
    %reduce_sum3A_8 = vector.multi_reduction <add>, %slice3A_6, %reduce_sum3A_7 [1] : vector<2000x16xf32> to vector<2000xf32>
    %broadcast_in_dim3A_9 = vector.shape_cast %reduce_sum3A_8 : vector<2000xf32> to vector<2000x1xf32>
    %max3A = arith.constant 1.000000e+00 : f32
    %max3A_10 = vector.broadcast %max3A : f32 to vector<2000x1xf32>
    %max3A_11 = arith.maximumf %broadcast_in_dim3A, %max3A_10 : vector<2000x1xf32>
    %div3A = arith.constant 1.000000e+00 : f32
    %div3A_12 = vector.broadcast %div3A : f32 to vector<2000x1xf32>
    %div3A_13 = arith.divf %div3A_12, %max3A_11 : vector<2000x1xf32>
    %max3A_14 = arith.constant 1.000000e+00 : f32
    %max3A_15 = vector.broadcast %max3A_14 : f32 to vector<2000x1xf32>
    %max3A_16 = arith.maximumf %broadcast_in_dim3A_9, %max3A_15 : vector<2000x1xf32>
    %div3A_17 = arith.constant 1.000000e+00 : f32
    %div3A_18 = vector.broadcast %div3A_17 : f32 to vector<2000x1xf32>
    %div3A_19 = arith.divf %div3A_18, %max3A_16 : vector<2000x1xf32>
    %get3A_20 = arith.constant 0 : index
    %get3A_21 = arith.constant 0 : index
    %get3A_22 = vector.load %arg1[%get3A_20, %get3A_21] : memref<2000x128xf32, #tpu.memory_space<vmem>>, vector<2000x128xf32>
    %mul3A = vector.broadcast %div3A_13 : vector<2000x1xf32> to vector<2000x128xf32>
    %mul3A_23 = arith.mulf %get3A_22, %mul3A : vector<2000x128xf32>
    %get3A_24 = arith.constant 0 : index
    %get3A_25 = arith.constant 0 : index
    %get3A_26 = vector.load %arg5[%get3A_24, %get3A_25] : memref<128x128xf32, #tpu.memory_space<vmem>>, vector<128x128xf32>
    %dot_general3A = arith.constant dense<0.000000e+00> : vector<2000x128xf32>
    %dot_general3A_27 = tpu.matmul %mul3A_23, %get3A_26, %dot_general3A {dimension_numbers = #tpu.dot_dimension_numbers<[1], [1], [0], [0], [0, 0, 1, 0], [], []>, transpose_lhs_hint = false} : vector<2000x128xf32>, vector<128x128xf32>, vector<2000x128xf32> -> vector<2000x128xf32>
    %get3A_28 = arith.constant 0 : index
    %get3A_29 = arith.constant 0 : index
    %get3A_30 = vector.load %arg6[%get3A_28, %get3A_29] : memref<1x128xf32, #tpu.memory_space<vmem>>, vector<1x128xf32>
    %add3A = vector.broadcast %get3A_30 : vector<1x128xf32> to vector<2000x128xf32>
    %add3A_31 = arith.addf %dot_general3A_27, %add3A : vector<2000x128xf32>
    %get3A_32 = arith.constant 0 : index
    %get3A_33 = arith.constant 0 : index
    %get3A_34 = vector.load %arg7[%get3A_32, %get3A_33] : memref<128x128xf32, #tpu.memory_space<vmem>>, vector<128x128xf32>
    %dot_general3A_35 = arith.constant dense<0.000000e+00> : vector<2000x128xf32>
    %dot_general3A_36 = tpu.matmul %get3A_1, %get3A_34, %dot_general3A_35 {dimension_numbers = #tpu.dot_dimension_numbers<[1], [1], [0], [0], [0, 0, 1, 0], [], []>, transpose_lhs_hint = false} : vector<2000x128xf32>, vector<128x128xf32>, vector<2000x128xf32> -> vector<2000x128xf32>
    %add3A_37 = arith.addf %add3A_31, %dot_general3A_36 : vector<2000x128xf32>
    %get3A_38 = arith.constant 0 : index
    %get3A_39 = arith.constant 0 : index
    %get3A_40 = vector.load %arg2[%get3A_38, %get3A_39] : memref<2000x128xf32, #tpu.memory_space<vmem>>, vector<2000x128xf32>
    %mul3A_41 = vector.broadcast %div3A_19 : vector<2000x1xf32> to vector<2000x128xf32>
    %mul3A_42 = arith.mulf %get3A_40, %mul3A_41 : vector<2000x128xf32>
    %get3A_43 = arith.constant 0 : index
    %get3A_44 = arith.constant 0 : index
    %get3A_45 = vector.load %arg8[%get3A_43, %get3A_44] : memref<128x128xf32, #tpu.memory_space<vmem>>, vector<128x128xf32>
    %dot_general3A_46 = arith.constant dense<0.000000e+00> : vector<2000x128xf32>
    %dot_general3A_47 = tpu.matmul %mul3A_42, %get3A_45, %dot_general3A_46 {dimension_numbers = #tpu.dot_dimension_numbers<[1], [1], [0], [0], [0, 0, 1, 0], [], []>, transpose_lhs_hint = false} : vector<2000x128xf32>, vector<128x128xf32>, vector<2000x128xf32> -> vector<2000x128xf32>
    %get3A_48 = arith.constant 0 : index
    %get3A_49 = arith.constant 0 : index
    %get3A_50 = vector.load %arg9[%get3A_48, %get3A_49] : memref<1x128xf32, #tpu.memory_space<vmem>>, vector<1x128xf32>
    %add3A_51 = vector.broadcast %get3A_50 : vector<1x128xf32> to vector<2000x128xf32>
    %add3A_52 = arith.addf %dot_general3A_47, %add3A_51 : vector<2000x128xf32>
    %get3A_53 = arith.constant 0 : index
    %get3A_54 = arith.constant 0 : index
    %get3A_55 = vector.load %arg10[%get3A_53, %get3A_54] : memref<128x128xf32, #tpu.memory_space<vmem>>, vector<128x128xf32>
    %dot_general3A_56 = arith.constant dense<0.000000e+00> : vector<2000x128xf32>
    %dot_general3A_57 = tpu.matmul %get3A_1, %get3A_55, %dot_general3A_56 {dimension_numbers = #tpu.dot_dimension_numbers<[1], [1], [0], [0], [0, 0, 1, 0], [], []>, transpose_lhs_hint = false} : vector<2000x128xf32>, vector<128x128xf32>, vector<2000x128xf32> -> vector<2000x128xf32>
    %add3A_58 = arith.addf %add3A_52, %dot_general3A_57 : vector<2000x128xf32>
    %add3A_59 = arith.addf %add3A_37, %add3A_58 : vector<2000x128xf32>
    %mul3A_60 = arith.constant 5.000000e-01 : f32
    %mul3A_61 = vector.broadcast %mul3A_60 : f32 to vector<2000x128xf32>
    %mul3A_62 = arith.mulf %add3A_59, %mul3A_61 : vector<2000x128xf32>
    %get3A_63 = arith.constant 0 : index
    %get3A_64 = arith.constant 0 : index
    %get3A_65 = vector.load %arg11[%get3A_63, %get3A_64] : memref<128x128xf32, #tpu.memory_space<vmem>>, vector<128x128xf32>
    %dot_general3A_66 = arith.constant dense<0.000000e+00> : vector<2000x128xf32>
    %dot_general3A_67 = tpu.matmul %mul3A_62, %get3A_65, %dot_general3A_66 {dimension_numbers = #tpu.dot_dimension_numbers<[1], [1], [0], [0], [0, 0, 1, 0], [], []>, transpose_lhs_hint = false} : vector<2000x128xf32>, vector<128x128xf32>, vector<2000x128xf32> -> vector<2000x128xf32>
    %get3A_68 = arith.constant 0 : index
    %get3A_69 = arith.constant 0 : index
    %get3A_70 = vector.load %arg12[%get3A_68, %get3A_69] : memref<1x128xf32, #tpu.memory_space<vmem>>, vector<1x128xf32>
    %add3A_71 = vector.broadcast %get3A_70 : vector<1x128xf32> to vector<2000x128xf32>
    %add3A_72 = arith.addf %dot_general3A_67, %add3A_71 : vector<2000x128xf32>
    %max3A_73 = arith.constant 0.000000e+00 : f32
    %max3A_74 = vector.broadcast %max3A_73 : f32 to vector<2000x128xf32>
    %max3A_75 = arith.maximumf %add3A_72, %max3A_74 : vector<2000x128xf32>
    %sqrt3A = arith.constant 1.000010e+00 : f32
    %sqrt3A_76 = math.sqrt %sqrt3A : f32
    %div3A_77 = arith.constant 1.000000e+00 : f32
    %div3A_78 = arith.divf %div3A_77, %sqrt3A_76 : f32
    %mul3A_79 = vector.broadcast %div3A_78 : f32 to vector<2000x128xf32>
    %mul3A_80 = arith.mulf %max3A_75, %mul3A_79 : vector<2000x128xf32>
    %get3A_81 = arith.constant 0 : index
    %get3A_82 = arith.constant 0 : index
    %get3A_83 = vector.load %arg13[%get3A_81, %get3A_82] : memref<64x128xf32, #tpu.memory_space<vmem>>, vector<64x128xf32>
    %dot_general3A_84 = arith.constant dense<0.000000e+00> : vector<2000x64xf32>
    %dot_general3A_85 = tpu.matmul %mul3A_80, %get3A_83, %dot_general3A_84 {dimension_numbers = #tpu.dot_dimension_numbers<[1], [1], [0], [0], [0, 0, 1, 0], [], []>, transpose_lhs_hint = false} : vector<2000x128xf32>, vector<64x128xf32>, vector<2000x64xf32> -> vector<2000x64xf32>
    %get3A_86 = arith.constant 0 : index
    %get3A_87 = arith.constant 0 : index
    %get3A_88 = vector.load %arg14[%get3A_86, %get3A_87] : memref<1x64xf32, #tpu.memory_space<vmem>>, vector<1x64xf32>
    %add3A_89 = vector.broadcast %get3A_88 : vector<1x64xf32> to vector<2000x64xf32>
    %add3A_90 = arith.addf %dot_general3A_85, %add3A_89 : vector<2000x64xf32>
    %swap3A = arith.constant 0 : index
    %swap3A_91 = arith.constant 0 : index
    %swap3A_92 = vector.load %arg15[%swap3A, %swap3A_91] : memref<2000x64xf32, #tpu.memory_space<vmem>>, vector<2000x64xf32>
    tpu.vector_store %arg15[%swap3A, %swap3A_91], %add3A_90 {strides = array<i32>} : memref<2000x64xf32, #tpu.memory_space<vmem>>, vector<2000x64xf32>,
    return
  }
  func.func @transform_0(%arg0: i32) -> (i32, i32) {
    %c0_i32 = arith.constant 0 : i32
    %c0_i32_0 = arith.constant 0 : i32
    return %arg0, %c0_i32 : i32, i32
  }
  func.func @transform_1(%arg0: i32) -> (i32, i32) {
    %c0_i32 = arith.constant 0 : i32
    %c0_i32_0 = arith.constant 0 : i32
    return %arg0, %c0_i32 : i32, i32
  }
  func.func @transform_2(%arg0: i32) -> (i32, i32) {
    %c0_i32 = arith.constant 0 : i32
    %c0_i32_0 = arith.constant 0 : i32
    return %arg0, %c0_i32 : i32, i32
  }
  func.func @transform_3(%arg0: i32) -> (i32, i32) {
    %c0_i32 = arith.constant 0 : i32
    %c0_i32_0 = arith.constant 0 : i32
    return %arg0, %c0_i32 : i32, i32
  }
  func.func @transform_4(%arg0: i32) -> (i32, i32) {
    %c0_i32 = arith.constant 0 : i32
    %c0_i32_0 = arith.constant 0 : i32
    %c0_i32_1 = arith.constant 0 : i32
    return %c0_i32, %c0_i32_0 : i32, i32
  }
  func.func @transform_5(%arg0: i32) -> (i32, i32) {
    %c0_i32 = arith.constant 0 : i32
    %c0_i32_0 = arith.constant 0 : i32
    %c0_i32_1 = arith.constant 0 : i32
    return %c0_i32, %c0_i32_0 : i32, i32
  }
  func.func @transform_6(%arg0: i32) -> (i32, i32) {
    %c0_i32 = arith.constant 0 : i32
    %c0_i32_0 = arith.constant 0 : i32
    %c0_i32_1 = arith.constant 0 : i32
    return %c0_i32, %c0_i32_0 : i32, i32
  }
  func.func @transform_7(%arg0: i32) -> (i32, i32) {
    %c0_i32 = arith.constant 0 : i32
    %c0_i32_0 = arith.constant 0 : i32
    %c0_i32_1 = arith.constant 0 : i32
    return %c0_i32, %c0_i32_0 : i32, i32
  }
  func.func @transform_8(%arg0: i32) -> (i32, i32) {
    %c0_i32 = arith.constant 0 : i32
    %c0_i32_0 = arith.constant 0 : i32
    %c0_i32_1 = arith.constant 0 : i32
    return %c0_i32, %c0_i32_0 : i32, i32
  }
  func.func @transform_9(%arg0: i32) -> (i32, i32) {
    %c0_i32 = arith.constant 0 : i32
    %c0_i32_0 = arith.constant 0 : i32
    %c0_i32_1 = arith.constant 0 : i32
    return %c0_i32, %c0_i32_0 : i32, i32
  }
  func.func @transform_10(%arg0: i32) -> (i32, i32) {
    %c0_i32 = arith.constant 0 : i32
    %c0_i32_0 = arith.constant 0 : i32
    %c0_i32_1 = arith.constant 0 : i32
    return %c0_i32, %c0_i32_0 : i32, i32
  }
  func.func @transform_11(%arg0: i32) -> (i32, i32) {
    %c0_i32 = arith.constant 0 : i32
    %c0_i32_0 = arith.constant 0 : i32
    %c0_i32_1 = arith.constant 0 : i32
    return %c0_i32, %c0_i32_0 : i32, i32
  }
  func.func @transform_12(%arg0: i32) -> (i32, i32) {
    %c0_i32 = arith.constant 0 : i32
    %c0_i32_0 = arith.constant 0 : i32
    %c0_i32_1 = arith.constant 0 : i32
    return %c0_i32, %c0_i32_0 : i32, i32
  }
  func.func @transform_13(%arg0: i32) -> (i32, i32) {
    %c0_i32 = arith.constant 0 : i32
    %c0_i32_0 = arith.constant 0 : i32
    %c0_i32_1 = arith.constant 0 : i32
    return %c0_i32, %c0_i32_0 : i32, i32
  }
  func.func @transform_14(%arg0: i32) -> (i32, i32) {
    %c0_i32 = arith.constant 0 : i32
    %c0_i32_0 = arith.constant 0 : i32
    return %arg0, %c0_i32 : i32, i32
  }
}

</mosaic_0001>

<sc_bundles>
// kernel: kernel.10.cloned.1.call-start
scs
__scs_entry_jumppad:
0x0: {  	(pc) =	sbr.rel $0x88, $3  }
0x1: {  	(tag) =	ssettag $0x0;
	lr =	simm.s32 $0x1  }
0x2: {  	[smem:$0x3F88] =	sst lr;
	_ =	strace $0xD0000000  }
0x3: {  	_ = 	snop  }
0x4: {  	_ = 	snop  }
0x5: {  	_ = 	snop  }
0x6: {  	_ = 	snop  }
0x7: {  	_ = 	snop  }
__scs_overlays_trampoline_lowered:
0x8: {  	[smem:$0x3F97] =	sst s0  }
0x9: {  	[smem:$0x3F98] =	sst s1  }
0xa: {  	[smem:$0x3F99] =	sst s2  }
0xb: {  	[smem:$0x3F9A] =	sst s3  }
0xc: {  	[smem:$0x3F9B] =	sst s4  }
0xd: {  	[smem:$0x3F9C] =	sst s5  }
0xe: {  	[smem:$0x3F9D] =	sst s6  }
0xf: {  	[smem:$0x3F9E] =	sst s7  }
0x10: {  	[smem:$0x3F9F] =	sst s8  }
0x11: {  	[smem:$0x3FA0] =	sst s9;
	s0 =	simm.s32 @!p0 $0x0  }
0x12: {  	s1 =	sld [smem:$0x3F86];
	s0 =	simm.s32 @p0 $0x1  }
0x13: {  	[smem:$0x3FA1] =	sst s0;
	s0 =	simm.s32 @!p1 $0x0  }
0x14: {  	s2 =	sld [smem:$0x3F85];
	s0 =	simm.s32 @p1 $0x1  }
0x15: {  	[smem:$0x3FA2] =	sst s0;
	s0 =	simm.s32 @!p2 $0x0  }
0x16: {  	s3 =	sld [smem:$0x3FDB];
	s0 =	simm.s32 @p2 $0x1  }
0x17: {  	s4 =	simm.s32 $0x1BF5;
	[smem:$0x3FA4] =	sst s0  }
0x18: {  	s0 =	sld [smem:$0x3F87];
	_ =	swait.ge [sflag:s4], $0x0  }
0x19: {  	s7 =	sld [smem:$0x3F88]  }
0x1a: {  	s8 =	sadd.s32 $0xFFFFE003, lr  }
0x1b: {  	s9 =	sadd.s32 $0xFFFFFEF7, lr;
	s5 =	simm.s32 $0xFFFFFFFF;
	p2 =	slt.u32 s8, $0xFFFFF086  }
0x1c: {  	p1 =	slt.u32 s9, $0xF7A;
	s5 =	simm.s32 @!p2 $0x0  }
0x1d: {  	s5 =	simm.s32 @p1 $0x1;
	p0 =	seq.s32 s7, s2  }
0x1e: {  	s7 =	smul.u32 @!p0 $0xF7A, s2;
	p2 =	seq.s32 @!p0 s5, $0x0  }
0x1f: {  	s9 =	smul.u32 $0xF7A, s1;
	s8 =	simm.s32 @!p0 $0x1BF5;
	p2 =	por !p2, p0  }
0x20: {  	[sflag:s8] =	ssyncset.s32 @!p0 $0xFFFFF086;
	s6 =	sadd.s32 @!p0 s3, s7;
	s7 =	simm.s32 @!p0 $0x108  }
0x21: {  	s3 =	sadd.s32 s3, s9;
	s6 =	sadd.s32 @!p0 $0x88, s6;
	s7 =	simm.s32 @p2 $0x1082  }
0x22: {  	[simem:s7], [sflag:s8] =	dma.local @!p0 [hbm:s6], $0xF7A  }
0x23: {  	s9 =	sor.u32 $0xD0000000, s2;
	s6 =	simm.s32 $0x108;
	_ =	swait.ge @!p0 [sflag:s8], $0x0  }
0x24: {  	s3 =	sadd.s32 $0x88, s3;
	s6 =	simm.s32 @!p1 $0x1082;
	[sflag:s4] =	ssyncset.s32 $0xFFFFF086  }
0x25: {  	[simem:s6], [sflag:s4] =	dma.local [hbm:s3], $0xF7A  }
0x26: {  	[smem:$0x3F88] =	sst s1;
	(tag) =	ssettag s2;
	_ =	strace s9  }
0x27: {  	s1 =	sld [smem:$0x3F98]  }
0x28: {  	s2 =	sld [smem:$0x3F99]  }
0x29: {  	s4 =	sld [smem:$0x3F9B]  }
0x2a: {  	p0 =	seq.s32 s5, $0x0;
	s5 =	sld [smem:$0x3F9C]  }
0x2b: {  	s6 =	sld [smem:$0x3F9D]  }
0x2c: {  	s7 =	sld [smem:$0x3F9E]  }
0x2d: {  	s3 =	simm.s32 $0x108;
	s8 =	sld [smem:$0x3F9F]  }
0x2e: {  	s3 =	simm.s32 @!p0 $0x1082;
	s9 =	sld [smem:$0x3FA0]  }
0x2f: {  	lr =	sadd.s32 s0, s3;
	s0 =	sld [smem:$0x3F97]  }
0x30: {  	s3 =	sld [smem:$0x3F9A]  }
0x31: {  	[smem:$0x3FA3] =	sst s10  }
0x32: {  	s10 =	sld [smem:$0x3FA1];
	_ =	sdelay $0x3  }
0x33: {  	p0 =	seq.s32 s10, $0x1;
	s10 =	sld [smem:$0x3FA3];
	_ =	sdelay $0x3  }
0x34: {  	[smem:$0x3FA3] =	sst s10  }
0x35: {  	s10 =	sld [smem:$0x3FA2];
	_ =	sdelay $0x3  }
0x36: {  	p1 =	seq.s32 s10, $0x1;
	s10 =	sld [smem:$0x3FA3];
	_ =	sdelay $0x3  }
0x37: {  	[smem:$0x3FA3] =	sst s10  }
0x38: {  	s10 =	sld [smem:$0x3FA4]  }
0x39: {  	_ = 	snop;
	(pc) =	sbr.ind lr, $3  }
0x3a: {  	_ = 	snop  }
0x3b: {  	_ = 	snop  }
0x3c: {  	p2 =	seq.s32 s10, $0x1;
	s10 =	sld [smem:$0x3FA3]  }
0x3d: {  	_ =	shalt  }
0x3e: {  	_ =	shalt  }
0x3f: {  	_ =	shalt  }
0x40: {  	_ =	shalt  }
0x41: {  	_ =	shalt  }
0x42: {  	_ =	shalt  }
0x43: {  	_ =	shalt  }
0x44: {  	_ =	shalt  }
0x45: {  	_ =	shalt  }
0x46: {  	_ =	shalt  }
0x47: {  	_ =	shalt  }
0x48: {  	_ =	shalt  }
0x49: {  	_ =	shalt  }
0x4a: {  	_ =	shalt  }
0x4b: {  	_ =	shalt  }
0x4c: {  	_ =	shalt  }
0x4d: {  	_ =	shalt  }
0x4e: {  	_ =	shalt  }
0x4f: {  	_ =	shalt  }
0x50: {  	_ =	shalt  }
0x51: {  	_ =	shalt  }
0x52: {  	_ =	shalt  }
0x53: {  	_ =	shalt  }
0x54: {  	_ =	shalt  }
0x55: {  	_ =	shalt  }
0x56: {  	_ =	shalt  }
0x57: {  	_ =	shalt  }
0x58: {  	_ =	shalt  }
0x59: {  	_ =	shalt  }
0x5a: {  	_ =	shalt  }
0x5b: {  	_ =	shalt  }
0x5c: {  	_ =	shalt  }
0x5d: {  	_ =	shalt  }
0x5e: {  	_ =	shalt  }
0x5f: {  	_ =	shalt  }
0x60: {  	_ =	shalt  }
0x61: {  	_ =	shalt  }
0x62: {  	_ =	shalt  }
0x63: {  	_ =	shalt  }
0x64: {  	_ =	shalt  }
0x65: {  	_ =	shalt  }
0x66: {  	_ =	shalt  }
0x67: {  	_ =	shalt  }
0x68: {  	_ =	shalt  }
0x69: {  	_ =	shalt  }
0x6a: {  	_ =	shalt  }
0x6b: {  	_ =	shalt  }
0x6c: {  	_ =	shalt  }
0x6d: {  	_ =	shalt  }
0x6e: {  	_ =	shalt  }
0x6f: {  	_ =	shalt  }
0x70: {  	_ =	shalt  }
0x71: {  	_ =	shalt  }
0x72: {  	_ =	shalt  }
0x73: {  	_ =	shalt  }
0x74: {  	_ =	shalt  }
0x75: {  	_ =	shalt  }
0x76: {  	_ =	shalt  }
0x77: {  	_ =	shalt  }
0x78: {  	_ =	shalt  }
0x79: {  	_ =	shalt  }
0x7a: {  	_ =	shalt  }
0x7b: {  	_ =	shalt  }
0x7c: {  	_ =	shalt  }
0x7d: {  	_ =	shalt  }
0x7e: {  	_ =	shalt  }
0x7f: {  	_ =	shalt  }
0x80: {  	_ =	shalt  }
0x81: {  	_ =	shalt  }
0x82: {  	_ =	shalt  }
0x83: {  	_ =	shalt  }
0x84: {  	_ =	shalt  }
0x85: {  	_ =	shalt  }
0x86: {  	_ =	shalt  }
0x87: {  	_ =	shalt  }
.Lfunc_end0:
.L_simem_size_0:
called_computation.1_lowered:
.L_overlay_start_0:
0x88: {  	s2 =	sld [smem:$0x3FD9]  }
0x89: {  	s3 =	sld [smem:$0x3FFE];
	_ =	sdelay $0x1  }
0x8a: {  	s1 =	srdreg.scid  }
0x8b: {  	s0 =	sand.u32 $0x1, s1  }
0x8c: {  	s17 =	sshll.u32 s0, $0xA;
	s2 =	sadd.s32 s3, s2  }
0x8d: {  	s2 =	sadd.s32 s2, s17  }
0x8e: {  	[smem:$0x3FAF] =	sst s2  }
0x8f: {  	_ = 	snop  }
0x90: {  	s2 =	sld [smem:$0x3FD0];
	(tm) =	ssettm $0x1  }
0x91: {  	s18 =	sld [smem:$0x3FFB];
	_ =	sdelay $0x3  }
0x92: {  	_ =	strace s18  }
0x93: {  	s3 =	sld [smem:$0x3FFC];
	_ =	sdelay $0x3  }
0x94: {  	_ =	strace s3  }
0x95: {  	s3 =	sld [smem:$0x3FFD];
	_ =	sdelay $0x3  }
0x96: {  	_ =	strace s3  }
0x97: {  	_ =	strace $0x8FFFFFFF  }
0x98: {  	s19 =	sld [smem:$0x3FDB];
	_ =	sdelay $0x1  }
0x99: {  	s4 =	simm.s32 $_scs_section_size  }
0x9a: {  	s5 =	simm.s32 $_size__tile_overlayer_lowered;
	s6 =	simm.s32 $_tile_overlayer_lowered  }
0x9b: {  	s22 =	simm.s32 $0x1BFF;
	s21 =	sshll.u32 s6, $0x1;
	s3 =	sadd.s32 s4, s19  }
0x9c: {  	s7 =	simm.s32 $0x0;
	s20 =	sshll.u32 s5, $0x1;
	s5 =	sadd.s32 s21, s3  }
0x9d: {  	[timem:s7], [sflag:s22] =	dma.local [hbm:s5], s20  }
0x9e: {  	_ =	swait.ge [sflag:s22], s20  }
0x9f: {  	s4 =	ssub.s32 $0x0, s20;
	[sflag:s22] =	ssyncset.done $0x0  }
0xa0: {  	[sflag:s22] =	ssyncadd.s32 s4;
	_ =	sdelay $0x1  }
0xa1: {  	s23 =	simm.s32 $0x1B8B  }
0xa2: {  	_ =	swait.ge [sflag:s23], $0x1  }
0xa3: {  	[sflag:s23] =	ssyncset.done $0x0  }
0xa4: {  	s25 =	simm.s32 $0x1B8E;
	s24 =	sld [smem:$0x3FFE];
	[sflag:s23] =	ssyncadd.s32 $0xFFFFFFFF  }
0xa5: {  	s26 =	simm.s32 $execute0_lowered;
	[smem:$0x3FD2] =	sst s25  }
0xa6: {  	s5 =	sshll.u32 s26, $0x1;
	_ =	strace $0x80000049;
	[dreg:$0x1] =	wrdreg $0xFFFFFFFF  }
0xa7: {  	s28 =	simm.s32 $_size_execute0_lowered;
	s3 =	sadd.s32 s3, s5;
	[dreg:$0x0] =	wrdreg $0x0  }
0xa8: {  	s5 =	sshll.u32 s28, $0x1;
	[dreg:$0x2] =	wrdreg s3  }
0xa9: {  	[dreg:$0x3] =	wrdreg s5  }
0xaa: {  	[dreg:$0x4] =	wrdreg $0xC0  }
0xab: {  	_ =	task [dreg:s7], $0x5FFFF  }
0xac: {  	[dreg:$0x1] =	wrdreg $0xFFFFFFFF  }
0xad: {  	[dreg:$0x0] =	wrdreg $0x60  }
0xae: {  	[dreg:$0x2] =	wrdreg s24  }
0xaf: {  	[dreg:$0x3] =	wrdreg s2  }
0xb0: {  	[dreg:$0x4] =	wrdreg $0xC4000  }
0xb1: {  	[dreg:$0x5] =	wrdreg $0x9  }
0xb2: {  	_ =	task.clear_ibuf [dreg:s7], $0x6FFFF;
	_ =	strace $0x90000049  }
0xb3: {  	s29 =	simm.s32 $0x9;
	_ =	strace $0x8000004B  }
0xb4: {  	_ =	swait.ge [sflag:s29], $0x1  }
0xb5: {  	[sflag:s29] =	ssyncadd.s32 $0xFFFFFFFF  }
0xb6: {  	_ =	strace $0x9000004B  }
0xb7: {  	_ =	sfence  }
0xb8: {  	s30 =	sld [smem:$0x0];
	_ =	sdelay $0x2  }
0xb9: {  	s31 =	sshll.u32 s1, $0xD;
	s1 =	sshrl.u32 s1, $0x2  }
0xba: {  	s3 =	sand.u32 $0x4000, s31;
	s1 =	sadd.s32 s1, s30  }
0xbb: {  	s0 =	sor.u32 s3, s0;
	s1 =	sshll.u32 s1, $0x11  }
0xbc: {  	s0 =	sor.u32 s1, s0  }
0xbd: {  	s0 =	sadd.s32 $0x8F2B, s0  }
0xbe: {  	[sflag:s0] =	ssyncadd.remote.s32 $0x1  }
0xbf: {  	_ =	sfence.sel $0xFFFF  }
0xc0: {  	[dreg:$0x0] =	wrdreg $0xFFFFFFFF;
	(pc) =	sbr.abs _section_cstart, $3  }
0xc1: {  	[dreg:$0x1] =	wrdreg $0xFFFFFFFF  }
0xc2: {  	_ =	task.clear_ibuf [dreg:s7], $0x2FFFF;
	_ =	strace $0x9FFFFFFF  }
0xc3: {  	(tm) =	ssettm $0x7FFFFFFF  }
tec
execute0_lowered:
.L_overlay_start_1:
0x0: {  	(tag) =	ssettag $0x1  }
0x1: {  	s0 =	rddreg [dreg:$0x0]  }
0x2: {  	s2 =	rddreg [dreg:$0x1]  }
0x3: {  	s1 =	rddreg [dreg:$0x2];
	s3 =	simm.s32 $0x0  }
0x4: {  	s15 =	stileid.u32;
	s5 =	srdreg.scid;
	s30 =	simm.s32 $0xA  }
0x5: {  	s31 =	simm.s32 $0x180;
	[smem:$0x7FF] =	sst s3;
	s6 =	smul.u32 $0x2700, s15  }
0x6: {  	s4 =	sadd.s32 $0x18A00, s0;
	s5 =	sand.u32 $0x1, s5;
	s9 =	smul.u32 $0x4E000, s15  }
0x7: {  	s7 =	sadd.s32 $0x5000, s0;
	s12 =	smul.u32 $0x4E20, s15;
	s16 =	sadd.s32 $0x3FC00, s0  }
0x8: {  	s18 =	smul.u32 $0x9C4, s15;
	p1 =	sne.s32 s15, $0xF;
	p2 =	seq.s32 s15, $0xF  }
0x9: {  	_ =	strace $0x8000004A;
	s8 =	ssub.s32 $0x2, s5;
	p0 =	seq.s32 s5, $0x1  }
0xa: {  	[dreg:$0x4] =	wrdreg s16;
	s10 =	sadd.s32 s6, s0;
	s11 =	sshrl.u32 s8, $0x1  }
0xb: {  	s9 =	sshrl.u32 s9, $0x2;
	s20 =	sshrl.u32 s12, $0x3;
	s12 =	simm.s32 $0x280  }
0xc: {  	s8 =	ssub.s32 s8, s11;
	s9 =	sadd.s32 s9, s1;
	s21 =	sadd.s32 s2, s20  }
0xd: {  	s22 =	sadd.s32 $0x9C40, s20;
	s23 =	sadd.s32 $0x10, s20;
	[dreg:$0x5] =	wrdreg s9  }
0xe: {  	s26 =	sadd.s32 $0x9C50, s20;
	s5 =	sadd.s32 s7, s20;
	[dreg:$0x6] =	wrdreg s21  }
0xf: {  	s28 =	sadd.s32 $0x9C0, s20;
	s24 =	sadd.s32 s2, s22;
	[dreg:$0xc] =	wrdreg s5  }
0x10: {  	s14 =	sadd.s32 $0xA600, s20;
	s25 =	sadd.s32 s2, s23;
	[dreg:$0x7] =	wrdreg s24  }
0x11: {  	s11 =	simm.s32 $0x100;
	s13 =	sadd.s32 s2, s26;
	[dreg:$0x8] =	wrdreg s25  }
0x12: {  	s17 =	sadd.s32 s2, s28;
	s29 =	sadd.s32 s2, s14;
	[dreg:$0x9] =	wrdreg s13  }
0x13: {  	s9 =	sadd.s32 s7, s22;
	s19 =	sadd.s32 s7, s26;
	[dreg:$0xa] =	wrdreg s17  }
0x14: {  	s20 =	sadd.s32 s7, s28;
	s21 =	sadd.s32 s7, s14;
	[dreg:$0xb] =	wrdreg s29  }
0x15: {  	s22 =	sshll.u32 s15, $0x6;
	s28 =	smax.u32 s8, $0x1;
	[dreg:$0xd] =	wrdreg s9  }
0x16: {  	s14 =	simm.s32 $0x4;
	s15 =	simm.s32 $0x8300;
	[dreg:$0xf] =	wrdreg s19  }
0x17: {  	s5 =	simm.s32 $0x0;
	s17 =	sadd.s32 s7, s23;
	[dreg:$0x10] =	wrdreg s20  }
0x18: {  	[dreg:$0x11] =	wrdreg s21;
	s19 =	sadd.s32 s18, s2;
	s20 =	sadd.s32 s18, s7  }
0x19: {  	s23 =	sadd.s32 $0x66E00, s10;
	s22 =	sor.u32 $0x1C0A, s22;
	[dreg:$0x17] =	wrdreg s28  }
0x1a: {  	s24 =	sadd.s32 $0x8E000, s0;
	s0 =	sadd.s32 $0x8DE00, s0;
	[dreg:$0xe] =	wrdreg s17  }
0x1b: {  	s25 =	sadd.s32 s16, s6;
	s29 =	sadd.s32 $0x138000, s1;
	[dreg:$0x12] =	wrdreg s23  }
.Ltmp0:
0x1c: {  	s2 =	simm.s32 $0x80;
	[dreg:$0x14] =	wrdreg s0;
	(pc) =	sbr.rel .LBB2_1-.Ltmp0, $4  }
0x1d: {  	s7 =	simm.s32 $0x300;
	s9 =	simm.s32 $0x2;
	[dreg:$0x15] =	wrdreg s25  }
0x1e: {  	s10 =	simm.s32 $0x4300;
	s13 =	simm.s32 $0x3;
	[dreg:$0x13] =	wrdreg s24  }
0x1f: {  	s16 =	simm.s32 $0x7;
	s26 =	sadd.s32 s24, s6;
	[dreg:$0x18] =	wrdreg s29  }
0x20: {  	s0 =	simm.s32 $0x1;
	s17 =	simm.s32 $0x6;
	[dreg:$0x16] =	wrdreg s26  }
.LBB2_8:
0x21: {  	s8 =	rddreg [dreg:$0x18]  }
0x22: {  	s6 =	sadd.s32 $0x27000, s6;
	s8 =	sshrl.u32 s8, $0x3  }
0x23: {  	[hbm:s6], [sflag:s22] =	dma.local [spmem:s8], $0x100  }
0x24: {  	_ =	swait.ge [sflag:s30], $0x100  }
0x25: {  	[sflag:s30] =	ssyncset.done $0x0  }
0x26: {  	[sflag:s30] =	ssyncadd.s32 $0xFFFFFF00  }
.LBB2_9:
0x27: {  	s5 =	sadd.s32 $0x1, s5;
	s6 =	rddreg [dreg:$0x17]  }
0x28: {  	p3 =	sne.s32 s5, s6  }
.Ltmp1:
0x29: {  	_ = 	snop;
	(pc) =	sbr.rel @!p3 .LBB2_10-.Ltmp1, $1  }
0x2a: {  	_ =	sdelay $0x3  }
.LBB2_1:
0x2b: {  	s6 =	rddreg [dreg:$0x5]  }
0x2c: {  	s29 =	rddreg [dreg:$0x12];
	s23 =	sshrl.u32 s6, $0x3  }
0x2d: {  	[spmem:s23], [sflag:s22] =	dma.local [hbm:s29], $0x2700  }
0x2e: {  	_ =	swait.ge [sflag:s30], $0x2700  }
0x2f: {  	[sflag:s30] =	ssyncset.done $0x0;
	s6 =	rddreg [dreg:$0x18]  }
0x30: {  	s8 =	rddreg [dreg:$0x14];
	[sflag:s30] =	ssyncadd.s32 $0xFFFFD900;
	s6 =	sshrl.u32 @!p1 s6, $0x3  }
0x31: {  	[spmem:s6], [sflag:s22] =	dma.local @!p1 [hbm:s8], $0x100  }
0x32: {  	s6 =	simm.s32 @!p1 $0xA  }
.Ltmp2:
0x33: {  	_ =	swait.ge @!p1 [sflag:s6], $0x100;
	(pc) =	sbr.rel @!p0 .LBB2_2-.Ltmp2, $4  }
0x34: {  	[sflag:s6] =	ssyncset.done @!p1 $0x0  }
0x35: {  	[sflag:s6] =	ssyncadd.s32 @!p1 $0xFFFFFF00  }
0x36: {  	[bflag:$0x0] =	sbarrier.arrive $0xFFFF  }
0x37: {  	s6 =	simm.s32 $0x0  }
0x38: {  	s8 =	rddreg [dreg:$0xc]  }
0x39: {  	[tilespmem:s6], [sflag:$0x1] =	stream.linear.gather [hbm4b:s8+s6], $0x80, $0x38;
	[tilespmem:$0x1FC80] =	vst v63  }
0x3a: {  	s21 =	rddreg [dreg:$0xd]  }
0x3b: {  	[tilespmem:s31], [sflag:$0x1] =	stream.linear.gather [hbm4b:s21+s6], $0x80, $0x38;
	[tilespmem:$0x1FC80] =	vst v63  }
0x3c: {  	_ =	swait.ge [sflag:s0], $0x80  }
0x3d: {  	[sflag:s0] =	ssyncset.done $0x0  }
0x3e: {  	[sflag:s0] =	ssyncadd.s32 $0xFFFFFF80  }
0x3f: {  	_ =	swait.ge [sflag:s0], $0x80  }
0x40: {  	[sflag:s0] =	ssyncset.done $0x0  }
0x41: {  	[sflag:s0] =	ssyncadd.s32 $0xFFFFFF80  }
0x42: {  	[tilespmem:s7], [sflag:$0x4] =	stream.indirect.gather [hbm4b:s4+s2], $0x80, s6, s2, $0xb8;
	[tilespmem:$0x1FC80] =	vst v63  }
0x43: {  	s24 =	rddreg [dreg:$0xe]  }
0x44: {  	[tilespmem:s2], [sflag:$0x2] =	stream.linear.gather [hbm4b:s24+s6], $0x80, $0x38;
	[tilespmem:$0x1FC80] =	vst v63  }
0x45: {  	s18 =	simm.s32 $0x200;
	s25 =	rddreg [dreg:$0xf]  }
0x46: {  	[tilespmem:s18], [sflag:$0x2] =	stream.linear.gather [hbm4b:s25+s6], $0x80, $0x38;
	[tilespmem:$0x1FC80] =	vst v63  }
0x47: {  	_ =	swait.ge [sflag:s9], $0x80  }
0x48: {  	[sflag:s9] =	ssyncset.done $0x0  }
0x49: {  	[sflag:s9] =	ssyncadd.s32 $0xFFFFFF80  }
0x4a: {  	_ =	swait.ge [sflag:s9], $0x80  }
0x4b: {  	p3 =	por $0x1, $0x1;
	[sflag:s9] =	ssyncset.done $0x0  }
0x4c: {  	s6 =	simm.s32 @!p3 $0x9;
	[sflag:s9] =	ssyncadd.s32 $0xFFFFFF80  }
0x4d: {  	[tilespmem:s10], [sflag:$0x5] =	stream.indirect.gather [hbm4b:s4+s2], $0x80, s2, s2, $0xb8;
	[tilespmem:$0x1FC80] =	vst v63  }
0x4e: {  	_ =	swait.ge @!p3 [sflag:s6], $0x4000  }
0x4f: {  	s26 =	sadd.s32 $0x0, s20;
	[sflag:s6] =	ssyncset.done @!p3 $0x0  }
0x50: {  	s28 =	sadd.s32 $0x20, s26;
	[sflag:s6] =	ssyncadd.s32 @!p3 $0xFFFFC000  }
0x51: {  	[tilespmem:s11], [sflag:$0x3] =	stream.linear.gather [hbm4b:s28+s3], $0x80, $0x38;
	[tilespmem:$0x1FC80] =	vst v63  }
0x52: {  	s29 =	sadd.s32 $0x9C60, s26  }
0x53: {  	[tilespmem:s12], [sflag:$0x3] =	stream.linear.gather [hbm4b:s29+s3], $0x80, $0x38;
	[tilespmem:$0x1FC80] =	vst v63  }
0x54: {  	_ =	swait.ge [sflag:s13], $0x80  }
0x55: {  	[sflag:s13] =	ssyncset.done $0x0  }
0x56: {  	[sflag:s13] =	ssyncadd.s32 $0xFFFFFF80  }
0x57: {  	_ =	swait.ge [sflag:s13], $0x80  }
0x58: {  	[sflag:s13] =	ssyncset.done $0x0  }
0x59: {  	[sflag:s13] =	ssyncadd.s32 $0xFFFFFF80  }
0x5a: {  	_ =	swait.ge [sflag:s14], $0x4000  }
0x5b: {  	[sflag:s14] =	ssyncset.done $0x0  }
0x5c: {  	[sflag:s14] =	ssyncadd.s32 $0xFFFFC000  }
0x5d: {  	[spmem:s1] =	stream.indirect.scatter.add.f32 [tilespmem:s7], [sflag:$0x7], $0x80, s31, s2, $0xb8;
	[tilespmem:$0x1FC80] =	vst v63  }
0x5e: {  	_ = 	snop  }
0x5f: {  	[tilespmem:s15], [sflag:$0x6] =	stream.indirect.gather [hbm4b:s4+s2], $0x80, s11, s2, $0xb8;
	[tilespmem:$0x1FC80] =	vst v63  }
0x60: {  	_ =	swait.ge [sflag:s16], $0x4000  }
0x61: {  	p3 =	por $0x0, $0x0;
	[sflag:s16] =	ssyncset.done $0x0  }
0x62: {  	s6 =	simm.s32 @p3 $0x5;
	[sflag:s16] =	ssyncadd.s32 $0xFFFFC000  }
0x63: {  	_ =	swait.ge @p3 [sflag:s6], $0x4000  }
0x64: {  	s8 =	simm.s32 @p3 $0x4300;
	s18 =	simm.s32 @p3 $0x80;
	[sflag:s6] =	ssyncset.done @p3 $0x0  }
0x65: {  	s21 =	simm.s32 @p3 $0x200;
	[sflag:s6] =	ssyncadd.s32 @p3 $0xFFFFC000;
	s6 =	simm.s32 @p3 $0x8  }
0x66: {  	[spmem:s1] =	stream.indirect.scatter.add.f32 @p3 [tilespmem:s8], [sflag:$0x8], $0x80, s21, s18, $0xb8;
	[tilespmem:$0x1FC80] =	vst v63  }
0x67: {  	_ =	swait.ge @p3 [sflag:s6], $0x4000  }
0x68: {  	s8 =	sadd.s32 @!p3 $0x0, s20;
	[sflag:s6] =	ssyncset.done @p3 $0x0  }
0x69: {  	s21 =	simm.s32 @!p3 $0x0;
	s18 =	sadd.s32 @!p3 $0x30, s8;
	[sflag:s6] =	ssyncadd.s32 @p3 $0xFFFFC000  }
0x6a: {  	[tilespmem:s21], [sflag:$0x1] =	stream.linear.gather @!p3 [hbm4b:s18+s21], $0x80, $0x38;
	[tilespmem:$0x1FC80] =	vst v63  }
0x6b: {  	s24 =	simm.s32 @!p3 $0x1;
	s6 =	sadd.s32 @!p3 $0x9C70, s8;
	s18 =	simm.s32 @!p3 $0x180  }
0x6c: {  	[tilespmem:s18], [sflag:$0x1] =	stream.linear.gather @!p3 [hbm4b:s6+s21], $0x80, $0x38;
	[tilespmem:$0x1FC80] =	vst v63  }
0x6d: {  	_ =	swait.ge @!p3 [sflag:s24], $0x80  }
0x6e: {  	[sflag:s24] =	ssyncset.done @!p3 $0x0  }
0x6f: {  	[sflag:s24] =	ssyncadd.s32 @!p3 $0xFFFFFF80  }
0x70: {  	_ =	swait.ge @!p3 [sflag:s24], $0x80  }
0x71: {  	s6 =	simm.s32 @!p3 $0x80;
	[sflag:s24] =	ssyncset.done @!p3 $0x0  }
0x72: {  	s18 =	simm.s32 @!p3 $0x300;
	[sflag:s24] =	ssyncadd.s32 @!p3 $0xFFFFFF80;
	s24 =	simm.s32 @!p3 $0x5  }
0x73: {  	[tilespmem:s18], [sflag:$0x4] =	stream.indirect.gather @!p3 [hbm4b:s4+s6], $0x80, s21, s6, $0xb8;
	[tilespmem:$0x1FC80] =	vst v63  }
0x74: {  	_ =	swait.ge @!p3 [sflag:s24], $0x4000  }
0x75: {  	[sflag:s24] =	ssyncset.done @!p3 $0x0  }
0x76: {  	s18 =	simm.s32 @!p3 $0x200;
	[sflag:s24] =	ssyncadd.s32 @!p3 $0xFFFFC000;
	s24 =	simm.s32 @!p3 $0x4300  }
0x77: {  	[spmem:s1] =	stream.indirect.scatter.add.f32 @!p3 [tilespmem:s24], [sflag:$0x8], $0x80, s18, s6, $0xb8;
	[tilespmem:$0x1FC80] =	vst v63  }
0x78: {  	s24 =	simm.s32 @!p3 $0x8  }
0x79: {  	_ =	swait.ge @!p3 [sflag:s24], $0x4000  }
0x7a: {  	[sflag:s24] =	ssyncset.done @!p3 $0x0  }
0x7b: {  	[sflag:s24] =	ssyncadd.s32 @!p3 $0xFFFFC000;
	s24 =	sadd.s32 @!p3 $0x40, s8  }
0x7c: {  	[tilespmem:s6], [sflag:$0x2] =	stream.linear.gather @!p3 [hbm4b:s24+s21], $0x80, $0x38;
	[tilespmem:$0x1FC80] =	vst v63  }
0x7d: {  	s6 =	sadd.s32 @!p3 $0x9C80, s8  }
0x7e: {  	[tilespmem:s18], [sflag:$0x2] =	stream.linear.gather @!p3 [hbm4b:s6+s21], $0x80, $0x38;
	[tilespmem:$0x1FC80] =	vst v63  }
0x7f: {  	s6 =	simm.s32 @!p3 $0x2  }
0x80: {  	_ =	swait.ge @!p3 [sflag:s6], $0x80  }
0x81: {  	[sflag:s6] =	ssyncset.done @!p3 $0x0  }
0x82: {  	[sflag:s6] =	ssyncadd.s32 @!p3 $0xFFFFFF80  }
0x83: {  	_ =	swait.ge @!p3 [sflag:s6], $0x80  }
0x84: {  	[sflag:s6] =	ssyncset.done @!p3 $0x0  }
0x85: {  	[sflag:s6] =	ssyncadd.s32 @!p3 $0xFFFFFF80  }
0x86: {  	_ =	swait.ge [sflag:s17], $0x4000  }
0x87: {  	s6 =	simm.s32 $0x30;
	[sflag:s17] =	ssyncset.done $0x0  }
.LBB2_6:
0x88: {  	p4 =	seq.s32 s6, $0x0  }
0x89: {  	[sflag:s17] =	ssyncadd.s32 $0xFFFFC000;
	s8 =	smov.u32 s6;
	s6 =	sadd.s32 $0x30, s6  }
0x8a: {  	[spmem:s1] =	stream.indirect.scatter.add.f32 [tilespmem:s15], [sflag:$0x9], $0x80, s12, s2, $0xb8;
	[tilespmem:$0x1FC80] =	vst v63  }
0x8b: {  	s18 =	simm.s32 @!p4 $0x9;
	p3 =	sne.s32 s6, $0x9C0  }
0x8c: {  	[tilespmem:s10], [sflag:$0x5] =	stream.indirect.gather [hbm4b:s4+s2], $0x80, s2, s2, $0xb8;
	[tilespmem:$0x1FC80] =	vst v63  }
0x8d: {  	s21 =	sadd.s32 s8, s20;
	_ =	swait.ge @!p4 [sflag:s18], $0x4000  }
0x8e: {  	s24 =	sadd.s32 $0x20, s21;
	[sflag:s18] =	ssyncset.done @!p4 $0x0  }
0x8f: {  	[sflag:s18] =	ssyncadd.s32 @!p4 $0xFFFFC000;
	s18 =	sadd.s32 $0x9C60, s21  }
0x90: {  	[tilespmem:s11], [sflag:$0x3] =	stream.linear.gather [hbm4b:s24+s3], $0x80, $0x38;
	[tilespmem:$0x1FC80] =	vst v63  }
0x91: {  	_ = 	snop  }
0x92: {  	[tilespmem:s12], [sflag:$0x3] =	stream.linear.gather [hbm4b:s18+s3], $0x80, $0x38;
	[tilespmem:$0x1FC80] =	vst v63  }
0x93: {  	_ =	swait.ge [sflag:s13], $0x80  }
0x94: {  	[sflag:s13] =	ssyncset.done $0x0  }
0x95: {  	[sflag:s13] =	ssyncadd.s32 $0xFFFFFF80  }
0x96: {  	_ =	swait.ge [sflag:s13], $0x80  }
0x97: {  	[sflag:s13] =	ssyncset.done $0x0  }
0x98: {  	[sflag:s13] =	ssyncadd.s32 $0xFFFFFF80  }
0x99: {  	_ =	swait.ge [sflag:s14], $0x4000  }
0x9a: {  	[sflag:s14] =	ssyncset.done $0x0  }
0x9b: {  	[sflag:s14] =	ssyncadd.s32 $0xFFFFC000  }
0x9c: {  	[spmem:s1] =	stream.indirect.scatter.add.f32 [tilespmem:s7], [sflag:$0x7], $0x80, s31, s2, $0xb8;
	[tilespmem:$0x1FC80] =	vst v63  }
0x9d: {  	_ = 	snop  }
0x9e: {  	[tilespmem:s15], [sflag:$0x6] =	stream.indirect.gather [hbm4b:s4+s2], $0x80, s11, s2, $0xb8;
	[tilespmem:$0x1FC80] =	vst v63  }
0x9f: {  	p4 =	seq.s32 s8, $0x990;
	_ =	swait.ge [sflag:s16], $0x4000  }
0xa0: {  	s8 =	sadd.s32 @!p4 s8, s20;
	s18 =	simm.s32 @p4 $0x5;
	[sflag:s16] =	ssyncset.done $0x0  }
0xa1: {  	s21 =	sadd.s32 @!p4 $0x30, s8;
	s24 =	sadd.s32 @!p4 $0x9C70, s8;
	[sflag:s16] =	ssyncadd.s32 $0xFFFFC000  }
0xa2: {  	s25 =	simm.s32 @p4 $0x4300;
	s26 =	sadd.s32 @!p4 $0x40, s8;
	_ =	swait.ge @p4 [sflag:s18], $0x4000  }
0xa3: {  	s28 =	simm.s32 @p4 $0x80;
	s29 =	simm.s32 @p4 $0x200;
	[sflag:s18] =	ssyncset.done @p4 $0x0  }
0xa4: {  	s8 =	sadd.s32 @!p4 $0x9C80, s8;
	[sflag:s18] =	ssyncadd.s32 @p4 $0xFFFFC000;
	s18 =	simm.s32 @p4 $0x8  }
0xa5: {  	[spmem:s1] =	stream.indirect.scatter.add.f32 @p4 [tilespmem:s25], [sflag:$0x8], $0x80, s29, s28, $0xb8;
	[tilespmem:$0x1FC80] =	vst v63  }
0xa6: {  	_ =	swait.ge @p4 [sflag:s18], $0x4000  }
0xa7: {  	s25 =	simm.s32 @!p4 $0x0;
	[sflag:s18] =	ssyncset.done @p4 $0x0  }
0xa8: {  	[sflag:s18] =	ssyncadd.s32 @p4 $0xFFFFC000;
	s18 =	simm.s32 @!p4 $0x180  }
0xa9: {  	[tilespmem:s25], [sflag:$0x1] =	stream.linear.gather @!p4 [hbm4b:s21+s25], $0x80, $0x38;
	[tilespmem:$0x1FC80] =	vst v63  }
0xaa: {  	s21 =	simm.s32 @!p4 $0x1  }
0xab: {  	[tilespmem:s18], [sflag:$0x1] =	stream.linear.gather @!p4 [hbm4b:s24+s25], $0x80, $0x38;
	[tilespmem:$0x1FC80] =	vst v63  }
0xac: {  	_ =	swait.ge @!p4 [sflag:s21], $0x80  }
0xad: {  	[sflag:s21] =	ssyncset.done @!p4 $0x0  }
0xae: {  	[sflag:s21] =	ssyncadd.s32 @!p4 $0xFFFFFF80  }
0xaf: {  	_ =	swait.ge @!p4 [sflag:s21], $0x80  }
0xb0: {  	s18 =	simm.s32 @!p4 $0x80;
	s24 =	simm.s32 @!p4 $0x300;
	[sflag:s21] =	ssyncset.done @!p4 $0x0  }
0xb1: {  	[sflag:s21] =	ssyncadd.s32 @!p4 $0xFFFFFF80;
	s21 =	simm.s32 @!p4 $0x5  }
0xb2: {  	[tilespmem:s24], [sflag:$0x4] =	stream.indirect.gather @!p4 [hbm4b:s4+s18], $0x80, s25, s18, $0xb8;
	[tilespmem:$0x1FC80] =	vst v63  }
0xb3: {  	_ =	swait.ge @!p4 [sflag:s21], $0x4000  }
0xb4: {  	s28 =	simm.s32 @!p4 $0x4300;
	s24 =	simm.s32 @!p4 $0x200;
	[sflag:s21] =	ssyncset.done @!p4 $0x0  }
0xb5: {  	[sflag:s21] =	ssyncadd.s32 @!p4 $0xFFFFC000;
	s21 =	simm.s32 @!p4 $0x8  }
0xb6: {  	[spmem:s1] =	stream.indirect.scatter.add.f32 @!p4 [tilespmem:s28], [sflag:$0x8], $0x80, s24, s18, $0xb8;
	[tilespmem:$0x1FC80] =	vst v63  }
0xb7: {  	_ =	swait.ge @!p4 [sflag:s21], $0x4000  }
0xb8: {  	[sflag:s21] =	ssyncset.done @!p4 $0x0  }
0xb9: {  	[sflag:s21] =	ssyncadd.s32 @!p4 $0xFFFFC000  }
0xba: {  	[tilespmem:s18], [sflag:$0x2] =	stream.linear.gather @!p4 [hbm4b:s26+s25], $0x80, $0x38;
	[tilespmem:$0x1FC80] =	vst v63  }
0xbb: {  	s18 =	simm.s32 @!p4 $0x2  }
0xbc: {  	[tilespmem:s24], [sflag:$0x2] =	stream.linear.gather @!p4 [hbm4b:s8+s25], $0x80, $0x38;
	[tilespmem:$0x1FC80] =	vst v63  }
0xbd: {  	_ =	swait.ge @!p4 [sflag:s18], $0x80  }
0xbe: {  	[sflag:s18] =	ssyncset.done @!p4 $0x0  }
0xbf: {  	[sflag:s18] =	ssyncadd.s32 @!p4 $0xFFFFFF80  }
.Ltmp3:
0xc0: {  	_ =	swait.ge @!p4 [sflag:s18], $0x80;
	(pc) =	sbr.rel @p3 .LBB2_6-.Ltmp3, $4  }
0xc1: {  	[sflag:s18] =	ssyncset.done @!p4 $0x0  }
0xc2: {  	[sflag:s18] =	ssyncadd.s32 @!p4 $0xFFFFFF80  }
0xc3: {  	_ =	swait.ge [sflag:s17], $0x4000  }
0xc4: {  	[sflag:s17] =	ssyncset.done $0x0  }
0xc5: {  	[sflag:s17] =	ssyncadd.s32 $0xFFFFC000  }
0xc6: {  	[spmem:s1] =	stream.indirect.scatter.add.f32 [tilespmem:s15], [sflag:$0x9], $0x80, s12, s2, $0xb8;
	[tilespmem:$0x1FC80] =	vst v63  }
0xc7: {  	s6 =	rddreg [dreg:$0x10];
	s8 =	simm.s32 $0xC300  }
0xc8: {  	[tilespmem:s8], [sflag:$0xA] =	stream.linear.gather [hbm4b:s6+s3], $0x20, $0x38;
	[tilespmem:$0x1FC80] =	vst v63  }
0xc9: {  	_ =	swait.ge [sflag:s30], $0x20  }
0xca: {  	[sflag:s30] =	ssyncset.done $0x0  }
0xcb: {  	s18 =	simm.s32 $0xC380;
	s25 =	rddreg [dreg:$0x11];
	[sflag:s30] =	ssyncadd.s32 $0xFFFFFFE0  }
0xcc: {  	[tilespmem:s18], [sflag:$0xA] =	stream.linear.gather [hbm4b:s25+s3], $0x20, $0x38;
	[tilespmem:$0x1FC80] =	vst v63  }
0xcd: {  	_ =	swait.ge [sflag:s30], $0x20  }
0xce: {  	[sflag:s30] =	ssyncset.done $0x0  }
0xcf: {  	s26 =	simm.s32 $0x20;
	[sflag:s30] =	ssyncadd.s32 $0xFFFFFFE0  }
0xd0: {  	[tilespmem:s7], [sflag:$0x4] =	stream.indirect.gather [hbm4b:s4+s26], $0x80, s8, s26, $0xb8;
	[tilespmem:$0x1FC80] =	vst v63  }
0xd1: {  	_ =	swait.ge [sflag:s14], $0x1000  }
0xd2: {  	[sflag:s14] =	ssyncset.done $0x0  }
0xd3: {  	[sflag:s14] =	ssyncadd.s32 $0xFFFFF000  }
0xd4: {  	[spmem:s1] =	stream.indirect.scatter.add.f32 [tilespmem:s7], [sflag:$0x7], $0x80, s18, s26, $0xb8;
	[tilespmem:$0x1FC80] =	vst v63  }
0xd5: {  	_ =	swait.ge [sflag:s16], $0x1000  }
0xd6: {  	[sflag:s16] =	ssyncset.done $0x0  }
0xd7: {  	s28 =	simm.s32 $0x9;
	[sflag:s16] =	ssyncadd.s32 $0xFFFFF000  }
0xd8: {  	_ =	swait.ge [sflag:s28], $0x4000  }
0xd9: {  	[sflag:s28] =	ssyncset.done $0x0  }
0xda: {  	[sflag:s28] =	ssyncadd.s32 $0xFFFFC000  }
0xdb: {  	[bflag:$0x0] =	sbarrier.arrive $0xFFFF  }
0xdc: {  	s29 =	rddreg [dreg:$0x16]  }
0xdd: {  	[hbm:s29], [sflag:s22] =	dma.local [spmem:s23], $0x2700  }
.Ltmp4:
0xde: {  	_ = 	snop;
	(pc) =	sbr.rel @p1 .LBB2_9-.Ltmp4, $4  }
.Ltmp5:
0xdf: {  	_ = 	snop;
	(pc) =	sbr.rel @!p1 .LBB2_8-.Ltmp5, $4  }
0xe0: {  	_ =	swait.ge [sflag:s30], $0x2700  }
0xe1: {  	[sflag:s30] =	ssyncset.done $0x0  }
0xe2: {  	s6 =	rddreg [dreg:$0x13];
	[sflag:s30] =	ssyncadd.s32 $0xFFFFD900  }
0xe3: {  	_ = 	snop  }
.LBB2_2:
0xe4: {  	s8 =	rddreg [dreg:$0x6]  }
0xe5: {  	[tilespmem:s6], [sflag:$0x1] =	stream.linear.gather [hbm4b:s8+s6], $0x80, $0x38;
	[tilespmem:$0x1FC80] =	vst v63  }
0xe6: {  	s25 =	rddreg [dreg:$0x7]  }
0xe7: {  	[tilespmem:s31], [sflag:$0x1] =	stream.linear.gather [hbm4b:s25+s6], $0x80, $0x38;
	[tilespmem:$0x1FC80] =	vst v63  }
0xe8: {  	_ =	swait.ge [sflag:s0], $0x80  }
0xe9: {  	[sflag:s0] =	ssyncset.done $0x0  }
0xea: {  	[sflag:s0] =	ssyncadd.s32 $0xFFFFFF80  }
0xeb: {  	_ =	swait.ge [sflag:s0], $0x80  }
0xec: {  	[sflag:s0] =	ssyncset.done $0x0  }
0xed: {  	[sflag:s0] =	ssyncadd.s32 $0xFFFFFF80  }
0xee: {  	[tilespmem:s7], [sflag:$0x4] =	stream.indirect.gather [hbm4b:s4+s2], $0x80, s6, s2, $0xb8;
	[tilespmem:$0x1FC80] =	vst v63  }
0xef: {  	s26 =	rddreg [dreg:$0x8]  }
0xf0: {  	[tilespmem:s2], [sflag:$0x2] =	stream.linear.gather [hbm4b:s26+s6], $0x80, $0x38;
	[tilespmem:$0x1FC80] =	vst v63  }
0xf1: {  	s18 =	simm.s32 $0x200;
	s28 =	rddreg [dreg:$0x9]  }
0xf2: {  	[tilespmem:s18], [sflag:$0x2] =	stream.linear.gather [hbm4b:s28+s6], $0x80, $0x38;
	[tilespmem:$0x1FC80] =	vst v63  }
0xf3: {  	_ =	swait.ge [sflag:s9], $0x80  }
0xf4: {  	[sflag:s9] =	ssyncset.done $0x0  }
0xf5: {  	[sflag:s9] =	ssyncadd.s32 $0xFFFFFF80  }
0xf6: {  	_ =	swait.ge [sflag:s9], $0x80  }
0xf7: {  	p3 =	por $0x1, $0x1;
	[sflag:s9] =	ssyncset.done $0x0  }
0xf8: {  	s6 =	simm.s32 @!p3 $0x9;
	[sflag:s9] =	ssyncadd.s32 $0xFFFFFF80  }
0xf9: {  	[tilespmem:s10], [sflag:$0x5] =	stream.indirect.gather [hbm4b:s4+s2], $0x80, s2, s2, $0xb8;
	[tilespmem:$0x1FC80] =	vst v63  }
0xfa: {  	_ =	swait.ge @!p3 [sflag:s6], $0x4000  }
0xfb: {  	s21 =	sadd.s32 $0x0, s19;
	[sflag:s6] =	ssyncset.done @!p3 $0x0  }
0xfc: {  	s24 =	sadd.s32 $0x20, s21;
	[sflag:s6] =	ssyncadd.s32 @!p3 $0xFFFFC000  }
0xfd: {  	[tilespmem:s11], [sflag:$0x3] =	stream.linear.gather [hbm4b:s24+s3], $0x80, $0x38;
	[tilespmem:$0x1FC80] =	vst v63  }
0xfe: {  	s29 =	sadd.s32 $0x9C60, s21  }
0xff: {  	[tilespmem:s12], [sflag:$0x3] =	stream.linear.gather [hbm4b:s29+s3], $0x80, $0x38;
	[tilespmem:$0x1FC80] =	vst v63  }
0x100: {  	_ =	swait.ge [sflag:s13], $0x80  }
0x101: {  	[sflag:s13] =	ssyncset.done $0x0  }
0x102: {  	[sflag:s13] =	ssyncadd.s32 $0xFFFFFF80  }
0x103: {  	_ =	swait.ge [sflag:s13], $0x80  }
0x104: {  	[sflag:s13] =	ssyncset.done $0x0  }
0x105: {  	[sflag:s13] =	ssyncadd.s32 $0xFFFFFF80  }
0x106: {  	_ =	swait.ge [sflag:s14], $0x4000  }
0x107: {  	[sflag:s14] =	ssyncset.done $0x0  }
0x108: {  	[sflag:s14] =	ssyncadd.s32 $0xFFFFC000  }
0x109: {  	[spmem:s1] =	stream.indirect.scatter.add.f32 [tilespmem:s7], [sflag:$0x7], $0x80, s31, s2, $0xb8;
	[tilespmem:$0x1FC80] =	vst v63  }
0x10a: {  	_ = 	snop  }
0x10b: {  	[tilespmem:s15], [sflag:$0x6] =	stream.indirect.gather [hbm4b:s4+s2], $0x80, s11, s2, $0xb8;
	[tilespmem:$0x1FC80] =	vst v63  }
0x10c: {  	_ =	swait.ge [sflag:s16], $0x4000  }
0x10d: {  	p3 =	por $0x0, $0x0;
	[sflag:s16] =	ssyncset.done $0x0  }
0x10e: {  	s6 =	simm.s32 @p3 $0x5;
	[sflag:s16] =	ssyncadd.s32 $0xFFFFC000  }
0x10f: {  	_ =	swait.ge @p3 [sflag:s6], $0x4000  }
0x110: {  	s21 =	simm.s32 @p3 $0x4300;
	s24 =	simm.s32 @p3 $0x80;
	[sflag:s6] =	ssyncset.done @p3 $0x0  }
0x111: {  	s28 =	simm.s32 @p3 $0x200;
	[sflag:s6] =	ssyncadd.s32 @p3 $0xFFFFC000;
	s6 =	simm.s32 @p3 $0x8  }
0x112: {  	[spmem:s1] =	stream.indirect.scatter.add.f32 @p3 [tilespmem:s21], [sflag:$0x8], $0x80, s28, s24, $0xb8;
	[tilespmem:$0x1FC80] =	vst v63  }
0x113: {  	_ =	swait.ge @p3 [sflag:s6], $0x4000  }
0x114: {  	s21 =	sadd.s32 @!p3 $0x0, s19;
	[sflag:s6] =	ssyncset.done @p3 $0x0  }
0x115: {  	s28 =	simm.s32 @!p3 $0x0;
	s24 =	sadd.s32 @!p3 $0x30, s21;
	[sflag:s6] =	ssyncadd.s32 @p3 $0xFFFFC000  }
0x116: {  	[tilespmem:s28], [sflag:$0x1] =	stream.linear.gather @!p3 [hbm4b:s24+s28], $0x80, $0x38;
	[tilespmem:$0x1FC80] =	vst v63  }
0x117: {  	s18 =	simm.s32 @!p3 $0x1;
	s6 =	sadd.s32 @!p3 $0x9C70, s21;
	s24 =	simm.s32 @!p3 $0x180  }
0x118: {  	[tilespmem:s24], [sflag:$0x1] =	stream.linear.gather @!p3 [hbm4b:s6+s28], $0x80, $0x38;
	[tilespmem:$0x1FC80] =	vst v63  }
0x119: {  	_ =	swait.ge @!p3 [sflag:s18], $0x80  }
0x11a: {  	[sflag:s18] =	ssyncset.done @!p3 $0x0  }
0x11b: {  	[sflag:s18] =	ssyncadd.s32 @!p3 $0xFFFFFF80  }
0x11c: {  	_ =	swait.ge @!p3 [sflag:s18], $0x80  }
0x11d: {  	s6 =	simm.s32 @!p3 $0x80;
	[sflag:s18] =	ssyncset.done @!p3 $0x0  }
0x11e: {  	s24 =	simm.s32 @!p3 $0x300;
	[sflag:s18] =	ssyncadd.s32 @!p3 $0xFFFFFF80;
	s18 =	simm.s32 @!p3 $0x5  }
0x11f: {  	[tilespmem:s24], [sflag:$0x4] =	stream.indirect.gather @!p3 [hbm4b:s4+s6], $0x80, s28, s6, $0xb8;
	[tilespmem:$0x1FC80] =	vst v63  }
0x120: {  	_ =	swait.ge @!p3 [sflag:s18], $0x4000  }
0x121: {  	[sflag:s18] =	ssyncset.done @!p3 $0x0  }
0x122: {  	s24 =	simm.s32 @!p3 $0x200;
	[sflag:s18] =	ssyncadd.s32 @!p3 $0xFFFFC000;
	s18 =	simm.s32 @!p3 $0x4300  }
0x123: {  	[spmem:s1] =	stream.indirect.scatter.add.f32 @!p3 [tilespmem:s18], [sflag:$0x8], $0x80, s24, s6, $0xb8;
	[tilespmem:$0x1FC80] =	vst v63  }
0x124: {  	s18 =	simm.s32 @!p3 $0x8  }
0x125: {  	_ =	swait.ge @!p3 [sflag:s18], $0x4000  }
0x126: {  	[sflag:s18] =	ssyncset.done @!p3 $0x0  }
0x127: {  	[sflag:s18] =	ssyncadd.s32 @!p3 $0xFFFFC000;
	s18 =	sadd.s32 @!p3 $0x40, s21  }
0x128: {  	[tilespmem:s6], [sflag:$0x2] =	stream.linear.gather @!p3 [hbm4b:s18+s28], $0x80, $0x38;
	[tilespmem:$0x1FC80] =	vst v63  }
0x129: {  	s6 =	sadd.s32 @!p3 $0x9C80, s21  }
0x12a: {  	[tilespmem:s24], [sflag:$0x2] =	stream.linear.gather @!p3 [hbm4b:s6+s28], $0x80, $0x38;
	[tilespmem:$0x1FC80] =	vst v63  }
0x12b: {  	s6 =	simm.s32 @!p3 $0x2  }
0x12c: {  	_ =	swait.ge @!p3 [sflag:s6], $0x80  }
0x12d: {  	[sflag:s6] =	ssyncset.done @!p3 $0x0  }
0x12e: {  	[sflag:s6] =	ssyncadd.s32 @!p3 $0xFFFFFF80  }
0x12f: {  	_ =	swait.ge @!p3 [sflag:s6], $0x80  }
0x130: {  	[sflag:s6] =	ssyncset.done @!p3 $0x0  }
0x131: {  	[sflag:s6] =	ssyncadd.s32 @!p3 $0xFFFFFF80  }
0x132: {  	_ =	swait.ge [sflag:s17], $0x4000  }
0x133: {  	s6 =	simm.s32 $0x30;
	[sflag:s17] =	ssyncset.done $0x0  }
.LBB2_3:
0x134: {  	p4 =	seq.s32 s6, $0x0  }
0x135: {  	[sflag:s17] =	ssyncadd.s32 $0xFFFFC000;
	s18 =	smov.u32 s6;
	s6 =	sadd.s32 $0x30, s6  }
0x136: {  	[spmem:s1] =	stream.indirect.scatter.add.f32 [tilespmem:s15], [sflag:$0x9], $0x80, s12, s2, $0xb8;
	[tilespmem:$0x1FC80] =	vst v63  }
0x137: {  	s21 =	simm.s32 @!p4 $0x9;
	p3 =	sne.s32 s6, $0x9C0  }
0x138: {  	[tilespmem:s10], [sflag:$0x5] =	stream.indirect.gather [hbm4b:s4+s2], $0x80, s2, s2, $0xb8;
	[tilespmem:$0x1FC80] =	vst v63  }
0x139: {  	s24 =	sadd.s32 s18, s19;
	_ =	swait.ge @!p4 [sflag:s21], $0x4000  }
0x13a: {  	s28 =	sadd.s32 $0x20, s24;
	[sflag:s21] =	ssyncset.done @!p4 $0x0  }
0x13b: {  	[sflag:s21] =	ssyncadd.s32 @!p4 $0xFFFFC000;
	s21 =	sadd.s32 $0x9C60, s24  }
0x13c: {  	[tilespmem:s11], [sflag:$0x3] =	stream.linear.gather [hbm4b:s28+s3], $0x80, $0x38;
	[tilespmem:$0x1FC80] =	vst v63  }
0x13d: {  	_ = 	snop  }
0x13e: {  	[tilespmem:s12], [sflag:$0x3] =	stream.linear.gather [hbm4b:s21+s3], $0x80, $0x38;
	[tilespmem:$0x1FC80] =	vst v63  }
0x13f: {  	_ =	swait.ge [sflag:s13], $0x80  }
0x140: {  	[sflag:s13] =	ssyncset.done $0x0  }
0x141: {  	[sflag:s13] =	ssyncadd.s32 $0xFFFFFF80  }
0x142: {  	_ =	swait.ge [sflag:s13], $0x80  }
0x143: {  	[sflag:s13] =	ssyncset.done $0x0  }
0x144: {  	[sflag:s13] =	ssyncadd.s32 $0xFFFFFF80  }
0x145: {  	_ =	swait.ge [sflag:s14], $0x4000  }
0x146: {  	[sflag:s14] =	ssyncset.done $0x0  }
0x147: {  	[sflag:s14] =	ssyncadd.s32 $0xFFFFC000  }
0x148: {  	[spmem:s1] =	stream.indirect.scatter.add.f32 [tilespmem:s7], [sflag:$0x7], $0x80, s31, s2, $0xb8;
	[tilespmem:$0x1FC80] =	vst v63  }
0x149: {  	_ = 	snop  }
0x14a: {  	[tilespmem:s15], [sflag:$0x6] =	stream.indirect.gather [hbm4b:s4+s2], $0x80, s11, s2, $0xb8;
	[tilespmem:$0x1FC80] =	vst v63  }
0x14b: {  	p4 =	seq.s32 s18, $0x990;
	_ =	swait.ge [sflag:s16], $0x4000  }
0x14c: {  	s18 =	sadd.s32 @!p4 s18, s19;
	s21 =	simm.s32 @p4 $0x5;
	[sflag:s16] =	ssyncset.done $0x0  }
0x14d: {  	s24 =	sadd.s32 @!p4 $0x30, s18;
	s28 =	sadd.s32 @!p4 $0x9C70, s18;
	[sflag:s16] =	ssyncadd.s32 $0xFFFFC000  }
0x14e: {  	s8 =	simm.s32 @p4 $0x4300;
	s25 =	sadd.s32 @!p4 $0x40, s18;
	_ =	swait.ge @p4 [sflag:s21], $0x4000  }
0x14f: {  	s29 =	simm.s32 @p4 $0x80;
	s26 =	simm.s32 @p4 $0x200;
	[sflag:s21] =	ssyncset.done @p4 $0x0  }
0x150: {  	s18 =	sadd.s32 @!p4 $0x9C80, s18;
	[sflag:s21] =	ssyncadd.s32 @p4 $0xFFFFC000;
	s21 =	simm.s32 @p4 $0x8  }
0x151: {  	[spmem:s1] =	stream.indirect.scatter.add.f32 @p4 [tilespmem:s8], [sflag:$0x8], $0x80, s26, s29, $0xb8;
	[tilespmem:$0x1FC80] =	vst v63  }
0x152: {  	_ =	swait.ge @p4 [sflag:s21], $0x4000  }
0x153: {  	s8 =	simm.s32 @!p4 $0x0;
	[sflag:s21] =	ssyncset.done @p4 $0x0  }
0x154: {  	[sflag:s21] =	ssyncadd.s32 @p4 $0xFFFFC000;
	s21 =	simm.s32 @!p4 $0x180  }
0x155: {  	[tilespmem:s8], [sflag:$0x1] =	stream.linear.gather @!p4 [hbm4b:s24+s8], $0x80, $0x38;
	[tilespmem:$0x1FC80] =	vst v63  }
0x156: {  	s24 =	simm.s32 @!p4 $0x1  }
0x157: {  	[tilespmem:s21], [sflag:$0x1] =	stream.linear.gather @!p4 [hbm4b:s28+s8], $0x80, $0x38;
	[tilespmem:$0x1FC80] =	vst v63  }
0x158: {  	_ =	swait.ge @!p4 [sflag:s24], $0x80  }
0x159: {  	[sflag:s24] =	ssyncset.done @!p4 $0x0  }
0x15a: {  	[sflag:s24] =	ssyncadd.s32 @!p4 $0xFFFFFF80  }
0x15b: {  	_ =	swait.ge @!p4 [sflag:s24], $0x80  }
0x15c: {  	s26 =	simm.s32 @!p4 $0x300;
	s21 =	simm.s32 @!p4 $0x80;
	[sflag:s24] =	ssyncset.done @!p4 $0x0  }
0x15d: {  	[sflag:s24] =	ssyncadd.s32 @!p4 $0xFFFFFF80;
	s24 =	simm.s32 @!p4 $0x5  }
0x15e: {  	[tilespmem:s26], [sflag:$0x4] =	stream.indirect.gather @!p4 [hbm4b:s4+s21], $0x80, s8, s21, $0xb8;
	[tilespmem:$0x1FC80] =	vst v63  }
0x15f: {  	_ =	swait.ge @!p4 [sflag:s24], $0x4000  }
0x160: {  	s28 =	simm.s32 @!p4 $0x4300;
	s26 =	simm.s32 @!p4 $0x200;
	[sflag:s24] =	ssyncset.done @!p4 $0x0  }
0x161: {  	[sflag:s24] =	ssyncadd.s32 @!p4 $0xFFFFC000;
	s24 =	simm.s32 @!p4 $0x8  }
0x162: {  	[spmem:s1] =	stream.indirect.scatter.add.f32 @!p4 [tilespmem:s28], [sflag:$0x8], $0x80, s26, s21, $0xb8;
	[tilespmem:$0x1FC80] =	vst v63  }
0x163: {  	_ =	swait.ge @!p4 [sflag:s24], $0x4000  }
0x164: {  	[sflag:s24] =	ssyncset.done @!p4 $0x0  }
0x165: {  	[sflag:s24] =	ssyncadd.s32 @!p4 $0xFFFFC000  }
0x166: {  	[tilespmem:s21], [sflag:$0x2] =	stream.linear.gather @!p4 [hbm4b:s25+s8], $0x80, $0x38;
	[tilespmem:$0x1FC80] =	vst v63  }
0x167: {  	s21 =	simm.s32 @!p4 $0x2  }
0x168: {  	[tilespmem:s26], [sflag:$0x2] =	stream.linear.gather @!p4 [hbm4b:s18+s8], $0x80, $0x38;
	[tilespmem:$0x1FC80] =	vst v63  }
0x169: {  	_ =	swait.ge @!p4 [sflag:s21], $0x80  }
0x16a: {  	[sflag:s21] =	ssyncset.done @!p4 $0x0  }
0x16b: {  	[sflag:s21] =	ssyncadd.s32 @!p4 $0xFFFFFF80  }
.Ltmp6:
0x16c: {  	_ =	swait.ge @!p4 [sflag:s21], $0x80;
	(pc) =	sbr.rel @p3 .LBB2_3-.Ltmp6, $4  }
0x16d: {  	[sflag:s21] =	ssyncset.done @!p4 $0x0  }
0x16e: {  	[sflag:s21] =	ssyncadd.s32 @!p4 $0xFFFFFF80  }
0x16f: {  	_ =	swait.ge [sflag:s17], $0x4000  }
0x170: {  	[sflag:s17] =	ssyncset.done $0x0  }
0x171: {  	[sflag:s17] =	ssyncadd.s32 $0xFFFFC000  }
0x172: {  	[spmem:s1] =	stream.indirect.scatter.add.f32 [tilespmem:s15], [sflag:$0x9], $0x80, s12, s2, $0xb8;
	[tilespmem:$0x1FC80] =	vst v63  }
0x173: {  	s6 =	rddreg [dreg:$0xa];
	s8 =	simm.s32 $0xC300  }
0x174: {  	[tilespmem:s8], [sflag:$0xA] =	stream.linear.gather [hbm4b:s6+s3], $0x20, $0x38;
	[tilespmem:$0x1FC80] =	vst v63  }
0x175: {  	_ =	swait.ge [sflag:s30], $0x20  }
0x176: {  	[sflag:s30] =	ssyncset.done $0x0  }
0x177: {  	s18 =	simm.s32 $0xC380;
	s25 =	rddreg [dreg:$0xb];
	[sflag:s30] =	ssyncadd.s32 $0xFFFFFFE0  }
0x178: {  	[tilespmem:s18], [sflag:$0xA] =	stream.linear.gather [hbm4b:s25+s3], $0x20, $0x38;
	[tilespmem:$0x1FC80] =	vst v63  }
0x179: {  	_ =	swait.ge [sflag:s30], $0x20  }
0x17a: {  	[sflag:s30] =	ssyncset.done $0x0  }
0x17b: {  	s26 =	simm.s32 $0x20;
	[sflag:s30] =	ssyncadd.s32 $0xFFFFFFE0  }
0x17c: {  	[tilespmem:s7], [sflag:$0x4] =	stream.indirect.gather [hbm4b:s4+s26], $0x80, s8, s26, $0xb8;
	[tilespmem:$0x1FC80] =	vst v63  }
0x17d: {  	_ =	swait.ge [sflag:s14], $0x1000  }
0x17e: {  	[sflag:s14] =	ssyncset.done $0x0  }
0x17f: {  	[sflag:s14] =	ssyncadd.s32 $0xFFFFF000  }
0x180: {  	[spmem:s1] =	stream.indirect.scatter.add.f32 [tilespmem:s7], [sflag:$0x7], $0x80, s18, s26, $0xb8;
	[tilespmem:$0x1FC80] =	vst v63  }
0x181: {  	_ =	swait.ge [sflag:s16], $0x1000  }
0x182: {  	[sflag:s16] =	ssyncset.done $0x0  }
0x183: {  	s28 =	simm.s32 $0x9;
	[sflag:s16] =	ssyncadd.s32 $0xFFFFF000  }
0x184: {  	_ =	swait.ge [sflag:s28], $0x4000  }
0x185: {  	[sflag:s28] =	ssyncset.done $0x0  }
0x186: {  	[sflag:s28] =	ssyncadd.s32 $0xFFFFC000  }
0x187: {  	[bflag:$0x0] =	sbarrier.arrive $0xFFFF  }
0x188: {  	s29 =	rddreg [dreg:$0x15]  }
0x189: {  	[hbm:s29], [sflag:s22] =	dma.local [spmem:s23], $0x2700  }
.Ltmp7:
0x18a: {  	_ = 	snop;
	(pc) =	sbr.rel @p2 .LBB2_8-.Ltmp7, $4  }
.Ltmp8:
0x18b: {  	_ = 	snop;
	(pc) =	sbr.rel @!p2 .LBB2_9-.Ltmp8, $4  }
0x18c: {  	_ =	swait.ge [sflag:s30], $0x2700  }
0x18d: {  	[sflag:s30] =	ssyncset.done $0x0  }
0x18e: {  	s6 =	rddreg [dreg:$0x4];
	[sflag:s30] =	ssyncadd.s32 $0xFFFFD900  }
0x18f: {  	_ = 	snop  }
.LBB2_10:
0x190: {  	_ =	sfence.sel $0x180000  }
0x191: {  	[bflag:$0x0] =	sbarrier.arrive $0xFFFF  }
0x192: {  	_ =	strace $0x9000004A  }
0x193: {  	s0 =	stileid.u32;
	[bflag:$0x2] =	sbarrier.arrive $0xFFFF  }
0x194: {  	p0 =	sne.s32 s0, $0x0;
	s0 =	rddreg [dreg:$0x3]  }
0x195: {  	s0 =	sadd.s32 @!p0 $0x100000, s0  }
0x196: {  	[sflag:s0] =	ssyncadd.tile.s32 @!p0 $0x1;
	_ =	shalt  }
.Lfunc_end2:
_tile_overlayer_lowered:
.L_overlay_start_2:
0x197: {  	(tag) =	ssettag $0x2  }
0x198: {  	s0 =	rddreg [dreg:$0x0];
	s2 =	stileid.u32  }
0x199: {  	s1 =	rddreg [dreg:$0x1];
	p0 =	sne.s32 s2, $0x0  }
0x19a: {  	s3 =	rddreg [dreg:$0x2];
	[bflag:$0x3] =	sbarrier.arrive $0xFFFF;
	s2 =	simm.s32 @!p0 $0x1C0A  }
0x19b: {  	[timem:s3], [sflag:s2] =	dma.local @!p0 [hbm:s0], s1  }
0x19c: {  	s0 =	simm.s32 @!p0 $0xA  }
0x19d: {  	_ =	swait.ge @!p0 [sflag:s0], s1  }
0x19e: {  	s1 =	ssub.s32 @!p0 $0x0, s1;
	[sflag:s0] =	ssyncset.done @!p0 $0x0  }
0x19f: {  	[sflag:s0] =	ssyncadd.s32 @!p0 s1  }
0x1a0: {  	[bflag:$0x3] =	sbarrier.arrive $0xFFFF  }
0x1a1: {  	_ =	shalt  }

// kernel: kernel.7.cloned.1.call-start
scs
__scs_entry_jumppad:
0x0: {  	(pc) =	sbr.rel $0x88, $3  }
0x1: {  	(tag) =	ssettag $0x0;
	lr =	simm.s32 $0x1  }
0x2: {  	[smem:$0x3F88] =	sst lr;
	_ =	strace $0xD0000000  }
0x3: {  	_ = 	snop  }
0x4: {  	_ = 	snop  }
0x5: {  	_ = 	snop  }
0x6: {  	_ = 	snop  }
0x7: {  	_ = 	snop  }
__scs_overlays_trampoline_lowered:
0x8: {  	[smem:$0x3F97] =	sst s0  }
0x9: {  	[smem:$0x3F98] =	sst s1  }
0xa: {  	[smem:$0x3F99] =	sst s2  }
0xb: {  	[smem:$0x3F9A] =	sst s3  }
0xc: {  	[smem:$0x3F9B] =	sst s4  }
0xd: {  	[smem:$0x3F9C] =	sst s5  }
0xe: {  	[smem:$0x3F9D] =	sst s6  }
0xf: {  	[smem:$0x3F9E] =	sst s7  }
0x10: {  	[smem:$0x3F9F] =	sst s8  }
0x11: {  	[smem:$0x3FA0] =	sst s9;
	s0 =	simm.s32 @!p0 $0x0  }
0x12: {  	s1 =	sld [smem:$0x3F86];
	s0 =	simm.s32 @p0 $0x1  }
0x13: {  	[smem:$0x3FA1] =	sst s0;
	s0 =	simm.s32 @!p1 $0x0  }
0x14: {  	s2 =	sld [smem:$0x3F85];
	s0 =	simm.s32 @p1 $0x1  }
0x15: {  	[smem:$0x3FA2] =	sst s0;
	s0 =	simm.s32 @!p2 $0x0  }
0x16: {  	s3 =	sld [smem:$0x3FDB];
	s0 =	simm.s32 @p2 $0x1  }
0x17: {  	s4 =	simm.s32 $0x1BF5;
	[smem:$0x3FA4] =	sst s0  }
0x18: {  	s0 =	sld [smem:$0x3F87];
	_ =	swait.ge [sflag:s4], $0x0  }
0x19: {  	s7 =	sld [smem:$0x3F88]  }
0x1a: {  	s8 =	sadd.s32 $0xFFFFE003, lr  }
0x1b: {  	s9 =	sadd.s32 $0xFFFFFEF7, lr;
	s5 =	simm.s32 $0xFFFFFFFF;
	p2 =	slt.u32 s8, $0xFFFFF086  }
0x1c: {  	p1 =	slt.u32 s9, $0xF7A;
	s5 =	simm.s32 @!p2 $0x0  }
0x1d: {  	s5 =	simm.s32 @p1 $0x1;
	p0 =	seq.s32 s7, s2  }
0x1e: {  	s7 =	smul.u32 @!p0 $0xF7A, s2;
	p2 =	seq.s32 @!p0 s5, $0x0  }
0x1f: {  	s9 =	smul.u32 $0xF7A, s1;
	s8 =	simm.s32 @!p0 $0x1BF5;
	p2 =	por !p2, p0  }
0x20: {  	[sflag:s8] =	ssyncset.s32 @!p0 $0xFFFFF086;
	s6 =	sadd.s32 @!p0 s3, s7;
	s7 =	simm.s32 @!p0 $0x108  }
0x21: {  	s3 =	sadd.s32 s3, s9;
	s6 =	sadd.s32 @!p0 $0x88, s6;
	s7 =	simm.s32 @p2 $0x1082  }
0x22: {  	[simem:s7], [sflag:s8] =	dma.local @!p0 [hbm:s6], $0xF7A  }
0x23: {  	s9 =	sor.u32 $0xD0000000, s2;
	s6 =	simm.s32 $0x108;
	_ =	swait.ge @!p0 [sflag:s8], $0x0  }
0x24: {  	s3 =	sadd.s32 $0x88, s3;
	s6 =	simm.s32 @!p1 $0x1082;
	[sflag:s4] =	ssyncset.s32 $0xFFFFF086  }
0x25: {  	[simem:s6], [sflag:s4] =	dma.local [hbm:s3], $0xF7A  }
0x26: {  	[smem:$0x3F88] =	sst s1;
	(tag) =	ssettag s2;
	_ =	strace s9  }
0x27: {  	s1 =	sld [smem:$0x3F98]  }
0x28: {  	s2 =	sld [smem:$0x3F99]  }
0x29: {  	s4 =	sld [smem:$0x3F9B]  }
0x2a: {  	p0 =	seq.s32 s5, $0x0;
	s5 =	sld [smem:$0x3F9C]  }
0x2b: {  	s6 =	sld [smem:$0x3F9D]  }
0x2c: {  	s7 =	sld [smem:$0x3F9E]  }
0x2d: {  	s3 =	simm.s32 $0x108;
	s8 =	sld [smem:$0x3F9F]  }
0x2e: {  	s3 =	simm.s32 @!p0 $0x1082;
	s9 =	sld [smem:$0x3FA0]  }
0x2f: {  	lr =	sadd.s32 s0, s3;
	s0 =	sld [smem:$0x3F97]  }
0x30: {  	s3 =	sld [smem:$0x3F9A]  }
0x31: {  	[smem:$0x3FA3] =	sst s10  }
0x32: {  	s10 =	sld [smem:$0x3FA1];
	_ =	sdelay $0x3  }
0x33: {  	p0 =	seq.s32 s10, $0x1;
	s10 =	sld [smem:$0x3FA3];
	_ =	sdelay $0x3  }
0x34: {  	[smem:$0x3FA3] =	sst s10  }
0x35: {  	s10 =	sld [smem:$0x3FA2];
	_ =	sdelay $0x3  }
0x36: {  	p1 =	seq.s32 s10, $0x1;
	s10 =	sld [smem:$0x3FA3];
	_ =	sdelay $0x3  }
0x37: {  	[smem:$0x3FA3] =	sst s10  }
0x38: {  	s10 =	sld [smem:$0x3FA4]  }
0x39: {  	_ = 	snop;
	(pc) =	sbr.ind lr, $3  }
0x3a: {  	_ = 	snop  }
0x3b: {  	_ = 	snop  }
0x3c: {  	p2 =	seq.s32 s10, $0x1;
	s10 =	sld [smem:$0x3FA3]  }
0x3d: {  	_ =	shalt  }
0x3e: {  	_ =	shalt  }
0x3f: {  	_ =	shalt  }
0x40: {  	_ =	shalt  }
0x41: {  	_ =	shalt  }
0x42: {  	_ =	shalt  }
0x43: {  	_ =	shalt  }
0x44: {  	_ =	shalt  }
0x45: {  	_ =	shalt  }
0x46: {  	_ =	shalt  }
0x47: {  	_ =	shalt  }
0x48: {  	_ =	shalt  }
0x49: {  	_ =	shalt  }
0x4a: {  	_ =	shalt  }
0x4b: {  	_ =	shalt  }
0x4c: {  	_ =	shalt  }
0x4d: {  	_ =	shalt  }
0x4e: {  	_ =	shalt  }
0x4f: {  	_ =	shalt  }
0x50: {  	_ =	shalt  }
0x51: {  	_ =	shalt  }
0x52: {  	_ =	shalt  }
0x53: {  	_ =	shalt  }
0x54: {  	_ =	shalt  }
0x55: {  	_ =	shalt  }
0x56: {  	_ =	shalt  }
0x57: {  	_ =	shalt  }
0x58: {  	_ =	shalt  }
0x59: {  	_ =	shalt  }
0x5a: {  	_ =	shalt  }
0x5b: {  	_ =	shalt  }
0x5c: {  	_ =	shalt  }
0x5d: {  	_ =	shalt  }
0x5e: {  	_ =	shalt  }
0x5f: {  	_ =	shalt  }
0x60: {  	_ =	shalt  }
0x61: {  	_ =	shalt  }
0x62: {  	_ =	shalt  }
0x63: {  	_ =	shalt  }
0x64: {  	_ =	shalt  }
0x65: {  	_ =	shalt  }
0x66: {  	_ =	shalt  }
0x67: {  	_ =	shalt  }
0x68: {  	_ =	shalt  }
0x69: {  	_ =	shalt  }
0x6a: {  	_ =	shalt  }
0x6b: {  	_ =	shalt  }
0x6c: {  	_ =	shalt  }
0x6d: {  	_ =	shalt  }
0x6e: {  	_ =	shalt  }
0x6f: {  	_ =	shalt  }
0x70: {  	_ =	shalt  }
0x71: {  	_ =	shalt  }
0x72: {  	_ =	shalt  }
0x73: {  	_ =	shalt  }
0x74: {  	_ =	shalt  }
0x75: {  	_ =	shalt  }
0x76: {  	_ =	shalt  }
0x77: {  	_ =	shalt  }
0x78: {  	_ =	shalt  }
0x79: {  	_ =	shalt  }
0x7a: {  	_ =	shalt  }
0x7b: {  	_ =	shalt  }
0x7c: {  	_ =	shalt  }
0x7d: {  	_ =	shalt  }
0x7e: {  	_ =	shalt  }
0x7f: {  	_ =	shalt  }
0x80: {  	_ =	shalt  }
0x81: {  	_ =	shalt  }
0x82: {  	_ =	shalt  }
0x83: {  	_ =	shalt  }
0x84: {  	_ =	shalt  }
0x85: {  	_ =	shalt  }
0x86: {  	_ =	shalt  }
0x87: {  	_ =	shalt  }
.Lfunc_end0:
.L_simem_size_0:
called_computation_lowered:
.L_overlay_start_0:
0x88: {  	s2 =	sld [smem:$0x3FD9]  }
0x89: {  	s3 =	sld [smem:$0x3FFE];
	_ =	sdelay $0x1  }
0x8a: {  	s1 =	srdreg.scid  }
0x8b: {  	s0 =	sand.u32 $0x1, s1  }
0x8c: {  	s17 =	sshll.u32 s0, $0xA;
	s2 =	sadd.s32 s3, s2  }
0x8d: {  	s2 =	sadd.s32 s2, s17  }
0x8e: {  	[smem:$0x3FAF] =	sst s2  }
0x8f: {  	_ = 	snop  }
0x90: {  	s2 =	sld [smem:$0x3FD0];
	(tm) =	ssettm $0x1  }
0x91: {  	s18 =	sld [smem:$0x3FFB];
	_ =	sdelay $0x3  }
0x92: {  	_ =	strace s18  }
0x93: {  	s3 =	sld [smem:$0x3FFC];
	_ =	sdelay $0x3  }
0x94: {  	_ =	strace s3  }
0x95: {  	s3 =	sld [smem:$0x3FFD];
	_ =	sdelay $0x3  }
0x96: {  	_ =	strace s3  }
0x97: {  	_ =	strace $0x8FFFFFFF  }
0x98: {  	s19 =	sld [smem:$0x3FDB];
	_ =	sdelay $0x1  }
0x99: {  	s4 =	simm.s32 $_scs_section_size  }
0x9a: {  	s5 =	simm.s32 $_size__tile_overlayer_lowered;
	s6 =	simm.s32 $_tile_overlayer_lowered  }
0x9b: {  	s22 =	simm.s32 $0x1BFF;
	s21 =	sshll.u32 s6, $0x1;
	s3 =	sadd.s32 s4, s19  }
0x9c: {  	s7 =	simm.s32 $0x0;
	s20 =	sshll.u32 s5, $0x1;
	s5 =	sadd.s32 s21, s3  }
0x9d: {  	[timem:s7], [sflag:s22] =	dma.local [hbm:s5], s20  }
0x9e: {  	_ =	swait.ge [sflag:s22], s20  }
0x9f: {  	s4 =	ssub.s32 $0x0, s20;
	[sflag:s22] =	ssyncset.done $0x0  }
0xa0: {  	[sflag:s22] =	ssyncadd.s32 s4;
	_ =	sdelay $0x1  }
0xa1: {  	s23 =	simm.s32 $0x1B8B  }
0xa2: {  	_ =	swait.ge [sflag:s23], $0x1  }
0xa3: {  	[sflag:s23] =	ssyncset.done $0x0  }
0xa4: {  	s25 =	simm.s32 $0x1B8E;
	s24 =	sld [smem:$0x3FFE];
	[sflag:s23] =	ssyncadd.s32 $0xFFFFFFFF  }
0xa5: {  	s26 =	simm.s32 $execute0_lowered;
	[smem:$0x3FD2] =	sst s25  }
0xa6: {  	s5 =	sshll.u32 s26, $0x1;
	_ =	strace $0x80000046;
	[dreg:$0x1] =	wrdreg $0xFFFFFFFF  }
0xa7: {  	s28 =	simm.s32 $_size_execute0_lowered;
	s3 =	sadd.s32 s3, s5;
	[dreg:$0x0] =	wrdreg $0x0  }
0xa8: {  	s5 =	sshll.u32 s28, $0x1;
	[dreg:$0x2] =	wrdreg s3  }
0xa9: {  	[dreg:$0x3] =	wrdreg s5  }
0xaa: {  	[dreg:$0x4] =	wrdreg $0xC0  }
0xab: {  	_ =	task [dreg:s7], $0x5FFFF  }
0xac: {  	[dreg:$0x1] =	wrdreg $0xFFFFFFFF  }
0xad: {  	[dreg:$0x0] =	wrdreg $0x60  }
0xae: {  	[dreg:$0x2] =	wrdreg s24  }
0xaf: {  	[dreg:$0x3] =	wrdreg s2  }
0xb0: {  	[dreg:$0x4] =	wrdreg $0xAA800  }
0xb1: {  	[dreg:$0x5] =	wrdreg $0x9  }
0xb2: {  	_ =	task.clear_ibuf [dreg:s7], $0x6FFFF;
	_ =	strace $0x90000046  }
0xb3: {  	s29 =	simm.s32 $0x9;
	_ =	strace $0x80000048  }
0xb4: {  	_ =	swait.ge [sflag:s29], $0x1  }
0xb5: {  	[sflag:s29] =	ssyncadd.s32 $0xFFFFFFFF  }
0xb6: {  	_ =	strace $0x90000048  }
0xb7: {  	_ =	sfence  }
0xb8: {  	s30 =	sld [smem:$0x0];
	_ =	sdelay $0x2  }
0xb9: {  	s31 =	sshll.u32 s1, $0xD;
	s1 =	sshrl.u32 s1, $0x2  }
0xba: {  	s3 =	sand.u32 $0x4000, s31;
	s1 =	sadd.s32 s1, s30  }
0xbb: {  	s0 =	sor.u32 s3, s0;
	s1 =	sshll.u32 s1, $0x11  }
0xbc: {  	s0 =	sor.u32 s1, s0  }
0xbd: {  	s0 =	sadd.s32 $0x8F2B, s0  }
0xbe: {  	[sflag:s0] =	ssyncadd.remote.s32 $0x1  }
0xbf: {  	_ =	sfence.sel $0xFFFF  }
0xc0: {  	[dreg:$0x0] =	wrdreg $0xFFFFFFFF;
	(pc) =	sbr.abs _section_cstart, $3  }
0xc1: {  	[dreg:$0x1] =	wrdreg $0xFFFFFFFF  }
0xc2: {  	_ =	task.clear_ibuf [dreg:s7], $0x2FFFF;
	_ =	strace $0x9FFFFFFF  }
0xc3: {  	(tm) =	ssettm $0x7FFFFFFF  }
tec
execute0_lowered:
.L_overlay_start_1:
0x0: {  	(tag) =	ssettag $0x1  }
0x1: {  	s0 =	rddreg [dreg:$0x0]  }
0x2: {  	s1 =	rddreg [dreg:$0x1]  }
0x3: {  	s2 =	rddreg [dreg:$0x2];
	s3 =	simm.s32 $0x0;
	s17 =	stileid.u32  }
0x4: {  	s8 =	srdreg.scid;
	s29 =	simm.s32 $0x7;
	s30 =	simm.s32 $0x100  }
0x5: {  	s31 =	simm.s32 $0x1;
	[smem:$0x7FF] =	sst s3;
	s4 =	sadd.s32 $0x3FC00, s0  }
0x6: {  	s6 =	smul.u32 $0x2700, s17;
	s5 =	sadd.s32 $0x18A00, s0;
	s7 =	sadd.s32 $0x5000, s0  }
0x7: {  	s8 =	sand.u32 $0x1, s8;
	s10 =	smul.u32 $0x4E000, s17;
	s18 =	sadd.s32 $0x97E00, s0  }
0x8: {  	s21 =	sadd.s32 $0xBF000, s0;
	s13 =	smul.u32 $0x4E20, s17;
	s14 =	sadd.s32 $0x8E000, s0  }
0x9: {  	s20 =	sshrl.u32 s17, $0x3;
	s23 =	sshll.u32 s17, $0x7;
	p1 =	sne.s32 s17, $0xF  }
0xa: {  	p2 =	seq.s32 s17, $0xF;
	s28 =	sadd.s32 $0x138000, s2;
	_ =	strace $0x80000047  }
0xb: {  	s11 =	ssub.s32 $0x2, s8;
	p0 =	seq.s32 s8, $0x1;
	[dreg:$0x4] =	wrdreg s18  }
0xc: {  	[dreg:$0x5] =	wrdreg s21;
	s9 =	sadd.s32 s6, s0;
	s12 =	sshrl.u32 s11, $0x1  }
0xd: {  	s10 =	sshrl.u32 s10, $0x2;
	s8 =	sshrl.u32 s13, $0x3;
	s0 =	sadd.s32 $0x8DE00, s0  }
0xe: {  	s10 =	sadd.s32 s10, s2;
	s22 =	sadd.s32 s1, s8;
	[dreg:$0x12] =	wrdreg s0  }
0xf: {  	s13 =	sadd.s32 $0x9C40, s8;
	s15 =	sadd.s32 $0x9C0, s8;
	[dreg:$0x6] =	wrdreg s10  }
0x10: {  	s25 =	sadd.s32 $0xA600, s8;
	s8 =	sadd.s32 s7, s8;
	[dreg:$0x7] =	wrdreg s22  }
0x11: {  	s11 =	ssub.s32 s11, s12;
	s16 =	sadd.s32 s1, s13;
	[dreg:$0xc] =	wrdreg s8  }
0x12: {  	s12 =	sand.u32 $0x380, s23;
	s24 =	sadd.s32 s1, s15;
	[dreg:$0x8] =	wrdreg s16  }
0x13: {  	s23 =	sshll.u32 s17, $0x6;
	s19 =	sadd.s32 s1, s25;
	[dreg:$0x9] =	wrdreg s24  }
0x14: {  	s10 =	smul.u32 $0x13C00, s20;
	s20 =	sadd.s32 s7, s15;
	[dreg:$0xa] =	wrdreg s19  }
0x15: {  	s0 =	simm.s32 $0x8300;
	s22 =	sadd.s32 s7, s25;
	[dreg:$0xf] =	wrdreg s20  }
0x16: {  	s25 =	sadd.s32 s18, s6;
	s15 =	simm.s32 $0x6;
	[dreg:$0x10] =	wrdreg s22  }
0x17: {  	s19 =	sadd.s32 s7, s13;
	s24 =	sadd.s32 $0x66E00, s9;
	[dreg:$0x13] =	wrdreg s25  }
0x18: {  	s22 =	sor.u32 $0x1C07, s23;
	s9 =	simm.s32 $0x200;
	[dreg:$0xe] =	wrdreg s19  }
0x19: {  	s13 =	simm.s32 $0x8200;
	s10 =	sor.u32 s12, s10;
	[dreg:$0x11] =	wrdreg s24  }
0x1a: {  	s12 =	simm.s32 $0x4200;
	s26 =	sshrl.u32 s10, $0x3;
	s10 =	sadd.s32 $0x27800, s10  }
0x1b: {  	s24 =	simm.s32 $0x0;
	s16 =	sadd.s32 s14, s26;
	s10 =	sshrl.u32 s10, $0x3  }
0x1c: {  	s26 =	sadd.s32 s21, s6;
	[dreg:$0xb] =	wrdreg s16;
	s16 =	smul.u32 $0x9C4, s17  }
.Ltmp0:
0x1d: {  	s6 =	simm.s32 $0x5;
	s14 =	sadd.s32 s14, s10;
	(pc) =	sbr.rel .LBB2_1-.Ltmp0, $4  }
0x1e: {  	[dreg:$0x14] =	wrdreg s26;
	s26 =	smax.u32 s11, $0x1;
	s10 =	simm.s32 $0x180  }
0x1f: {  	s11 =	simm.s32 $0x2;
	s17 =	simm.s32 $0x20;
	[dreg:$0xd] =	wrdreg s14  }
0x20: {  	s14 =	simm.s32 $0x3;
	s19 =	sadd.s32 s16, s1;
	s20 =	sadd.s32 s16, s7  }
0x21: {  	v0 =	vimm.f32 $0.0e+00;
	v1 =	vimm.f32 $1.000000000e+00;
	s1 =	simm.s32 $0x80;
	s7 =	simm.s32 $0x4;
	s16 =	simm.s32 $0x8280  }
.LBB2_10:
0x22: {  	s8 =	sadd.s32 $0x27000, s25;
	s21 =	sshrl.u32 s28, $0x3  }
0x23: {  	[hbm:s8], [sflag:s22] =	dma.local [spmem:s21], $0x100  }
0x24: {  	_ =	swait.ge [sflag:s29], $0x100  }
0x25: {  	[sflag:s29] =	ssyncset.done $0x0  }
0x26: {  	[sflag:s29] =	ssyncadd.s32 $0xFFFFFF00  }
.LBB2_11:
0x27: {  	s24 =	sadd.s32 $0x1, s24  }
0x28: {  	p3 =	sne.s32 s24, s26  }
.Ltmp1:
0x29: {  	s8 =	simm.s32 $0x400;
	(pc) =	sbr.rel @!p3 .LBB2_12-.Ltmp1, $4  }
0x2a: {  	[hbm4b:s18+s1] =	stream.strided.scatter [tilespmem:s0], [sflag:$0x7], $0x2780, s8, s1, $0x38;
	[tilespmem:$0x1E300] =	vst v63  }
0x2b: {  	_ =	swait.ge [sflag:s29], $0x2780  }
0x2c: {  	[sflag:s29] =	ssyncset.done $0x0  }
0x2d: {  	[sflag:s29] =	ssyncadd.s32 $0xFFFFD880  }
.LBB2_1:
0x2e: {  	s8 =	rddreg [dreg:$0x6]  }
0x2f: {  	s23 =	rddreg [dreg:$0x11];
	s25 =	sshrl.u32 s8, $0x3  }
0x30: {  	[spmem:s25], [sflag:s22] =	dma.local [hbm:s23], $0x2700  }
0x31: {  	_ =	swait.ge [sflag:s29], $0x2700  }
0x32: {  	[sflag:s29] =	ssyncset.done $0x0  }
0x33: {  	s8 =	sshrl.u32 @!p1 s28, $0x3;
	s18 =	rddreg [dreg:$0x12];
	[sflag:s29] =	ssyncadd.s32 $0xFFFFD900  }
0x34: {  	[spmem:s8], [sflag:s22] =	dma.local @!p1 [hbm:s18], $0x100  }
0x35: {  	s8 =	simm.s32 @!p1 $0x7  }
0x36: {  	_ =	swait.ge @!p1 [sflag:s8], $0x100  }
0x37: {  	[sflag:s8] =	ssyncset.done @!p1 $0x0  }
0x38: {  	s18 =	simm.s32 $0x40;
	[sflag:s8] =	ssyncadd.s32 @!p1 $0xFFFFFF00;
	s8 =	simm.s32 $0x0  }
.LBB2_2:
0x39: {  	p3 =	sne.s32 s18, $0x9C00;
	[tilespmem:s8+$0x8300] =	vst v0;
	s8 =	smov.u32 s18;
	s18 =	sadd.s32 $0x40, s18  }
.Ltmp2:
0x3a: {  	(pc) =	sbr.rel @p3 .LBB2_2-.Ltmp2, $2  }
0x3b: {  	_ =	sdelay $0x2  }
0x3c: {  	s8 =	sshra.s32 s8, $0x2  }
.Ltmp3:
0x3d: {  	(pc) =	sbr.rel @!p0 .LBB2_4-.Ltmp3, $4  }
0x3e: {  	_ = 	snop  }
0x3f: {  	[tilespmem:s8+$0x8300] =	vst v0  }
0x40: {  	[bflag:$0x0] =	sbarrier.arrive $0xFFFF  }
0x41: {  	s18 =	simm.s32 $0x0  }
0x42: {  	s8 =	rddreg [dreg:$0xc]  }
0x43: {  	[tilespmem:s18], [sflag:$0x1] =	stream.linear.gather [hbm4b:s8+s18], $0x80, $0x38;
	[tilespmem:$0x1E300] =	vst v63  }
0x44: {  	s23 =	rddreg [dreg:$0xe]  }
0x45: {  	[tilespmem:s30], [sflag:$0x1] =	stream.linear.gather [hbm4b:s23+s18], $0x80, $0x38;
	[tilespmem:$0x1E300] =	vst v63  }
0x46: {  	_ =	swait.ge [sflag:s31], $0x80  }
0x47: {  	[sflag:s31] =	ssyncset.done $0x0  }
0x48: {  	[sflag:s31] =	ssyncadd.s32 $0xFFFFFF80  }
0x49: {  	_ =	swait.ge [sflag:s31], $0x80  }
0x4a: {  	[sflag:s31] =	ssyncset.done $0x0  }
0x4b: {  	[sflag:s31] =	ssyncadd.s32 $0xFFFFFF80  }
0x4c: {  	v2 =	vld [tilespmem:$0x100];
	_ =	sdelay $0x7  }
0x4d: {  	[tilespmem:v2+s0+$0x0] =	vst.idx.add.f32.msk $0xffff, v1  }
0x4e: {  	v2 =	vld [tilespmem:$0x110];
	_ =	sdelay $0x7  }
0x4f: {  	[tilespmem:v2+s0+$0x0] =	vst.idx.add.f32.msk $0xffff, v1  }
0x50: {  	v2 =	vld [tilespmem:$0x120];
	_ =	sdelay $0x7  }
0x51: {  	[tilespmem:v2+s0+$0x0] =	vst.idx.add.f32.msk $0xffff, v1  }
0x52: {  	v2 =	vld [tilespmem:$0x130];
	_ =	sdelay $0x7  }
0x53: {  	[tilespmem:v2+s0+$0x0] =	vst.idx.add.f32.msk $0xffff, v1  }
0x54: {  	v2 =	vld [tilespmem:$0x140];
	_ =	sdelay $0x7  }
0x55: {  	[tilespmem:v2+s0+$0x0] =	vst.idx.add.f32.msk $0xffff, v1  }
0x56: {  	v2 =	vld [tilespmem:$0x150];
	_ =	sdelay $0x7  }
0x57: {  	[tilespmem:v2+s0+$0x0] =	vst.idx.add.f32.msk $0xffff, v1  }
0x58: {  	v2 =	vld [tilespmem:$0x160];
	_ =	sdelay $0x7  }
0x59: {  	[tilespmem:v2+s0+$0x0] =	vst.idx.add.f32.msk $0xffff, v1  }
0x5a: {  	v2 =	vld [tilespmem:$0x170];
	_ =	sdelay $0x7  }
0x5b: {  	[tilespmem:v2+s0+$0x0] =	vst.idx.add.f32.msk $0xffff, v1  }
0x5c: {  	[tilespmem:s9], [sflag:$0x3] =	stream.indirect.gather [hbm4b:s5+s1], $0x80, s18, s1, $0xb8;
	[tilespmem:$0x1E300] =	vst v63  }
.LBB2_8:
0x5d: {  	p3 =	seq.s32 s18, $0x0  }
0x5e: {  	s8 =	simm.s32 @!p3 $0x6  }
0x5f: {  	_ =	swait.ge @!p3 [sflag:s8], $0x4000  }
0x60: {  	s21 =	sadd.s32 s18, s20;
	[sflag:s8] =	ssyncset.done @!p3 $0x0  }
0x61: {  	s23 =	sadd.s32 $0x10, s21;
	[sflag:s8] =	ssyncadd.s32 @!p3 $0xFFFFC000  }
0x62: {  	[tilespmem:s1], [sflag:$0x2] =	stream.linear.gather [hbm4b:s23+s3], $0x80, $0x38;
	[tilespmem:$0x1E300] =	vst v63  }
0x63: {  	s23 =	sadd.s32 $0x9C50, s21  }
0x64: {  	[tilespmem:s10], [sflag:$0x2] =	stream.linear.gather [hbm4b:s23+s3], $0x80, $0x38;
	[tilespmem:$0x1E300] =	vst v63  }
0x65: {  	_ =	swait.ge [sflag:s11], $0x80  }
0x66: {  	[sflag:s11] =	ssyncset.done $0x0  }
0x67: {  	[sflag:s11] =	ssyncadd.s32 $0xFFFFFF80  }
0x68: {  	_ =	swait.ge [sflag:s11], $0x80  }
0x69: {  	[sflag:s11] =	ssyncset.done $0x0  }
0x6a: {  	[sflag:s11] =	ssyncadd.s32 $0xFFFFFF80  }
0x6b: {  	v2 =	vld [tilespmem:$0x180];
	_ =	sdelay $0x7  }
0x6c: {  	[tilespmem:v2+s0+$0x0] =	vst.idx.add.f32.msk $0xffff, v1  }
0x6d: {  	v2 =	vld [tilespmem:$0x190];
	_ =	sdelay $0x7  }
0x6e: {  	[tilespmem:v2+s0+$0x0] =	vst.idx.add.f32.msk $0xffff, v1  }
0x6f: {  	v2 =	vld [tilespmem:$0x1A0];
	_ =	sdelay $0x7  }
0x70: {  	[tilespmem:v2+s0+$0x0] =	vst.idx.add.f32.msk $0xffff, v1  }
0x71: {  	v2 =	vld [tilespmem:$0x1B0];
	_ =	sdelay $0x7  }
0x72: {  	[tilespmem:v2+s0+$0x0] =	vst.idx.add.f32.msk $0xffff, v1  }
0x73: {  	v2 =	vld [tilespmem:$0x1C0];
	_ =	sdelay $0x7  }
0x74: {  	[tilespmem:v2+s0+$0x0] =	vst.idx.add.f32.msk $0xffff, v1  }
0x75: {  	v2 =	vld [tilespmem:$0x1D0];
	_ =	sdelay $0x7  }
0x76: {  	[tilespmem:v2+s0+$0x0] =	vst.idx.add.f32.msk $0xffff, v1  }
0x77: {  	v2 =	vld [tilespmem:$0x1E0];
	_ =	sdelay $0x7  }
0x78: {  	[tilespmem:v2+s0+$0x0] =	vst.idx.add.f32.msk $0xffff, v1  }
0x79: {  	v2 =	vld [tilespmem:$0x1F0];
	_ =	sdelay $0x7  }
0x7a: {  	[tilespmem:v2+s0+$0x0] =	vst.idx.add.f32.msk $0xffff, v1  }
0x7b: {  	[tilespmem:s12], [sflag:$0x4] =	stream.indirect.gather [hbm4b:s5+s1], $0x80, s1, s1, $0xb8;
	[tilespmem:$0x1E300] =	vst v63  }
0x7c: {  	_ =	swait.ge [sflag:s14], $0x4000  }
0x7d: {  	[sflag:s14] =	ssyncset.done $0x0  }
0x7e: {  	[sflag:s14] =	ssyncadd.s32 $0xFFFFC000  }
0x7f: {  	[spmem:s2] =	stream.indirect.scatter.add.f32 [tilespmem:s9], [sflag:$0x5], $0x80, s30, s1, $0xb8;
	[tilespmem:$0x1E300] =	vst v63  }
0x80: {  	p3 =	seq.s32 s18, $0x9A0;
	_ =	swait.ge [sflag:s6], $0x4000  }
0x81: {  	s8 =	sadd.s32 @!p3 s18, s20;
	[sflag:s6] =	ssyncset.done $0x0  }
0x82: {  	s21 =	sadd.s32 @!p3 $0x20, s8;
	s23 =	simm.s32 @!p3 $0x0;
	[sflag:s6] =	ssyncadd.s32 $0xFFFFC000  }
0x83: {  	[tilespmem:s23], [sflag:$0x1] =	stream.linear.gather @!p3 [hbm4b:s21+s23], $0x80, $0x38;
	[tilespmem:$0x1E300] =	vst v63  }
0x84: {  	s8 =	sadd.s32 @!p3 $0x9C60, s8;
	s21 =	simm.s32 @!p3 $0x100  }
0x85: {  	[tilespmem:s21], [sflag:$0x1] =	stream.linear.gather @!p3 [hbm4b:s8+s23], $0x80, $0x38;
	[tilespmem:$0x1E300] =	vst v63  }
0x86: {  	s8 =	simm.s32 @!p3 $0x1  }
0x87: {  	_ =	swait.ge @!p3 [sflag:s8], $0x80  }
0x88: {  	[sflag:s8] =	ssyncset.done @!p3 $0x0  }
0x89: {  	[sflag:s8] =	ssyncadd.s32 @!p3 $0xFFFFFF80  }
0x8a: {  	_ =	swait.ge @!p3 [sflag:s8], $0x80  }
0x8b: {  	[sflag:s8] =	ssyncset.done @!p3 $0x0  }
0x8c: {  	[sflag:s8] =	ssyncadd.s32 @!p3 $0xFFFFFF80  }
0x8d: {  	v2 =	vld @!p3 [tilespmem:$0x100];
	_ =	sdelay $0x6  }
0x8e: {  	v3 =	vimm.f32 @!p3 $1.000000000e+00;
	s8 =	simm.s32 @!p3 $0x8300  }
0x8f: {  	[tilespmem:v2+s8+$0x0] =	vst.idx.add.f32.msk @!p3 $0xffff, v3  }
0x90: {  	v2 =	vld @!p3 [tilespmem:$0x110];
	_ =	sdelay $0x7  }
0x91: {  	[tilespmem:v2+s8+$0x0] =	vst.idx.add.f32.msk @!p3 $0xffff, v3  }
0x92: {  	v2 =	vld @!p3 [tilespmem:$0x120];
	_ =	sdelay $0x7  }
0x93: {  	[tilespmem:v2+s8+$0x0] =	vst.idx.add.f32.msk @!p3 $0xffff, v3  }
0x94: {  	v2 =	vld @!p3 [tilespmem:$0x130];
	_ =	sdelay $0x7  }
0x95: {  	[tilespmem:v2+s8+$0x0] =	vst.idx.add.f32.msk @!p3 $0xffff, v3  }
0x96: {  	v2 =	vld @!p3 [tilespmem:$0x140];
	_ =	sdelay $0x7  }
0x97: {  	[tilespmem:v2+s8+$0x0] =	vst.idx.add.f32.msk @!p3 $0xffff, v3  }
0x98: {  	v2 =	vld @!p3 [tilespmem:$0x150];
	_ =	sdelay $0x7  }
0x99: {  	[tilespmem:v2+s8+$0x0] =	vst.idx.add.f32.msk @!p3 $0xffff, v3  }
0x9a: {  	v2 =	vld @!p3 [tilespmem:$0x160];
	_ =	sdelay $0x7  }
0x9b: {  	[tilespmem:v2+s8+$0x0] =	vst.idx.add.f32.msk @!p3 $0xffff, v3  }
0x9c: {  	v2 =	vld @!p3 [tilespmem:$0x170];
	_ =	sdelay $0x7  }
0x9d: {  	s18 =	sadd.s32 $0x20, s18;
	s21 =	simm.s32 @!p3 $0x200;
	[tilespmem:v2+s8+$0x0] =	vst.idx.add.f32.msk @!p3 $0xffff, v3;
	s8 =	simm.s32 @!p3 $0x80  }
0x9e: {  	[tilespmem:s21], [sflag:$0x3] =	stream.indirect.gather @!p3 [hbm4b:s5+s8], $0x80, s23, s8, $0xb8;
	[tilespmem:$0x1E300] =	vst v63  }
0x9f: {  	p3 =	sne.s32 s18, $0x9C0  }
.Ltmp4:
0xa0: {  	_ = 	snop;
	(pc) =	sbr.rel @p3 .LBB2_8-.Ltmp4, $4  }
0xa1: {  	_ =	swait.ge [sflag:s7], $0x4000  }
0xa2: {  	[sflag:s7] =	ssyncset.done $0x0  }
0xa3: {  	[sflag:s7] =	ssyncadd.s32 $0xFFFFC000  }
0xa4: {  	[spmem:s2] =	stream.indirect.scatter.add.f32 [tilespmem:s12], [sflag:$0x6], $0x80, s10, s1, $0xb8;
	[tilespmem:$0x1E300] =	vst v63  }
0xa5: {  	s8 =	rddreg [dreg:$0xf]  }
0xa6: {  	[tilespmem:s13], [sflag:$0x7] =	stream.linear.gather [hbm4b:s8+s3], $0x20, $0x38;
	[tilespmem:$0x1E300] =	vst v63  }
0xa7: {  	_ =	swait.ge [sflag:s29], $0x20  }
0xa8: {  	[sflag:s29] =	ssyncset.done $0x0  }
0xa9: {  	s21 =	rddreg [dreg:$0x10];
	[sflag:s29] =	ssyncadd.s32 $0xFFFFFFE0  }
0xaa: {  	[tilespmem:s16], [sflag:$0x7] =	stream.linear.gather [hbm4b:s21+s3], $0x20, $0x38;
	[tilespmem:$0x1E300] =	vst v63  }
0xab: {  	_ =	swait.ge [sflag:s29], $0x20  }
0xac: {  	[sflag:s29] =	ssyncset.done $0x0  }
0xad: {  	[sflag:s29] =	ssyncadd.s32 $0xFFFFFFE0  }
0xae: {  	v2 =	vld [tilespmem:$0x8280];
	_ =	sdelay $0x7  }
0xaf: {  	[tilespmem:v2+s0+$0x0] =	vst.idx.add.f32.msk $0xffff, v1  }
0xb0: {  	v2 =	vld [tilespmem:$0x8290];
	_ =	sdelay $0x7  }
0xb1: {  	[tilespmem:v2+s0+$0x0] =	vst.idx.add.f32.msk $0xffff, v1  }
0xb2: {  	[tilespmem:s9], [sflag:$0x3] =	stream.indirect.gather [hbm4b:s5+s17], $0x80, s13, s17, $0xb8;
	[tilespmem:$0x1E300] =	vst v63  }
0xb3: {  	_ =	swait.ge [sflag:s14], $0x1000  }
0xb4: {  	[sflag:s14] =	ssyncset.done $0x0  }
0xb5: {  	[sflag:s14] =	ssyncadd.s32 $0xFFFFF000  }
0xb6: {  	[spmem:s2] =	stream.indirect.scatter.add.f32 [tilespmem:s9], [sflag:$0x5], $0x80, s16, s17, $0xb8;
	[tilespmem:$0x1E300] =	vst v63  }
0xb7: {  	_ =	swait.ge [sflag:s6], $0x1000  }
0xb8: {  	[sflag:s6] =	ssyncset.done $0x0  }
0xb9: {  	[sflag:s6] =	ssyncadd.s32 $0xFFFFF000  }
0xba: {  	_ =	swait.ge [sflag:s15], $0x4000  }
0xbb: {  	[sflag:s15] =	ssyncset.done $0x0  }
0xbc: {  	[sflag:s15] =	ssyncadd.s32 $0xFFFFC000  }
0xbd: {  	[bflag:$0x0] =	sbarrier.arrive $0xFFFF  }
0xbe: {  	s23 =	rddreg [dreg:$0x14]  }
0xbf: {  	[hbm:s23], [sflag:s22] =	dma.local [spmem:s25], $0x2700  }
.Ltmp5:
0xc0: {  	_ = 	snop;
	(pc) =	sbr.rel @p1 .LBB2_11-.Ltmp5, $4  }
.Ltmp6:
0xc1: {  	_ = 	snop;
	(pc) =	sbr.rel @!p1 .LBB2_10-.Ltmp6, $4  }
0xc2: {  	_ =	swait.ge [sflag:s29], $0x2700  }
0xc3: {  	[sflag:s29] =	ssyncset.done $0x0;
	s25 =	rddreg [dreg:$0x5]  }
0xc4: {  	s18 =	rddreg [dreg:$0xd];
	[sflag:s29] =	ssyncadd.s32 $0xFFFFD900  }
0xc5: {  	_ = 	snop  }
.LBB2_4:
0xc6: {  	s8 =	rddreg [dreg:$0x7]  }
0xc7: {  	[tilespmem:s18], [sflag:$0x1] =	stream.linear.gather [hbm4b:s8+s18], $0x80, $0x38;
	[tilespmem:$0x1E300] =	vst v63  }
0xc8: {  	s23 =	rddreg [dreg:$0x8]  }
0xc9: {  	[tilespmem:s30], [sflag:$0x1] =	stream.linear.gather [hbm4b:s23+s18], $0x80, $0x38;
	[tilespmem:$0x1E300] =	vst v63  }
0xca: {  	_ =	swait.ge [sflag:s31], $0x80  }
0xcb: {  	[sflag:s31] =	ssyncset.done $0x0  }
0xcc: {  	[sflag:s31] =	ssyncadd.s32 $0xFFFFFF80  }
0xcd: {  	_ =	swait.ge [sflag:s31], $0x80  }
0xce: {  	[sflag:s31] =	ssyncset.done $0x0  }
0xcf: {  	[sflag:s31] =	ssyncadd.s32 $0xFFFFFF80  }
0xd0: {  	v2 =	vld [tilespmem:$0x100];
	_ =	sdelay $0x7  }
0xd1: {  	[tilespmem:v2+s0+$0x0] =	vst.idx.add.f32.msk $0xffff, v1  }
0xd2: {  	v2 =	vld [tilespmem:$0x110];
	_ =	sdelay $0x7  }
0xd3: {  	[tilespmem:v2+s0+$0x0] =	vst.idx.add.f32.msk $0xffff, v1  }
0xd4: {  	v2 =	vld [tilespmem:$0x120];
	_ =	sdelay $0x7  }
0xd5: {  	[tilespmem:v2+s0+$0x0] =	vst.idx.add.f32.msk $0xffff, v1  }
0xd6: {  	v2 =	vld [tilespmem:$0x130];
	_ =	sdelay $0x7  }
0xd7: {  	[tilespmem:v2+s0+$0x0] =	vst.idx.add.f32.msk $0xffff, v1  }
0xd8: {  	v2 =	vld [tilespmem:$0x140];
	_ =	sdelay $0x7  }
0xd9: {  	[tilespmem:v2+s0+$0x0] =	vst.idx.add.f32.msk $0xffff, v1  }
0xda: {  	v2 =	vld [tilespmem:$0x150];
	_ =	sdelay $0x7  }
0xdb: {  	[tilespmem:v2+s0+$0x0] =	vst.idx.add.f32.msk $0xffff, v1  }
0xdc: {  	v2 =	vld [tilespmem:$0x160];
	_ =	sdelay $0x7  }
0xdd: {  	[tilespmem:v2+s0+$0x0] =	vst.idx.add.f32.msk $0xffff, v1  }
0xde: {  	v2 =	vld [tilespmem:$0x170];
	_ =	sdelay $0x7  }
0xdf: {  	[tilespmem:v2+s0+$0x0] =	vst.idx.add.f32.msk $0xffff, v1  }
0xe0: {  	[tilespmem:s9], [sflag:$0x3] =	stream.indirect.gather [hbm4b:s4+s1], $0x80, s18, s1, $0xb8;
	[tilespmem:$0x1E300] =	vst v63  }
.LBB2_5:
0xe1: {  	p3 =	seq.s32 s18, $0x0  }
0xe2: {  	s8 =	simm.s32 @!p3 $0x6  }
0xe3: {  	_ =	swait.ge @!p3 [sflag:s8], $0x4000  }
0xe4: {  	s21 =	sadd.s32 s18, s19;
	[sflag:s8] =	ssyncset.done @!p3 $0x0  }
0xe5: {  	s23 =	sadd.s32 $0x10, s21;
	[sflag:s8] =	ssyncadd.s32 @!p3 $0xFFFFC000  }
0xe6: {  	[tilespmem:s1], [sflag:$0x2] =	stream.linear.gather [hbm4b:s23+s3], $0x80, $0x38;
	[tilespmem:$0x1E300] =	vst v63  }
0xe7: {  	s23 =	sadd.s32 $0x9C50, s21  }
0xe8: {  	[tilespmem:s10], [sflag:$0x2] =	stream.linear.gather [hbm4b:s23+s3], $0x80, $0x38;
	[tilespmem:$0x1E300] =	vst v63  }
0xe9: {  	_ =	swait.ge [sflag:s11], $0x80  }
0xea: {  	[sflag:s11] =	ssyncset.done $0x0  }
0xeb: {  	[sflag:s11] =	ssyncadd.s32 $0xFFFFFF80  }
0xec: {  	_ =	swait.ge [sflag:s11], $0x80  }
0xed: {  	[sflag:s11] =	ssyncset.done $0x0  }
0xee: {  	[sflag:s11] =	ssyncadd.s32 $0xFFFFFF80  }
0xef: {  	v2 =	vld [tilespmem:$0x180];
	_ =	sdelay $0x7  }
0xf0: {  	[tilespmem:v2+s0+$0x0] =	vst.idx.add.f32.msk $0xffff, v1  }
0xf1: {  	v2 =	vld [tilespmem:$0x190];
	_ =	sdelay $0x7  }
0xf2: {  	[tilespmem:v2+s0+$0x0] =	vst.idx.add.f32.msk $0xffff, v1  }
0xf3: {  	v2 =	vld [tilespmem:$0x1A0];
	_ =	sdelay $0x7  }
0xf4: {  	[tilespmem:v2+s0+$0x0] =	vst.idx.add.f32.msk $0xffff, v1  }
0xf5: {  	v2 =	vld [tilespmem:$0x1B0];
	_ =	sdelay $0x7  }
0xf6: {  	[tilespmem:v2+s0+$0x0] =	vst.idx.add.f32.msk $0xffff, v1  }
0xf7: {  	v2 =	vld [tilespmem:$0x1C0];
	_ =	sdelay $0x7  }
0xf8: {  	[tilespmem:v2+s0+$0x0] =	vst.idx.add.f32.msk $0xffff, v1  }
0xf9: {  	v2 =	vld [tilespmem:$0x1D0];
	_ =	sdelay $0x7  }
0xfa: {  	[tilespmem:v2+s0+$0x0] =	vst.idx.add.f32.msk $0xffff, v1  }
0xfb: {  	v2 =	vld [tilespmem:$0x1E0];
	_ =	sdelay $0x7  }
0xfc: {  	[tilespmem:v2+s0+$0x0] =	vst.idx.add.f32.msk $0xffff, v1  }
0xfd: {  	v2 =	vld [tilespmem:$0x1F0];
	_ =	sdelay $0x7  }
0xfe: {  	[tilespmem:v2+s0+$0x0] =	vst.idx.add.f32.msk $0xffff, v1  }
0xff: {  	[tilespmem:s12], [sflag:$0x4] =	stream.indirect.gather [hbm4b:s4+s1], $0x80, s1, s1, $0xb8;
	[tilespmem:$0x1E300] =	vst v63  }
0x100: {  	_ =	swait.ge [sflag:s14], $0x4000  }
0x101: {  	[sflag:s14] =	ssyncset.done $0x0  }
0x102: {  	[sflag:s14] =	ssyncadd.s32 $0xFFFFC000  }
0x103: {  	[spmem:s2] =	stream.indirect.scatter.add.f32 [tilespmem:s9], [sflag:$0x5], $0x80, s30, s1, $0xb8;
	[tilespmem:$0x1E300] =	vst v63  }
0x104: {  	p3 =	seq.s32 s18, $0x9A0;
	_ =	swait.ge [sflag:s6], $0x4000  }
0x105: {  	s8 =	sadd.s32 @!p3 s18, s19;
	[sflag:s6] =	ssyncset.done $0x0  }
0x106: {  	s21 =	sadd.s32 @!p3 $0x20, s8;
	s23 =	simm.s32 @!p3 $0x0;
	[sflag:s6] =	ssyncadd.s32 $0xFFFFC000  }
0x107: {  	[tilespmem:s23], [sflag:$0x1] =	stream.linear.gather @!p3 [hbm4b:s21+s23], $0x80, $0x38;
	[tilespmem:$0x1E300] =	vst v63  }
0x108: {  	s8 =	sadd.s32 @!p3 $0x9C60, s8;
	s21 =	simm.s32 @!p3 $0x100  }
0x109: {  	[tilespmem:s21], [sflag:$0x1] =	stream.linear.gather @!p3 [hbm4b:s8+s23], $0x80, $0x38;
	[tilespmem:$0x1E300] =	vst v63  }
0x10a: {  	s8 =	simm.s32 @!p3 $0x1  }
0x10b: {  	_ =	swait.ge @!p3 [sflag:s8], $0x80  }
0x10c: {  	[sflag:s8] =	ssyncset.done @!p3 $0x0  }
0x10d: {  	[sflag:s8] =	ssyncadd.s32 @!p3 $0xFFFFFF80  }
0x10e: {  	_ =	swait.ge @!p3 [sflag:s8], $0x80  }
0x10f: {  	[sflag:s8] =	ssyncset.done @!p3 $0x0  }
0x110: {  	[sflag:s8] =	ssyncadd.s32 @!p3 $0xFFFFFF80  }
0x111: {  	v2 =	vld @!p3 [tilespmem:$0x100];
	_ =	sdelay $0x6  }
0x112: {  	v3 =	vimm.f32 @!p3 $1.000000000e+00;
	s8 =	simm.s32 @!p3 $0x8300  }
0x113: {  	[tilespmem:v2+s8+$0x0] =	vst.idx.add.f32.msk @!p3 $0xffff, v3  }
0x114: {  	v2 =	vld @!p3 [tilespmem:$0x110];
	_ =	sdelay $0x7  }
0x115: {  	[tilespmem:v2+s8+$0x0] =	vst.idx.add.f32.msk @!p3 $0xffff, v3  }
0x116: {  	v2 =	vld @!p3 [tilespmem:$0x120];
	_ =	sdelay $0x7  }
0x117: {  	[tilespmem:v2+s8+$0x0] =	vst.idx.add.f32.msk @!p3 $0xffff, v3  }
0x118: {  	v2 =	vld @!p3 [tilespmem:$0x130];
	_ =	sdelay $0x7  }
0x119: {  	[tilespmem:v2+s8+$0x0] =	vst.idx.add.f32.msk @!p3 $0xffff, v3  }
0x11a: {  	v2 =	vld @!p3 [tilespmem:$0x140];
	_ =	sdelay $0x7  }
0x11b: {  	[tilespmem:v2+s8+$0x0] =	vst.idx.add.f32.msk @!p3 $0xffff, v3  }
0x11c: {  	v2 =	vld @!p3 [tilespmem:$0x150];
	_ =	sdelay $0x7  }
0x11d: {  	[tilespmem:v2+s8+$0x0] =	vst.idx.add.f32.msk @!p3 $0xffff, v3  }
0x11e: {  	v2 =	vld @!p3 [tilespmem:$0x160];
	_ =	sdelay $0x7  }
0x11f: {  	[tilespmem:v2+s8+$0x0] =	vst.idx.add.f32.msk @!p3 $0xffff, v3  }
0x120: {  	v2 =	vld @!p3 [tilespmem:$0x170];
	_ =	sdelay $0x7  }
0x121: {  	s18 =	sadd.s32 $0x20, s18;
	s21 =	simm.s32 @!p3 $0x200;
	[tilespmem:v2+s8+$0x0] =	vst.idx.add.f32.msk @!p3 $0xffff, v3;
	s8 =	simm.s32 @!p3 $0x80  }
0x122: {  	[tilespmem:s21], [sflag:$0x3] =	stream.indirect.gather @!p3 [hbm4b:s4+s8], $0x80, s23, s8, $0xb8;
	[tilespmem:$0x1E300] =	vst v63  }
0x123: {  	p3 =	sne.s32 s18, $0x9C0  }
.Ltmp7:
0x124: {  	_ = 	snop;
	(pc) =	sbr.rel @p3 .LBB2_5-.Ltmp7, $4  }
0x125: {  	_ =	swait.ge [sflag:s7], $0x4000  }
0x126: {  	[sflag:s7] =	ssyncset.done $0x0  }
0x127: {  	[sflag:s7] =	ssyncadd.s32 $0xFFFFC000  }
0x128: {  	[spmem:s2] =	stream.indirect.scatter.add.f32 [tilespmem:s12], [sflag:$0x6], $0x80, s10, s1, $0xb8;
	[tilespmem:$0x1E300] =	vst v63  }
0x129: {  	s8 =	rddreg [dreg:$0x9]  }
0x12a: {  	[tilespmem:s13], [sflag:$0x7] =	stream.linear.gather [hbm4b:s8+s3], $0x20, $0x38;
	[tilespmem:$0x1E300] =	vst v63  }
0x12b: {  	_ =	swait.ge [sflag:s29], $0x20  }
0x12c: {  	[sflag:s29] =	ssyncset.done $0x0  }
0x12d: {  	s21 =	rddreg [dreg:$0xa];
	[sflag:s29] =	ssyncadd.s32 $0xFFFFFFE0  }
0x12e: {  	[tilespmem:s16], [sflag:$0x7] =	stream.linear.gather [hbm4b:s21+s3], $0x20, $0x38;
	[tilespmem:$0x1E300] =	vst v63  }
0x12f: {  	_ =	swait.ge [sflag:s29], $0x20  }
0x130: {  	[sflag:s29] =	ssyncset.done $0x0  }
0x131: {  	[sflag:s29] =	ssyncadd.s32 $0xFFFFFFE0  }
0x132: {  	v2 =	vld [tilespmem:$0x8280];
	_ =	sdelay $0x7  }
0x133: {  	[tilespmem:v2+s0+$0x0] =	vst.idx.add.f32.msk $0xffff, v1  }
0x134: {  	v2 =	vld [tilespmem:$0x8290];
	_ =	sdelay $0x7  }
0x135: {  	[tilespmem:v2+s0+$0x0] =	vst.idx.add.f32.msk $0xffff, v1  }
0x136: {  	[tilespmem:s9], [sflag:$0x3] =	stream.indirect.gather [hbm4b:s4+s17], $0x80, s13, s17, $0xb8;
	[tilespmem:$0x1E300] =	vst v63  }
0x137: {  	_ =	swait.ge [sflag:s14], $0x1000  }
0x138: {  	[sflag:s14] =	ssyncset.done $0x0  }
0x139: {  	[sflag:s14] =	ssyncadd.s32 $0xFFFFF000  }
0x13a: {  	[spmem:s2] =	stream.indirect.scatter.add.f32 [tilespmem:s9], [sflag:$0x5], $0x80, s16, s17, $0xb8;
	[tilespmem:$0x1E300] =	vst v63  }
0x13b: {  	_ =	swait.ge [sflag:s6], $0x1000  }
0x13c: {  	[sflag:s6] =	ssyncset.done $0x0  }
0x13d: {  	[sflag:s6] =	ssyncadd.s32 $0xFFFFF000  }
0x13e: {  	_ =	swait.ge [sflag:s15], $0x4000  }
0x13f: {  	[sflag:s15] =	ssyncset.done $0x0  }
0x140: {  	[sflag:s15] =	ssyncadd.s32 $0xFFFFC000  }
0x141: {  	[bflag:$0x0] =	sbarrier.arrive $0xFFFF  }
0x142: {  	s23 =	rddreg [dreg:$0x13]  }
0x143: {  	[hbm:s23], [sflag:s22] =	dma.local [spmem:s25], $0x2700  }
.Ltmp8:
0x144: {  	_ = 	snop;
	(pc) =	sbr.rel @p2 .LBB2_10-.Ltmp8, $4  }
.Ltmp9:
0x145: {  	_ = 	snop;
	(pc) =	sbr.rel @!p2 .LBB2_11-.Ltmp9, $4  }
0x146: {  	_ =	swait.ge [sflag:s29], $0x2700  }
0x147: {  	[sflag:s29] =	ssyncset.done $0x0;
	s25 =	rddreg [dreg:$0x4]  }
0x148: {  	s18 =	rddreg [dreg:$0xb];
	[sflag:s29] =	ssyncadd.s32 $0xFFFFD900  }
0x149: {  	_ = 	snop  }
.LBB2_12:
0x14a: {  	_ =	sfence.sel $0x180000  }
0x14b: {  	[bflag:$0x0] =	sbarrier.arrive $0xFFFF  }
0x14c: {  	_ =	strace $0x90000047  }
0x14d: {  	s0 =	stileid.u32;
	[bflag:$0x2] =	sbarrier.arrive $0xFFFF  }
0x14e: {  	p0 =	sne.s32 s0, $0x0;
	s0 =	rddreg [dreg:$0x3]  }
0x14f: {  	s0 =	sadd.s32 @!p0 $0x100000, s0  }
0x150: {  	[sflag:s0] =	ssyncadd.tile.s32 @!p0 $0x1;
	_ =	shalt  }
.Lfunc_end2:
_tile_overlayer_lowered:
.L_overlay_start_2:
0x151: {  	(tag) =	ssettag $0x2  }
0x152: {  	s0 =	rddreg [dreg:$0x0];
	s2 =	stileid.u32  }
0x153: {  	s1 =	rddreg [dreg:$0x1];
	p0 =	sne.s32 s2, $0x0  }
0x154: {  	s3 =	rddreg [dreg:$0x2];
	[bflag:$0x3] =	sbarrier.arrive $0xFFFF;
	s2 =	simm.s32 @!p0 $0x1C07  }
0x155: {  	[timem:s3], [sflag:s2] =	dma.local @!p0 [hbm:s0], s1  }
0x156: {  	s0 =	simm.s32 @!p0 $0x7  }
0x157: {  	_ =	swait.ge @!p0 [sflag:s0], s1  }
0x158: {  	s1 =	ssub.s32 @!p0 $0x0, s1;
	[sflag:s0] =	ssyncset.done @!p0 $0x0  }
0x159: {  	[sflag:s0] =	ssyncadd.s32 @!p0 s1  }
0x15a: {  	[bflag:$0x3] =	sbarrier.arrive $0xFFFF  }
0x15b: {  	_ =	shalt  }

</sc_bundles>
